<compile_context>
chip_gen: v7x
topology: tpu7x:2x2x1
jax: 0.10.2.dev20260603
libtpu: 0.0.44.dev20260713+nightly
codegen_flags: <defaults>
</compile_context>

<pallas_src>
import functools

import jax
import jax.numpy as jnp
from jax import lax
from jax.experimental import pallas as pl
from jax.experimental.pallas import tpu as pltpu
from jax.experimental.pallas import tpu_sc as plsc

N_NODES = 10000
N_EDGES = 320000
NC = 2
NS = 16
NW = NC * NS
CHUNK = 125
EDGES_PER_TILE = N_EDGES // NW
CHUNKS_PER_TILE = EDGES_PER_TILE // CHUNK
ROWS_PER_TILE = N_NODES // NS
OUT_SLICE = 624
OUT_TAIL = N_NODES - NS * OUT_SLICE
DEG_W = 8
DEG_GROUP = 16
PAIRS = CHUNKS_PER_TILE // 2

ROW_BLK = 1000


def _sc_mesh():
    return plsc.VectorSubcoreMesh(core_axis_name="c", subcore_axis_name="s")


def _sc_deg(dst2d):

    @functools.partial(
        pl.kernel,
        out_type=jax.ShapeDtypeStruct((NC, N_NODES, DEG_W), jnp.float32),
        mesh=_sc_mesh(),
        compiler_params=pltpu.CompilerParams(use_tc_tiling_on_sc=False),
        scratch_types=[
            pltpu.VMEM((CHUNKS_PER_TILE, CHUNK), jnp.int32),
            pltpu.VMEM((CHUNK, DEG_W), jnp.float32),
            pltpu.VMEM_SHARED((N_NODES, DEG_W), jnp.float32),
            pltpu.SemaphoreType.DMA,
        ],
    )
    def k(dst_hbm, out_hbm, dst_v, ones_v, acc, sem):
        c = lax.axis_index("c")
        s = lax.axis_index("s")
        wid = c * NS + s
        base = s * ROWS_PER_TILE

        def zrow(i, _):
            ones_v[i, :] = jnp.zeros((DEG_W,), jnp.float32)
            return 0

        lax.fori_loop(0, CHUNK, zrow, 0)
        for q in range(ROWS_PER_TILE // CHUNK):
            pltpu.sync_copy(ones_v, acc.at[pl.ds(base + q * CHUNK, CHUNK)])

        pltpu.sync_copy(
            dst_hbm.at[pl.ds(wid * CHUNKS_PER_TILE, CHUNKS_PER_TILE)], dst_v)

        def orow(i, _):
            ones_v[i, :] = jnp.ones((DEG_W,), jnp.float32)
            return 0

        lax.fori_loop(0, CHUNK, orow, 0)
        plsc.subcore_barrier()

        def body(g, _):
            descs = [
                pltpu.async_copy(
                    ones_v, acc.at[dst_v.at[g * DEG_GROUP + u]], sem, add=True)
                for u in range(DEG_GROUP)
            ]
            for desc in descs:
                desc.wait()
            return 0

        lax.fori_loop(0, CHUNKS_PER_TILE // DEG_GROUP, body, 0)
        plsc.subcore_barrier()
        off = pl.multiple_of(s * OUT_SLICE, 8)
        pltpu.sync_copy(acc.at[pl.ds(off, OUT_SLICE)],
                        out_hbm.at[c, pl.ds(off, OUT_SLICE)])

        @pl.when(s == 0)
        def _tail():
            pltpu.sync_copy(acc.at[pl.ds(NS * OUT_SLICE, OUT_TAIL)],
                            out_hbm.at[c, pl.ds(NS * OUT_SLICE, OUT_TAIL)])

    return k(dst2d)


def _sc_agg(y, src2d, dst2d, feat):

    @functools.partial(
        pl.kernel,
        out_type=jax.ShapeDtypeStruct((NC, N_NODES, feat), jnp.float32),
        mesh=_sc_mesh(),
        compiler_params=pltpu.CompilerParams(use_tc_tiling_on_sc=False),
        scratch_types=[
            pltpu.VMEM((CHUNKS_PER_TILE, CHUNK), jnp.int32),
            pltpu.VMEM((CHUNKS_PER_TILE, CHUNK), jnp.int32),
            pltpu.VMEM((CHUNK, feat), jnp.float32),
            pltpu.VMEM((CHUNK, feat), jnp.float32),
            pltpu.VMEM_SHARED((N_NODES, feat), jnp.float32),
            pltpu.SemaphoreType.DMA,
            pltpu.SemaphoreType.DMA,
            pltpu.SemaphoreType.DMA,
            pltpu.SemaphoreType.DMA,
        ],
    )
    def k(y_hbm, src_hbm, dst_hbm, out_hbm,
          src_v, dst_v, rows0, rows1, acc, gsem0, gsem1, ssem0, ssem1):
        c = lax.axis_index("c")
        s = lax.axis_index("s")
        wid = c * NS + s
        base = s * ROWS_PER_TILE

        def zrow(i, _):
            for t in range(feat // 16):
                rows0[i, pl.ds(t * 16, 16)] = jnp.zeros((16,), jnp.float32)
            return 0

        lax.fori_loop(0, CHUNK, zrow, 0)
        for q in range(ROWS_PER_TILE // CHUNK):
            pltpu.sync_copy(rows0, acc.at[pl.ds(base + q * CHUNK, CHUNK)])

        pltpu.sync_copy(
            src_hbm.at[pl.ds(wid * CHUNKS_PER_TILE, CHUNKS_PER_TILE)], src_v)
        pltpu.sync_copy(
            dst_hbm.at[pl.ds(wid * CHUNKS_PER_TILE, CHUNKS_PER_TILE)], dst_v)
        plsc.subcore_barrier()

        pltpu.async_copy(y_hbm.at[src_v.at[0]], rows0, gsem0)
        pltpu.async_copy(y_hbm.at[src_v.at[1]], rows1, gsem1)

        def body(p, _):
            j0 = 2 * p
            j1 = j0 + 1
            pltpu.make_async_copy(y_hbm.at[src_v.at[j0]], rows0, gsem0).wait()
            s0 = pltpu.async_copy(rows0, acc.at[dst_v.at[j0]], ssem0, add=True)
            pltpu.make_async_copy(y_hbm.at[src_v.at[j1]], rows1, gsem1).wait()
            s1 = pltpu.async_copy(rows1, acc.at[dst_v.at[j1]], ssem1, add=True)
            s0.wait()
            pltpu.async_copy(y_hbm.at[src_v.at[j0 + 2]], rows0, gsem0)
            s1.wait()
            pltpu.async_copy(y_hbm.at[src_v.at[j1 + 2]], rows1, gsem1)
            return 0

        lax.fori_loop(0, PAIRS - 1, body, 0)
        jl0 = 2 * (PAIRS - 1)
        jl1 = jl0 + 1
        pltpu.make_async_copy(y_hbm.at[src_v.at[jl0]], rows0, gsem0).wait()
        sl0 = pltpu.async_copy(rows0, acc.at[dst_v.at[jl0]], ssem0, add=True)
        pltpu.make_async_copy(y_hbm.at[src_v.at[jl1]], rows1, gsem1).wait()
        sl1 = pltpu.async_copy(rows1, acc.at[dst_v.at[jl1]], ssem1, add=True)
        sl0.wait()
        sl1.wait()
        plsc.subcore_barrier()
        off = pl.multiple_of(s * OUT_SLICE, 8)
        pltpu.sync_copy(acc.at[pl.ds(off, OUT_SLICE)],
                        out_hbm.at[c, pl.ds(off, OUT_SLICE)])

        @pl.when(s == 0)
        def _tail():
            pltpu.sync_copy(acc.at[pl.ds(NS * OUT_SLICE, OUT_TAIL)],
                            out_hbm.at[c, pl.ds(NS * OUT_SLICE, OUT_TAIL)])

    return k(y, src2d, dst2d)


def _tc_stage1(x, W1, degp):
    n, d = x.shape
    h = W1.shape[1]

    def body(x_ref, w_ref, dp_ref, xw_ref, y_ref, dis_ref):
        dp = dp_ref[...]
        deg = dp[0, :, 0:1] + dp[1, :, 0:1] + 1.0
        dis = lax.rsqrt(deg)
        xw = jnp.dot(x_ref[...], w_ref[...],
                     preferred_element_type=jnp.float32)
        xw_ref[...] = xw
        y_ref[...] = xw * dis
        dis_ref[...] = dis

    return pl.pallas_call(
        body,
        grid=(n // ROW_BLK,),
        in_specs=[
            pl.BlockSpec((ROW_BLK, d), lambda i: (i, 0)),
            pl.BlockSpec((d, h), lambda i: (0, 0)),
            pl.BlockSpec((NC, ROW_BLK, DEG_W), lambda i: (0, i, 0)),
        ],
        out_specs=[
            pl.BlockSpec((ROW_BLK, h), lambda i: (i, 0)),
            pl.BlockSpec((ROW_BLK, h), lambda i: (i, 0)),
            pl.BlockSpec((ROW_BLK, 1), lambda i: (i, 0)),
        ],
        out_shape=[
            jax.ShapeDtypeStruct((n, h), jnp.float32),
            jax.ShapeDtypeStruct((n, h), jnp.float32),
            jax.ShapeDtypeStruct((n, 1), jnp.float32),
        ],
    )(x, W1, degp)


def _tc_stage2(aggp, xw1, dis, b1r, W2):
    n, hdim = xw1.shape
    edim = W2.shape[1]

    def body(a_ref, xw_ref, dis_ref, b_ref, w_ref, xw2_ref, y2_ref):
        a = a_ref[...]
        dis = dis_ref[...]
        hid = jnp.maximum(
            dis * (a[0] + a[1]) + dis * dis * xw_ref[...] + b_ref[...], 0.0)
        xw2 = jnp.dot(hid, w_ref[...], preferred_element_type=jnp.float32)
        xw2_ref[...] = xw2
        y2_ref[...] = xw2 * dis

    return pl.pallas_call(
        body,
        grid=(n // ROW_BLK,),
        in_specs=[
            pl.BlockSpec((NC, ROW_BLK, hdim), lambda i: (0, i, 0)),
            pl.BlockSpec((ROW_BLK, hdim), lambda i: (i, 0)),
            pl.BlockSpec((ROW_BLK, 1), lambda i: (i, 0)),
            pl.BlockSpec((1, hdim), lambda i: (0, 0)),
            pl.BlockSpec((hdim, edim), lambda i: (0, 0)),
        ],
        out_specs=[
            pl.BlockSpec((ROW_BLK, edim), lambda i: (i, 0)),
            pl.BlockSpec((ROW_BLK, edim), lambda i: (i, 0)),
        ],
        out_shape=[
            jax.ShapeDtypeStruct((n, edim), jnp.float32),
            jax.ShapeDtypeStruct((n, edim), jnp.float32),
        ],
    )(aggp, xw1, dis, b1r, W2)


def _tc_stage3(aggp, xw2, dis, b2r):
    n, edim = xw2.shape

    def body(a_ref, xw_ref, dis_ref, b_ref, out_ref):
        a = a_ref[...]
        dis = dis_ref[...]
        out_ref[...] = (dis * (a[0] + a[1])
                        + dis * dis * xw_ref[...] + b_ref[...])

    return pl.pallas_call(
        body,
        grid=(n // ROW_BLK,),
        in_specs=[
            pl.BlockSpec((NC, ROW_BLK, edim), lambda i: (0, i, 0)),
            pl.BlockSpec((ROW_BLK, edim), lambda i: (i, 0)),
            pl.BlockSpec((ROW_BLK, 1), lambda i: (i, 0)),
            pl.BlockSpec((1, edim), lambda i: (0, 0)),
        ],
        out_specs=pl.BlockSpec((ROW_BLK, edim), lambda i: (i, 0)),
        out_shape=jax.ShapeDtypeStruct((n, edim), jnp.float32),
    )(aggp, xw2, dis, b2r)


def kernel(x, edge_index, W1, b1, W2, b2):
    ei = edge_index.astype(jnp.int32)
    src2d = ei[0].reshape(NW * CHUNKS_PER_TILE, CHUNK)
    dst2d = ei[1].reshape(NW * CHUNKS_PER_TILE, CHUNK)

    degp = _sc_deg(dst2d)
    xw1, y1, dis = _tc_stage1(x, W1, degp)
    agg1p = _sc_agg(y1, src2d, dst2d, W1.shape[1])
    xw2, y2 = _tc_stage2(agg1p, xw1, dis, b1.reshape(1, -1), W2)
    agg2p = _sc_agg(y2, src2d, dst2d, W2.shape[1])
    return _tc_stage3(agg2p, xw2, dis, b2.reshape(1, -1))

# --- scband reference (transcript-rebuilt; emitter-appended) ---
"""Pipeline reference for scband-gnnmodel-83107617177903 (READ-ONLY COPY).

The authoritative reference and input builder live on the scoring server;
editing this copy changes nothing except your own understanding.
"""

import jax, jax.numpy as jnp
import numpy as np

HIDDEN = 64
EMB = 32

def gcn_conv(x, edge_index, W, b):
    n = x.shape[0]
    src = edge_index[0]
    dst = edge_index[1]
    # add self-loops (PyG GCNConv default)
    loop = jnp.arange(n, dtype=src.dtype)
    src = jnp.concatenate([src, loop])
    dst = jnp.concatenate([dst, loop])
    # symmetric normalization: deg computed on destination with unit edge weights
    deg = jnp.zeros((n,), dtype=x.dtype).at[dst].add(1.0)
    deg_inv_sqrt = jnp.where(deg > 0, deg ** -0.5, 0.0)
    norm = deg_inv_sqrt[src] * deg_inv_sqrt[dst]
    xw = x @ W
    msgs = xw[src] * norm[:, None]
    out = jnp.zeros((n, W.shape[1]), dtype=x.dtype).at[dst].add(msgs)
    return out + b

def setup_inputs(seed: int = 0) -> dict:
    key = jax.random.key(seed)
    k1, k2, k3, k4, k5, k6 = jax.random.split(key, 6)
    n_nodes, d_feat, n_edges = 10000, 128, 320000
    x = jax.random.normal(k1, (n_nodes, d_feat), dtype=jnp.float32)
    edge_index = jax.random.randint(k2, (2, n_edges), 0, n_nodes, dtype=jnp.int64)
    # glorot-style init for GCN linear weights
    W1 = jax.random.normal(k3, (d_feat, HIDDEN), dtype=jnp.float32) * (1.0 / np.sqrt(d_feat))
    b1 = jnp.zeros((HIDDEN,), dtype=jnp.float32)
    W2 = jax.random.normal(k4, (HIDDEN, EMB), dtype=jnp.float32) * (1.0 / np.sqrt(HIDDEN))
    b2 = jnp.zeros((EMB,), dtype=jnp.float32)
    return {"x": x, "edge_index": edge_index, "W1": W1, "b1": b1, "W2": W2, "b2": b2}

def reference(x, edge_index, W1, b1, W2, b2):
    h = jax.nn.relu(gcn_conv(x, edge_index, W1, b1))
    out = gcn_conv(h, edge_index, W2, b2)
    return out

if __name__ == "__main__":
    import jax
    _d = setup_inputs()
    print(jax.jit(kernel)(*tuple(_d.values())))

</pallas_src>

<mosaic_0001>
#map = affine_map<(d0, d1) -> (0, 0)>
#map1 = affine_map<(d0, d1) -> (0, 0, 0)>
module attributes {stable_mosaic.version = 14 : i64} {
  func.func @k(%arg0: i32, %arg1: i32, %arg2: memref<10000x64xf32, #tpu.memory_space<hbm>>, %arg3: memref<2560x125xi32, #tpu.memory_space<hbm>>, %arg4: memref<2560x125xi32, #tpu.memory_space<hbm>>, %arg5: memref<2x10000x64xf32, #tpu.memory_space<hbm>>, %arg6: memref<80x125xi32, #tpu.memory_space<vmem>>, %arg7: memref<80x125xi32, #tpu.memory_space<vmem>>, %arg8: memref<125x64xf32, #tpu.memory_space<vmem>>, %arg9: memref<125x64xf32, #tpu.memory_space<vmem>>, %arg10: memref<10000x64xf32, #tpu.memory_space<vmem_shared>>, %arg11: memref<!tpu.dma_semaphore, #tpu.memory_space<semaphore_mem>>, %arg12: memref<!tpu.dma_semaphore, #tpu.memory_space<semaphore_mem>>, %arg13: memref<!tpu.dma_semaphore, #tpu.memory_space<semaphore_mem>>, %arg14: memref<!tpu.dma_semaphore, #tpu.memory_space<semaphore_mem>>) attributes {dimension_semantics = [#tpu.dimension_semantics<core_parallel>, #tpu.dimension_semantics<subcore_parallel>], iteration_bounds = array<i64: 2, 16>, scalar_prefetch = 0 : i64, scratch_operands = 9 : i64, tpu.core_type = #tpu.core_type<sc_vector_subcore>, window_params = [{transform_indices = #map}, {transform_indices = #map}, {transform_indices = #map}, {transform_indices = #map1}]} {
    %mul3A = arith.constant 16 : i32
    %mul3A_0 = arith.muli %arg0, %mul3A : i32
    %add3A = arith.addi %mul3A_0, %arg1 : i32
    %mul3A_1 = arith.constant 625 : i32
    %mul3A_2 = arith.muli %arg1, %mul3A_1 : i32
    %scan3A = arith.constant 0 : i32
    %scan3A_3 = arith.constant 0 : i32
    %scan3A_4 = arith.constant 125 : i32
    %scan3A_5 = arith.addi %scan3A_3, %scan3A_4 : i32
    %scan3A_6 = arith.constant 1 : i32
    %scan3A_7 = scf.for %scan3A_89 = %scan3A_3 to %scan3A_5 step %scan3A_6 iter_args(%scan3A_90 = %scan3A) -> (i32)  : i32 {
      %broadcast_in_dim3A = arith.constant 0.000000e+00 : f32
      %broadcast_in_dim3A_91 = vector.broadcast %broadcast_in_dim3A : f32 to vector<16xf32>
      %swap3A = arith.index_cast %scan3A_89 : i32 to index
      %swap3A_92 = arith.constant 0 : index
      %swap3A_93 = tpu.vector_load %arg8[%swap3A, %swap3A_92] {strides = array<i32>} : memref<125x64xf32, #tpu.memory_space<vmem>>, vector<1x16xf32>,
      %swap3A_94 = vector.shape_cast %swap3A_93 : vector<1x16xf32> to vector<16xf32>
      %swap3A_95 = vector.shape_cast %broadcast_in_dim3A_91 : vector<16xf32> to vector<1x16xf32>
      tpu.vector_store %arg8[%swap3A, %swap3A_92], %swap3A_95 {strides = array<i32>} : memref<125x64xf32, #tpu.memory_space<vmem>>, vector<1x16xf32>,
      %broadcast_in_dim3A_96 = arith.constant 0.000000e+00 : f32
      %broadcast_in_dim3A_97 = vector.broadcast %broadcast_in_dim3A_96 : f32 to vector<16xf32>
      %swap3A_98 = arith.index_cast %scan3A_89 : i32 to index
      %swap3A_99 = arith.constant 16 : index
      %swap3A_100 = tpu.vector_load %arg8[%swap3A_98, %swap3A_99] {strides = array<i32>} : memref<125x64xf32, #tpu.memory_space<vmem>>, vector<1x16xf32>,
      %swap3A_101 = vector.shape_cast %swap3A_100 : vector<1x16xf32> to vector<16xf32>
      %swap3A_102 = vector.shape_cast %broadcast_in_dim3A_97 : vector<16xf32> to vector<1x16xf32>
      tpu.vector_store %arg8[%swap3A_98, %swap3A_99], %swap3A_102 {strides = array<i32>} : memref<125x64xf32, #tpu.memory_space<vmem>>, vector<1x16xf32>,
      %broadcast_in_dim3A_103 = arith.constant 0.000000e+00 : f32
      %broadcast_in_dim3A_104 = vector.broadcast %broadcast_in_dim3A_103 : f32 to vector<16xf32>
      %swap3A_105 = arith.index_cast %scan3A_89 : i32 to index
      %swap3A_106 = arith.constant 32 : index
      %swap3A_107 = tpu.vector_load %arg8[%swap3A_105, %swap3A_106] {strides = array<i32>} : memref<125x64xf32, #tpu.memory_space<vmem>>, vector<1x16xf32>,
      %swap3A_108 = vector.shape_cast %swap3A_107 : vector<1x16xf32> to vector<16xf32>
      %swap3A_109 = vector.shape_cast %broadcast_in_dim3A_104 : vector<16xf32> to vector<1x16xf32>
      tpu.vector_store %arg8[%swap3A_105, %swap3A_106], %swap3A_109 {strides = array<i32>} : memref<125x64xf32, #tpu.memory_space<vmem>>, vector<1x16xf32>,
      %broadcast_in_dim3A_110 = arith.constant 0.000000e+00 : f32
      %broadcast_in_dim3A_111 = vector.broadcast %broadcast_in_dim3A_110 : f32 to vector<16xf32>
      %swap3A_112 = arith.index_cast %scan3A_89 : i32 to index
      %swap3A_113 = arith.constant 48 : index
      %swap3A_114 = tpu.vector_load %arg8[%swap3A_112, %swap3A_113] {strides = array<i32>} : memref<125x64xf32, #tpu.memory_space<vmem>>, vector<1x16xf32>,
      %swap3A_115 = vector.shape_cast %swap3A_114 : vector<1x16xf32> to vector<16xf32>
      %swap3A_116 = vector.shape_cast %broadcast_in_dim3A_111 : vector<16xf32> to vector<1x16xf32>
      tpu.vector_store %arg8[%swap3A_112, %swap3A_113], %swap3A_116 {strides = array<i32>} : memref<125x64xf32, #tpu.memory_space<vmem>>, vector<1x16xf32>,
      %scan3A_117 = arith.constant 0 : i32
      scf.yield %scan3A_117 : i32
    }
    %scan3A_8 = arith.constant 125 : i32
    %add3A_9 = arith.constant 0 : i32
    %add3A_10 = arith.addi %mul3A_2, %add3A_9 : i32
    "tpu.region"() ({
      %run_scoped3A = tpu.sem_alloc : memref<!tpu.dma_semaphore, #tpu.memory_space<semaphore_mem>>
      %dma_start3A_89 = arith.constant 0 : i32
      %dma_start3A_90 = tpu.memref_slice %arg10[%add3A_10, %dma_start3A_89] : memref<10000x64xf32, #tpu.memory_space<vmem_shared>> -> memref<125x64xf32, #tpu.memory_space<vmem_shared>>
      %dma_start3A_91 = arith.constant 0 : i32
      %dma_start3A_92 = tpu.memref_slice %arg10[%add3A_10, %dma_start3A_91] : memref<10000x64xf32, #tpu.memory_space<vmem_shared>> -> memref<125x64xf32, #tpu.memory_space<vmem_shared>>
      tpu.enqueue_dma source(%arg8 : memref<125x64xf32, #tpu.memory_space<vmem>>) target(%dma_start3A_92 : memref<125x64xf32, #tpu.memory_space<vmem_shared>>) target_semaphore(%run_scoped3A : memref<!tpu.dma_semaphore, #tpu.memory_space<semaphore_mem>>)
      %dma_wait3A_93 = arith.constant 0 : i32
      %dma_wait3A_94 = tpu.memref_slice %arg10[%add3A_10, %dma_wait3A_93] : memref<10000x64xf32, #tpu.memory_space<vmem_shared>> -> memref<125x64xf32, #tpu.memory_space<vmem_shared>>
      %dma_wait3A_95 = arith.constant 0 : i32
      %dma_wait3A_96 = tpu.memref_slice %arg10[%add3A_10, %dma_wait3A_95] : memref<10000x64xf32, #tpu.memory_space<vmem_shared>> -> memref<125x64xf32, #tpu.memory_space<vmem_shared>>
      tpu.wait_dma2 semaphore(%run_scoped3A : memref<!tpu.dma_semaphore, #tpu.memory_space<semaphore_mem>>) src(%arg8 : memref<125x64xf32, #tpu.memory_space<vmem>>) dst(%dma_wait3A_96 : memref<125x64xf32, #tpu.memory_space<vmem_shared>>)
      tpu.yield
    }) : () -> ()
    %add3A_11 = arith.constant 125 : i32
    %add3A_12 = arith.addi %mul3A_2, %add3A_11 : i32
    "tpu.region"() ({
      %run_scoped3A = tpu.sem_alloc : memref<!tpu.dma_semaphore, #tpu.memory_space<semaphore_mem>>
      %dma_start3A_89 = arith.constant 0 : i32
      %dma_start3A_90 = tpu.memref_slice %arg10[%add3A_12, %dma_start3A_89] : memref<10000x64xf32, #tpu.memory_space<vmem_shared>> -> memref<125x64xf32, #tpu.memory_space<vmem_shared>>
      %dma_start3A_91 = arith.constant 0 : i32
      %dma_start3A_92 = tpu.memref_slice %arg10[%add3A_12, %dma_start3A_91] : memref<10000x64xf32, #tpu.memory_space<vmem_shared>> -> memref<125x64xf32, #tpu.memory_space<vmem_shared>>
      tpu.enqueue_dma source(%arg8 : memref<125x64xf32, #tpu.memory_space<vmem>>) target(%dma_start3A_92 : memref<125x64xf32, #tpu.memory_space<vmem_shared>>) target_semaphore(%run_scoped3A : memref<!tpu.dma_semaphore, #tpu.memory_space<semaphore_mem>>)
      %dma_wait3A_93 = arith.constant 0 : i32
      %dma_wait3A_94 = tpu.memref_slice %arg10[%add3A_12, %dma_wait3A_93] : memref<10000x64xf32, #tpu.memory_space<vmem_shared>> -> memref<125x64xf32, #tpu.memory_space<vmem_shared>>
      %dma_wait3A_95 = arith.constant 0 : i32
      %dma_wait3A_96 = tpu.memref_slice %arg10[%add3A_12, %dma_wait3A_95] : memref<10000x64xf32, #tpu.memory_space<vmem_shared>> -> memref<125x64xf32, #tpu.memory_space<vmem_shared>>
      tpu.wait_dma2 semaphore(%run_scoped3A : memref<!tpu.dma_semaphore, #tpu.memory_space<semaphore_mem>>) src(%arg8 : memref<125x64xf32, #tpu.memory_space<vmem>>) dst(%dma_wait3A_96 : memref<125x64xf32, #tpu.memory_space<vmem_shared>>)
      tpu.yield
    }) : () -> ()
    %add3A_13 = arith.constant 250 : i32
    %add3A_14 = arith.addi %mul3A_2, %add3A_13 : i32
    "tpu.region"() ({
      %run_scoped3A = tpu.sem_alloc : memref<!tpu.dma_semaphore, #tpu.memory_space<semaphore_mem>>
      %dma_start3A_89 = arith.constant 0 : i32
      %dma_start3A_90 = tpu.memref_slice %arg10[%add3A_14, %dma_start3A_89] : memref<10000x64xf32, #tpu.memory_space<vmem_shared>> -> memref<125x64xf32, #tpu.memory_space<vmem_shared>>
      %dma_start3A_91 = arith.constant 0 : i32
      %dma_start3A_92 = tpu.memref_slice %arg10[%add3A_14, %dma_start3A_91] : memref<10000x64xf32, #tpu.memory_space<vmem_shared>> -> memref<125x64xf32, #tpu.memory_space<vmem_shared>>
      tpu.enqueue_dma source(%arg8 : memref<125x64xf32, #tpu.memory_space<vmem>>) target(%dma_start3A_92 : memref<125x64xf32, #tpu.memory_space<vmem_shared>>) target_semaphore(%run_scoped3A : memref<!tpu.dma_semaphore, #tpu.memory_space<semaphore_mem>>)
      %dma_wait3A_93 = arith.constant 0 : i32
      %dma_wait3A_94 = tpu.memref_slice %arg10[%add3A_14, %dma_wait3A_93] : memref<10000x64xf32, #tpu.memory_space<vmem_shared>> -> memref<125x64xf32, #tpu.memory_space<vmem_shared>>
      %dma_wait3A_95 = arith.constant 0 : i32
      %dma_wait3A_96 = tpu.memref_slice %arg10[%add3A_14, %dma_wait3A_95] : memref<10000x64xf32, #tpu.memory_space<vmem_shared>> -> memref<125x64xf32, #tpu.memory_space<vmem_shared>>
      tpu.wait_dma2 semaphore(%run_scoped3A : memref<!tpu.dma_semaphore, #tpu.memory_space<semaphore_mem>>) src(%arg8 : memref<125x64xf32, #tpu.memory_space<vmem>>) dst(%dma_wait3A_96 : memref<125x64xf32, #tpu.memory_space<vmem_shared>>)
      tpu.yield
    }) : () -> ()
    %add3A_15 = arith.constant 375 : i32
    %add3A_16 = arith.addi %mul3A_2, %add3A_15 : i32
    "tpu.region"() ({
      %run_scoped3A = tpu.sem_alloc : memref<!tpu.dma_semaphore, #tpu.memory_space<semaphore_mem>>
      %dma_start3A_89 = arith.constant 0 : i32
      %dma_start3A_90 = tpu.memref_slice %arg10[%add3A_16, %dma_start3A_89] : memref<10000x64xf32, #tpu.memory_space<vmem_shared>> -> memref<125x64xf32, #tpu.memory_space<vmem_shared>>
      %dma_start3A_91 = arith.constant 0 : i32
      %dma_start3A_92 = tpu.memref_slice %arg10[%add3A_16, %dma_start3A_91] : memref<10000x64xf32, #tpu.memory_space<vmem_shared>> -> memref<125x64xf32, #tpu.memory_space<vmem_shared>>
      tpu.enqueue_dma source(%arg8 : memref<125x64xf32, #tpu.memory_space<vmem>>) target(%dma_start3A_92 : memref<125x64xf32, #tpu.memory_space<vmem_shared>>) target_semaphore(%run_scoped3A : memref<!tpu.dma_semaphore, #tpu.memory_space<semaphore_mem>>)
      %dma_wait3A_93 = arith.constant 0 : i32
      %dma_wait3A_94 = tpu.memref_slice %arg10[%add3A_16, %dma_wait3A_93] : memref<10000x64xf32, #tpu.memory_space<vmem_shared>> -> memref<125x64xf32, #tpu.memory_space<vmem_shared>>
      %dma_wait3A_95 = arith.constant 0 : i32
      %dma_wait3A_96 = tpu.memref_slice %arg10[%add3A_16, %dma_wait3A_95] : memref<10000x64xf32, #tpu.memory_space<vmem_shared>> -> memref<125x64xf32, #tpu.memory_space<vmem_shared>>
      tpu.wait_dma2 semaphore(%run_scoped3A : memref<!tpu.dma_semaphore, #tpu.memory_space<semaphore_mem>>) src(%arg8 : memref<125x64xf32, #tpu.memory_space<vmem>>) dst(%dma_wait3A_96 : memref<125x64xf32, #tpu.memory_space<vmem_shared>>)
      tpu.yield
    }) : () -> ()
    %add3A_17 = arith.constant 500 : i32
    %add3A_18 = arith.addi %mul3A_2, %add3A_17 : i32
    "tpu.region"() ({
      %run_scoped3A = tpu.sem_alloc : memref<!tpu.dma_semaphore, #tpu.memory_space<semaphore_mem>>
      %dma_start3A_89 = arith.constant 0 : i32
      %dma_start3A_90 = tpu.memref_slice %arg10[%add3A_18, %dma_start3A_89] : memref<10000x64xf32, #tpu.memory_space<vmem_shared>> -> memref<125x64xf32, #tpu.memory_space<vmem_shared>>
      %dma_start3A_91 = arith.constant 0 : i32
      %dma_start3A_92 = tpu.memref_slice %arg10[%add3A_18, %dma_start3A_91] : memref<10000x64xf32, #tpu.memory_space<vmem_shared>> -> memref<125x64xf32, #tpu.memory_space<vmem_shared>>
      tpu.enqueue_dma source(%arg8 : memref<125x64xf32, #tpu.memory_space<vmem>>) target(%dma_start3A_92 : memref<125x64xf32, #tpu.memory_space<vmem_shared>>) target_semaphore(%run_scoped3A : memref<!tpu.dma_semaphore, #tpu.memory_space<semaphore_mem>>)
      %dma_wait3A_93 = arith.constant 0 : i32
      %dma_wait3A_94 = tpu.memref_slice %arg10[%add3A_18, %dma_wait3A_93] : memref<10000x64xf32, #tpu.memory_space<vmem_shared>> -> memref<125x64xf32, #tpu.memory_space<vmem_shared>>
      %dma_wait3A_95 = arith.constant 0 : i32
      %dma_wait3A_96 = tpu.memref_slice %arg10[%add3A_18, %dma_wait3A_95] : memref<10000x64xf32, #tpu.memory_space<vmem_shared>> -> memref<125x64xf32, #tpu.memory_space<vmem_shared>>
      tpu.wait_dma2 semaphore(%run_scoped3A : memref<!tpu.dma_semaphore, #tpu.memory_space<semaphore_mem>>) src(%arg8 : memref<125x64xf32, #tpu.memory_space<vmem>>) dst(%dma_wait3A_96 : memref<125x64xf32, #tpu.memory_space<vmem_shared>>)
      tpu.yield
    }) : () -> ()
    %mul3A_19 = arith.constant 80 : i32
    %mul3A_20 = arith.muli %add3A, %mul3A_19 : i32
    "tpu.region"() ({
      %run_scoped3A = tpu.sem_alloc : memref<!tpu.dma_semaphore, #tpu.memory_space<semaphore_mem>>
      %dma_start3A_89 = arith.constant 0 : i32
      %dma_start3A_90 = tpu.memref_slice %arg3[%mul3A_20, %dma_start3A_89] : memref<2560x125xi32, #tpu.memory_space<hbm>> -> memref<80x125xi32, #tpu.memory_space<hbm>>
      %dma_start3A_91 = arith.constant 0 : i32
      %dma_start3A_92 = tpu.memref_slice %arg3[%mul3A_20, %dma_start3A_91] : memref<2560x125xi32, #tpu.memory_space<hbm>> -> memref<80x125xi32, #tpu.memory_space<hbm>>
      tpu.enqueue_dma source(%dma_start3A_92 : memref<80x125xi32, #tpu.memory_space<hbm>>) target(%arg6 : memref<80x125xi32, #tpu.memory_space<vmem>>) target_semaphore(%run_scoped3A : memref<!tpu.dma_semaphore, #tpu.memory_space<semaphore_mem>>)
      %dma_wait3A_93 = arith.constant 0 : i32
      %dma_wait3A_94 = tpu.memref_slice %arg3[%mul3A_20, %dma_wait3A_93] : memref<2560x125xi32, #tpu.memory_space<hbm>> -> memref<80x125xi32, #tpu.memory_space<hbm>>
      %dma_wait3A_95 = arith.constant 0 : i32
      %dma_wait3A_96 = tpu.memref_slice %arg3[%mul3A_20, %dma_wait3A_95] : memref<2560x125xi32, #tpu.memory_space<hbm>> -> memref<80x125xi32, #tpu.memory_space<hbm>>
      tpu.wait_dma2 semaphore(%run_scoped3A : memref<!tpu.dma_semaphore, #tpu.memory_space<semaphore_mem>>) src(%dma_wait3A_96 : memref<80x125xi32, #tpu.memory_space<hbm>>) dst(%arg6 : memref<80x125xi32, #tpu.memory_space<vmem>>)
      tpu.yield
    }) : () -> ()
    %mul3A_21 = arith.constant 80 : i32
    %mul3A_22 = arith.muli %add3A, %mul3A_21 : i32
    "tpu.region"() ({
      %run_scoped3A = tpu.sem_alloc : memref<!tpu.dma_semaphore, #tpu.memory_space<semaphore_mem>>
      %dma_start3A_89 = arith.constant 0 : i32
      %dma_start3A_90 = tpu.memref_slice %arg4[%mul3A_22, %dma_start3A_89] : memref<2560x125xi32, #tpu.memory_space<hbm>> -> memref<80x125xi32, #tpu.memory_space<hbm>>
      %dma_start3A_91 = arith.constant 0 : i32
      %dma_start3A_92 = tpu.memref_slice %arg4[%mul3A_22, %dma_start3A_91] : memref<2560x125xi32, #tpu.memory_space<hbm>> -> memref<80x125xi32, #tpu.memory_space<hbm>>
      tpu.enqueue_dma source(%dma_start3A_92 : memref<80x125xi32, #tpu.memory_space<hbm>>) target(%arg7 : memref<80x125xi32, #tpu.memory_space<vmem>>) target_semaphore(%run_scoped3A : memref<!tpu.dma_semaphore, #tpu.memory_space<semaphore_mem>>)
      %dma_wait3A_93 = arith.constant 0 : i32
      %dma_wait3A_94 = tpu.memref_slice %arg4[%mul3A_22, %dma_wait3A_93] : memref<2560x125xi32, #tpu.memory_space<hbm>> -> memref<80x125xi32, #tpu.memory_space<hbm>>
      %dma_wait3A_95 = arith.constant 0 : i32
      %dma_wait3A_96 = tpu.memref_slice %arg4[%mul3A_22, %dma_wait3A_95] : memref<2560x125xi32, #tpu.memory_space<hbm>> -> memref<80x125xi32, #tpu.memory_space<hbm>>
      tpu.wait_dma2 semaphore(%run_scoped3A : memref<!tpu.dma_semaphore, #tpu.memory_space<semaphore_mem>>) src(%dma_wait3A_96 : memref<80x125xi32, #tpu.memory_space<hbm>>) dst(%arg7 : memref<80x125xi32, #tpu.memory_space<vmem>>)
      tpu.yield
    }) : () -> ()
    %barrier3A = arith.constant 0 : index
    tpu.barrier barrier_id(%barrier3A)
    %dma_start3A = arith.constant 0 : i32
    %dma_start3A_23 = arith.constant 0 : i32
    %dma_start3A_24 = tpu.memref_slice %arg6[%dma_start3A, %dma_start3A_23] : memref<80x125xi32, #tpu.memory_space<vmem>> -> memref<1x125xi32, #tpu.memory_space<vmem>>
    %dma_start3A_25 = tpu.memref_squeeze %dma_start3A_24 : memref<1x125xi32, #tpu.memory_space<vmem>> -> memref<125xi32, #tpu.memory_space<vmem>>
    %dma_start3A_26 = arith.constant 0 : i32
    %dma_start3A_27 = arith.constant 0 : i32
    %dma_start3A_28 = tpu.memref_slice %arg2[%dma_start3A_26, %dma_start3A_27] : memref<10000x64xf32, #tpu.memory_space<hbm>> -> memref<10000x64xf32, #tpu.memory_space<hbm>>
    tpu.enqueue_indirect_dma source(%dma_start3A_28 : memref<10000x64xf32, #tpu.memory_space<hbm>>) target(%arg8 : memref<125x64xf32, #tpu.memory_space<vmem>>) offsets(%dma_start3A_25 : memref<125xi32, #tpu.memory_space<vmem>>) semaphore(%arg11 : memref<!tpu.dma_semaphore, #tpu.memory_space<semaphore_mem>>)
    %dma_start3A_29 = arith.constant 1 : i32
    %dma_start3A_30 = arith.constant 0 : i32
    %dma_start3A_31 = tpu.memref_slice %arg6[%dma_start3A_29, %dma_start3A_30] : memref<80x125xi32, #tpu.memory_space<vmem>> -> memref<1x125xi32, #tpu.memory_space<vmem>>
    %dma_start3A_32 = tpu.memref_squeeze %dma_start3A_31 : memref<1x125xi32, #tpu.memory_space<vmem>> -> memref<125xi32, #tpu.memory_space<vmem>>
    %dma_start3A_33 = arith.constant 0 : i32
    %dma_start3A_34 = arith.constant 0 : i32
    %dma_start3A_35 = tpu.memref_slice %arg2[%dma_start3A_33, %dma_start3A_34] : memref<10000x64xf32, #tpu.memory_space<hbm>> -> memref<10000x64xf32, #tpu.memory_space<hbm>>
    tpu.enqueue_indirect_dma source(%dma_start3A_35 : memref<10000x64xf32, #tpu.memory_space<hbm>>) target(%arg9 : memref<125x64xf32, #tpu.memory_space<vmem>>) offsets(%dma_start3A_32 : memref<125xi32, #tpu.memory_space<vmem>>) semaphore(%arg12 : memref<!tpu.dma_semaphore, #tpu.memory_space<semaphore_mem>>)
    %scan3A_36 = arith.constant 0 : i32
    %scan3A_37 = arith.constant 0 : i32
    %scan3A_38 = arith.constant 39 : i32
    %scan3A_39 = arith.addi %scan3A_37, %scan3A_38 : i32
    %scan3A_40 = arith.constant 1 : i32
    %scan3A_41 = scf.for %scan3A_89 = %scan3A_37 to %scan3A_39 step %scan3A_40 iter_args(%scan3A_90 = %scan3A_36) -> (i32)  : i32 {
      %mul3A_91 = arith.constant 2 : i32
      %mul3A_92 = arith.muli %mul3A_91, %scan3A_89 : i32
      %add3A_93 = arith.constant 1 : i32
      %add3A_94 = arith.addi %mul3A_92, %add3A_93 : i32
      %dma_wait3A_95 = arith.constant 0 : i32
      %dma_wait3A_96 = tpu.memref_slice %arg6[%mul3A_92, %dma_wait3A_95] : memref<80x125xi32, #tpu.memory_space<vmem>> -> memref<1x125xi32, #tpu.memory_space<vmem>>
      %dma_wait3A_97 = tpu.memref_squeeze %dma_wait3A_96 : memref<1x125xi32, #tpu.memory_space<vmem>> -> memref<125xi32, #tpu.memory_space<vmem>>
      %dma_wait3A_98 = arith.constant 0 : i32
      %dma_wait3A_99 = arith.constant 0 : i32
      %dma_wait3A_100 = tpu.memref_slice %arg2[%dma_wait3A_98, %dma_wait3A_99] : memref<10000x64xf32, #tpu.memory_space<hbm>> -> memref<10000x64xf32, #tpu.memory_space<hbm>>
      tpu.wait_indirect_dma semaphore(%arg11 : memref<!tpu.dma_semaphore, #tpu.memory_space<semaphore_mem>>) src(%dma_wait3A_100 : memref<10000x64xf32, #tpu.memory_space<hbm>>) dst(%arg8 : memref<125x64xf32, #tpu.memory_space<vmem>>)
      %dma_start3A_101 = arith.constant 0 : i32
      %dma_start3A_102 = tpu.memref_slice %arg7[%mul3A_92, %dma_start3A_101] : memref<80x125xi32, #tpu.memory_space<vmem>> -> memref<1x125xi32, #tpu.memory_space<vmem>>
      %dma_start3A_103 = tpu.memref_squeeze %dma_start3A_102 : memref<1x125xi32, #tpu.memory_space<vmem>> -> memref<125xi32, #tpu.memory_space<vmem>>
      %dma_start3A_104 = arith.constant 0 : i32
      %dma_start3A_105 = arith.constant 0 : i32
      %dma_start3A_106 = tpu.memref_slice %arg10[%dma_start3A_104, %dma_start3A_105] : memref<10000x64xf32, #tpu.memory_space<vmem_shared>> -> memref<10000x64xf32, #tpu.memory_space<vmem_shared>>
      tpu.enqueue_indirect_dma source(%arg8 : memref<125x64xf32, #tpu.memory_space<vmem>>) target(%dma_start3A_106 : memref<10000x64xf32, #tpu.memory_space<vmem_shared>>) offsets(%dma_start3A_103 : memref<125xi32, #tpu.memory_space<vmem>>) semaphore(%arg13 : memref<!tpu.dma_semaphore, #tpu.memory_space<semaphore_mem>>) {add = true}
      %dma_wait3A_107 = arith.constant 0 : i32
      %dma_wait3A_108 = tpu.memref_slice %arg6[%add3A_94, %dma_wait3A_107] : memref<80x125xi32, #tpu.memory_space<vmem>> -> memref<1x125xi32, #tpu.memory_space<vmem>>
      %dma_wait3A_109 = tpu.memref_squeeze %dma_wait3A_108 : memref<1x125xi32, #tpu.memory_space<vmem>> -> memref<125xi32, #tpu.memory_space<vmem>>
      %dma_wait3A_110 = arith.constant 0 : i32
      %dma_wait3A_111 = arith.constant 0 : i32
      %dma_wait3A_112 = tpu.memref_slice %arg2[%dma_wait3A_110, %dma_wait3A_111] : memref<10000x64xf32, #tpu.memory_space<hbm>> -> memref<10000x64xf32, #tpu.memory_space<hbm>>
      tpu.wait_indirect_dma semaphore(%arg12 : memref<!tpu.dma_semaphore, #tpu.memory_space<semaphore_mem>>) src(%dma_wait3A_112 : memref<10000x64xf32, #tpu.memory_space<hbm>>) dst(%arg9 : memref<125x64xf32, #tpu.memory_space<vmem>>)
      %dma_start3A_113 = arith.constant 0 : i32
      %dma_start3A_114 = tpu.memref_slice %arg7[%add3A_94, %dma_start3A_113] : memref<80x125xi32, #tpu.memory_space<vmem>> -> memref<1x125xi32, #tpu.memory_space<vmem>>
      %dma_start3A_115 = tpu.memref_squeeze %dma_start3A_114 : memref<1x125xi32, #tpu.memory_space<vmem>> -> memref<125xi32, #tpu.memory_space<vmem>>
      %dma_start3A_116 = arith.constant 0 : i32
      %dma_start3A_117 = arith.constant 0 : i32
      %dma_start3A_118 = tpu.memref_slice %arg10[%dma_start3A_116, %dma_start3A_117] : memref<10000x64xf32, #tpu.memory_space<vmem_shared>> -> memref<10000x64xf32, #tpu.memory_space<vmem_shared>>
      tpu.enqueue_indirect_dma source(%arg9 : memref<125x64xf32, #tpu.memory_space<vmem>>) target(%dma_start3A_118 : memref<10000x64xf32, #tpu.memory_space<vmem_shared>>) offsets(%dma_start3A_115 : memref<125xi32, #tpu.memory_space<vmem>>) semaphore(%arg14 : memref<!tpu.dma_semaphore, #tpu.memory_space<semaphore_mem>>) {add = true}
      %dma_wait3A_119 = arith.constant 0 : i32
      %dma_wait3A_120 = tpu.memref_slice %arg7[%mul3A_92, %dma_wait3A_119] : memref<80x125xi32, #tpu.memory_space<vmem>> -> memref<1x125xi32, #tpu.memory_space<vmem>>
      %dma_wait3A_121 = tpu.memref_squeeze %dma_wait3A_120 : memref<1x125xi32, #tpu.memory_space<vmem>> -> memref<125xi32, #tpu.memory_space<vmem>>
      %dma_wait3A_122 = arith.constant 0 : i32
      %dma_wait3A_123 = arith.constant 0 : i32
      %dma_wait3A_124 = tpu.memref_slice %arg10[%dma_wait3A_122, %dma_wait3A_123] : memref<10000x64xf32, #tpu.memory_space<vmem_shared>> -> memref<10000x64xf32, #tpu.memory_space<vmem_shared>>
      tpu.wait_indirect_dma semaphore(%arg13 : memref<!tpu.dma_semaphore, #tpu.memory_space<semaphore_mem>>) src(%arg8 : memref<125x64xf32, #tpu.memory_space<vmem>>) dst(%dma_wait3A_124 : memref<10000x64xf32, #tpu.memory_space<vmem_shared>>)
      %add3A_125 = arith.constant 2 : i32
      %add3A_126 = arith.addi %mul3A_92, %add3A_125 : i32
      %dma_start3A_127 = arith.constant 0 : i32
      %dma_start3A_128 = tpu.memref_slice %arg6[%add3A_126, %dma_start3A_127] : memref<80x125xi32, #tpu.memory_space<vmem>> -> memref<1x125xi32, #tpu.memory_space<vmem>>
      %dma_start3A_129 = tpu.memref_squeeze %dma_start3A_128 : memref<1x125xi32, #tpu.memory_space<vmem>> -> memref<125xi32, #tpu.memory_space<vmem>>
      %dma_start3A_130 = arith.constant 0 : i32
      %dma_start3A_131 = arith.constant 0 : i32
      %dma_start3A_132 = tpu.memref_slice %arg2[%dma_start3A_130, %dma_start3A_131] : memref<10000x64xf32, #tpu.memory_space<hbm>> -> memref<10000x64xf32, #tpu.memory_space<hbm>>
      tpu.enqueue_indirect_dma source(%dma_start3A_132 : memref<10000x64xf32, #tpu.memory_space<hbm>>) target(%arg8 : memref<125x64xf32, #tpu.memory_space<vmem>>) offsets(%dma_start3A_129 : memref<125xi32, #tpu.memory_space<vmem>>) semaphore(%arg11 : memref<!tpu.dma_semaphore, #tpu.memory_space<semaphore_mem>>)
      %dma_wait3A_133 = arith.constant 0 : i32
      %dma_wait3A_134 = tpu.memref_slice %arg7[%add3A_94, %dma_wait3A_133] : memref<80x125xi32, #tpu.memory_space<vmem>> -> memref<1x125xi32, #tpu.memory_space<vmem>>
      %dma_wait3A_135 = tpu.memref_squeeze %dma_wait3A_134 : memref<1x125xi32, #tpu.memory_space<vmem>> -> memref<125xi32, #tpu.memory_space<vmem>>
      %dma_wait3A_136 = arith.constant 0 : i32
      %dma_wait3A_137 = arith.constant 0 : i32
      %dma_wait3A_138 = tpu.memref_slice %arg10[%dma_wait3A_136, %dma_wait3A_137] : memref<10000x64xf32, #tpu.memory_space<vmem_shared>> -> memref<10000x64xf32, #tpu.memory_space<vmem_shared>>
      tpu.wait_indirect_dma semaphore(%arg14 : memref<!tpu.dma_semaphore, #tpu.memory_space<semaphore_mem>>) src(%arg9 : memref<125x64xf32, #tpu.memory_space<vmem>>) dst(%dma_wait3A_138 : memref<10000x64xf32, #tpu.memory_space<vmem_shared>>)
      %add3A_139 = arith.constant 2 : i32
      %add3A_140 = arith.addi %add3A_94, %add3A_139 : i32
      %dma_start3A_141 = arith.constant 0 : i32
      %dma_start3A_142 = tpu.memref_slice %arg6[%add3A_140, %dma_start3A_141] : memref<80x125xi32, #tpu.memory_space<vmem>> -> memref<1x125xi32, #tpu.memory_space<vmem>>
      %dma_start3A_143 = tpu.memref_squeeze %dma_start3A_142 : memref<1x125xi32, #tpu.memory_space<vmem>> -> memref<125xi32, #tpu.memory_space<vmem>>
      %dma_start3A_144 = arith.constant 0 : i32
      %dma_start3A_145 = arith.constant 0 : i32
      %dma_start3A_146 = tpu.memref_slice %arg2[%dma_start3A_144, %dma_start3A_145] : memref<10000x64xf32, #tpu.memory_space<hbm>> -> memref<10000x64xf32, #tpu.memory_space<hbm>>
      tpu.enqueue_indirect_dma source(%dma_start3A_146 : memref<10000x64xf32, #tpu.memory_space<hbm>>) target(%arg9 : memref<125x64xf32, #tpu.memory_space<vmem>>) offsets(%dma_start3A_143 : memref<125xi32, #tpu.memory_space<vmem>>) semaphore(%arg12 : memref<!tpu.dma_semaphore, #tpu.memory_space<semaphore_mem>>)
      %scan3A_147 = arith.constant 0 : i32
      scf.yield %scan3A_147 : i32
    }
    %scan3A_42 = arith.constant 39 : i32
    %dma_wait3A = arith.constant 78 : i32
    %dma_wait3A_43 = arith.constant 0 : i32
    %dma_wait3A_44 = tpu.memref_slice %arg6[%dma_wait3A, %dma_wait3A_43] : memref<80x125xi32, #tpu.memory_space<vmem>> -> memref<1x125xi32, #tpu.memory_space<vmem>>
    %dma_wait3A_45 = tpu.memref_squeeze %dma_wait3A_44 : memref<1x125xi32, #tpu.memory_space<vmem>> -> memref<125xi32, #tpu.memory_space<vmem>>
    %dma_wait3A_46 = arith.constant 0 : i32
    %dma_wait3A_47 = arith.constant 0 : i32
    %dma_wait3A_48 = tpu.memref_slice %arg2[%dma_wait3A_46, %dma_wait3A_47] : memref<10000x64xf32, #tpu.memory_space<hbm>> -> memref<10000x64xf32, #tpu.memory_space<hbm>>
    tpu.wait_indirect_dma semaphore(%arg11 : memref<!tpu.dma_semaphore, #tpu.memory_space<semaphore_mem>>) src(%dma_wait3A_48 : memref<10000x64xf32, #tpu.memory_space<hbm>>) dst(%arg8 : memref<125x64xf32, #tpu.memory_space<vmem>>)
    %dma_start3A_49 = arith.constant 78 : i32
    %dma_start3A_50 = arith.constant 0 : i32
    %dma_start3A_51 = tpu.memref_slice %arg7[%dma_start3A_49, %dma_start3A_50] : memref<80x125xi32, #tpu.memory_space<vmem>> -> memref<1x125xi32, #tpu.memory_space<vmem>>
    %dma_start3A_52 = tpu.memref_squeeze %dma_start3A_51 : memref<1x125xi32, #tpu.memory_space<vmem>> -> memref<125xi32, #tpu.memory_space<vmem>>
    %dma_start3A_53 = arith.constant 0 : i32
    %dma_start3A_54 = arith.constant 0 : i32
    %dma_start3A_55 = tpu.memref_slice %arg10[%dma_start3A_53, %dma_start3A_54] : memref<10000x64xf32, #tpu.memory_space<vmem_shared>> -> memref<10000x64xf32, #tpu.memory_space<vmem_shared>>
    tpu.enqueue_indirect_dma source(%arg8 : memref<125x64xf32, #tpu.memory_space<vmem>>) target(%dma_start3A_55 : memref<10000x64xf32, #tpu.memory_space<vmem_shared>>) offsets(%dma_start3A_52 : memref<125xi32, #tpu.memory_space<vmem>>) semaphore(%arg13 : memref<!tpu.dma_semaphore, #tpu.memory_space<semaphore_mem>>) {add = true}
    %dma_wait3A_56 = arith.constant 79 : i32
    %dma_wait3A_57 = arith.constant 0 : i32
    %dma_wait3A_58 = tpu.memref_slice %arg6[%dma_wait3A_56, %dma_wait3A_57] : memref<80x125xi32, #tpu.memory_space<vmem>> -> memref<1x125xi32, #tpu.memory_space<vmem>>
    %dma_wait3A_59 = tpu.memref_squeeze %dma_wait3A_58 : memref<1x125xi32, #tpu.memory_space<vmem>> -> memref<125xi32, #tpu.memory_space<vmem>>
    %dma_wait3A_60 = arith.constant 0 : i32
    %dma_wait3A_61 = arith.constant 0 : i32
    %dma_wait3A_62 = tpu.memref_slice %arg2[%dma_wait3A_60, %dma_wait3A_61] : memref<10000x64xf32, #tpu.memory_space<hbm>> -> memref<10000x64xf32, #tpu.memory_space<hbm>>
    tpu.wait_indirect_dma semaphore(%arg12 : memref<!tpu.dma_semaphore, #tpu.memory_space<semaphore_mem>>) src(%dma_wait3A_62 : memref<10000x64xf32, #tpu.memory_space<hbm>>) dst(%arg9 : memref<125x64xf32, #tpu.memory_space<vmem>>)
    %dma_start3A_63 = arith.constant 79 : i32
    %dma_start3A_64 = arith.constant 0 : i32
    %dma_start3A_65 = tpu.memref_slice %arg7[%dma_start3A_63, %dma_start3A_64] : memref<80x125xi32, #tpu.memory_space<vmem>> -> memref<1x125xi32, #tpu.memory_space<vmem>>
    %dma_start3A_66 = tpu.memref_squeeze %dma_start3A_65 : memref<1x125xi32, #tpu.memory_space<vmem>> -> memref<125xi32, #tpu.memory_space<vmem>>
    %dma_start3A_67 = arith.constant 0 : i32
    %dma_start3A_68 = arith.constant 0 : i32
    %dma_start3A_69 = tpu.memref_slice %arg10[%dma_start3A_67, %dma_start3A_68] : memref<10000x64xf32, #tpu.memory_space<vmem_shared>> -> memref<10000x64xf32, #tpu.memory_space<vmem_shared>>
    tpu.enqueue_indirect_dma source(%arg9 : memref<125x64xf32, #tpu.memory_space<vmem>>) target(%dma_start3A_69 : memref<10000x64xf32, #tpu.memory_space<vmem_shared>>) offsets(%dma_start3A_66 : memref<125xi32, #tpu.memory_space<vmem>>) semaphore(%arg14 : memref<!tpu.dma_semaphore, #tpu.memory_space<semaphore_mem>>) {add = true}
    %dma_wait3A_70 = arith.constant 78 : i32
    %dma_wait3A_71 = arith.constant 0 : i32
    %dma_wait3A_72 = tpu.memref_slice %arg7[%dma_wait3A_70, %dma_wait3A_71] : memref<80x125xi32, #tpu.memory_space<vmem>> -> memref<1x125xi32, #tpu.memory_space<vmem>>
    %dma_wait3A_73 = tpu.memref_squeeze %dma_wait3A_72 : memref<1x125xi32, #tpu.memory_space<vmem>> -> memref<125xi32, #tpu.memory_space<vmem>>
    %dma_wait3A_74 = arith.constant 0 : i32
    %dma_wait3A_75 = arith.constant 0 : i32
    %dma_wait3A_76 = tpu.memref_slice %arg10[%dma_wait3A_74, %dma_wait3A_75] : memref<10000x64xf32, #tpu.memory_space<vmem_shared>> -> memref<10000x64xf32, #tpu.memory_space<vmem_shared>>
    tpu.wait_indirect_dma semaphore(%arg13 : memref<!tpu.dma_semaphore, #tpu.memory_space<semaphore_mem>>) src(%arg8 : memref<125x64xf32, #tpu.memory_space<vmem>>) dst(%dma_wait3A_76 : memref<10000x64xf32, #tpu.memory_space<vmem_shared>>)
    %dma_wait3A_77 = arith.constant 79 : i32
    %dma_wait3A_78 = arith.constant 0 : i32
    %dma_wait3A_79 = tpu.memref_slice %arg7[%dma_wait3A_77, %dma_wait3A_78] : memref<80x125xi32, #tpu.memory_space<vmem>> -> memref<1x125xi32, #tpu.memory_space<vmem>>
    %dma_wait3A_80 = tpu.memref_squeeze %dma_wait3A_79 : memref<1x125xi32, #tpu.memory_space<vmem>> -> memref<125xi32, #tpu.memory_space<vmem>>
    %dma_wait3A_81 = arith.constant 0 : i32
    %dma_wait3A_82 = arith.constant 0 : i32
    %dma_wait3A_83 = tpu.memref_slice %arg10[%dma_wait3A_81, %dma_wait3A_82] : memref<10000x64xf32, #tpu.memory_space<vmem_shared>> -> memref<10000x64xf32, #tpu.memory_space<vmem_shared>>
    tpu.wait_indirect_dma semaphore(%arg14 : memref<!tpu.dma_semaphore, #tpu.memory_space<semaphore_mem>>) src(%arg9 : memref<125x64xf32, #tpu.memory_space<vmem>>) dst(%dma_wait3A_83 : memref<10000x64xf32, #tpu.memory_space<vmem_shared>>)
    %barrier3A_84 = arith.constant 0 : index
    tpu.barrier barrier_id(%barrier3A_84)
    %mul3A_85 = arith.constant 624 : i32
    %mul3A_86 = arith.muli %arg1, %mul3A_85 : i32
    %multiple_of3A = tpu.assume_multiple %mul3A_86, 8 : i32
    "tpu.region"() ({
      %run_scoped3A = tpu.sem_alloc : memref<!tpu.dma_semaphore, #tpu.memory_space<semaphore_mem>>
      %dma_start3A_89 = arith.constant 0 : i32
      %dma_start3A_90 = tpu.memref_slice %arg5[%arg0, %multiple_of3A, %dma_start3A_89] : memref<2x10000x64xf32, #tpu.memory_space<hbm>> -> memref<1x624x64xf32, #tpu.memory_space<hbm>>
      %dma_start3A_91 = tpu.memref_squeeze %dma_start3A_90 : memref<1x624x64xf32, #tpu.memory_space<hbm>> -> memref<624x64xf32, #tpu.memory_space<hbm>>
      %dma_start3A_92 = arith.constant 0 : i32
      %dma_start3A_93 = tpu.memref_slice %arg10[%multiple_of3A, %dma_start3A_92] : memref<10000x64xf32, #tpu.memory_space<vmem_shared>> -> memref<624x64xf32, #tpu.memory_space<vmem_shared>>
      tpu.enqueue_dma source(%dma_start3A_93 : memref<624x64xf32, #tpu.memory_space<vmem_shared>>) target(%dma_start3A_91 : memref<624x64xf32, #tpu.memory_space<hbm>>) target_semaphore(%run_scoped3A : memref<!tpu.dma_semaphore, #tpu.memory_space<semaphore_mem>>)
      %dma_wait3A_94 = arith.constant 0 : i32
      %dma_wait3A_95 = tpu.memref_slice %arg5[%arg0, %multiple_of3A, %dma_wait3A_94] : memref<2x10000x64xf32, #tpu.memory_space<hbm>> -> memref<1x624x64xf32, #tpu.memory_space<hbm>>
      %dma_wait3A_96 = tpu.memref_squeeze %dma_wait3A_95 : memref<1x624x64xf32, #tpu.memory_space<hbm>> -> memref<624x64xf32, #tpu.memory_space<hbm>>
      %dma_wait3A_97 = arith.constant 0 : i32
      %dma_wait3A_98 = tpu.memref_slice %arg10[%multiple_of3A, %dma_wait3A_97] : memref<10000x64xf32, #tpu.memory_space<vmem_shared>> -> memref<624x64xf32, #tpu.memory_space<vmem_shared>>
      tpu.wait_dma2 semaphore(%run_scoped3A : memref<!tpu.dma_semaphore, #tpu.memory_space<semaphore_mem>>) src(%dma_wait3A_98 : memref<624x64xf32, #tpu.memory_space<vmem_shared>>) dst(%dma_wait3A_96 : memref<624x64xf32, #tpu.memory_space<hbm>>)
      tpu.yield
    }) : () -> ()
    %eq3A = arith.constant 0 : i32
    %eq3A_87 = arith.cmpi eq, %arg1, %eq3A : i32
    %convert_element_type3A = arith.extui %eq3A_87 : i1 to i32
    %cond3A = arith.constant 0 : i32
    %cond3A_88 = arith.cmpi ne, %convert_element_type3A, %cond3A : i32
    scf.if %cond3A_88 {
      "tpu.region"() ({
        %run_scoped3A = tpu.sem_alloc : memref<!tpu.dma_semaphore, #tpu.memory_space<semaphore_mem>>
        %dma_start3A_89 = arith.constant 9984 : i32
        %dma_start3A_90 = arith.constant 0 : i32
        %dma_start3A_91 = tpu.memref_slice %arg5[%arg0, %dma_start3A_89, %dma_start3A_90] : memref<2x10000x64xf32, #tpu.memory_space<hbm>> -> memref<1x16x64xf32, #tpu.memory_space<hbm>>
        %dma_start3A_92 = tpu.memref_squeeze %dma_start3A_91 : memref<1x16x64xf32, #tpu.memory_space<hbm>> -> memref<16x64xf32, #tpu.memory_space<hbm>>
        %dma_start3A_93 = arith.constant 9984 : i32
        %dma_start3A_94 = arith.constant 0 : i32
        %dma_start3A_95 = tpu.memref_slice %arg10[%dma_start3A_93, %dma_start3A_94] : memref<10000x64xf32, #tpu.memory_space<vmem_shared>> -> memref<16x64xf32, #tpu.memory_space<vmem_shared>>
        tpu.enqueue_dma source(%dma_start3A_95 : memref<16x64xf32, #tpu.memory_space<vmem_shared>>) target(%dma_start3A_92 : memref<16x64xf32, #tpu.memory_space<hbm>>) target_semaphore(%run_scoped3A : memref<!tpu.dma_semaphore, #tpu.memory_space<semaphore_mem>>)
        %dma_wait3A_96 = arith.constant 9984 : i32
        %dma_wait3A_97 = arith.constant 0 : i32
        %dma_wait3A_98 = tpu.memref_slice %arg5[%arg0, %dma_wait3A_96, %dma_wait3A_97] : memref<2x10000x64xf32, #tpu.memory_space<hbm>> -> memref<1x16x64xf32, #tpu.memory_space<hbm>>
        %dma_wait3A_99 = tpu.memref_squeeze %dma_wait3A_98 : memref<1x16x64xf32, #tpu.memory_space<hbm>> -> memref<16x64xf32, #tpu.memory_space<hbm>>
        %dma_wait3A_100 = arith.constant 9984 : i32
        %dma_wait3A_101 = arith.constant 0 : i32
        %dma_wait3A_102 = tpu.memref_slice %arg10[%dma_wait3A_100, %dma_wait3A_101] : memref<10000x64xf32, #tpu.memory_space<vmem_shared>> -> memref<16x64xf32, #tpu.memory_space<vmem_shared>>
        tpu.wait_dma2 semaphore(%run_scoped3A : memref<!tpu.dma_semaphore, #tpu.memory_space<semaphore_mem>>) src(%dma_wait3A_102 : memref<16x64xf32, #tpu.memory_space<vmem_shared>>) dst(%dma_wait3A_99 : memref<16x64xf32, #tpu.memory_space<hbm>>)
        tpu.yield
      }) : () -> ()
    } else {
    }
    return
  }
}

#map = affine_map<(d0, d1) -> (0, 0)>
#map1 = affine_map<(d0, d1) -> (0, 0, 0)>
module attributes {stable_mosaic.version = 14 : i64} {
  func.func @k(%arg0: i32, %arg1: i32, %arg2: memref<2560x125xi32, #tpu.memory_space<hbm>>, %arg3: memref<2x10000x8xf32, #tpu.memory_space<hbm>>, %arg4: memref<80x125xi32, #tpu.memory_space<vmem>>, %arg5: memref<125x8xf32, #tpu.memory_space<vmem>>, %arg6: memref<10000x8xf32, #tpu.memory_space<vmem_shared>>, %arg7: memref<!tpu.dma_semaphore, #tpu.memory_space<semaphore_mem>>) attributes {dimension_semantics = [#tpu.dimension_semantics<core_parallel>, #tpu.dimension_semantics<subcore_parallel>], iteration_bounds = array<i64: 2, 16>, scalar_prefetch = 0 : i64, scratch_operands = 4 : i64, tpu.core_type = #tpu.core_type<sc_vector_subcore>, window_params = [{transform_indices = #map}, {transform_indices = #map1}]} {
    %mul3A = arith.constant 16 : i32
    %mul3A_0 = arith.muli %arg0, %mul3A : i32
    %add3A = arith.addi %mul3A_0, %arg1 : i32
    %mul3A_1 = arith.constant 625 : i32
    %mul3A_2 = arith.muli %arg1, %mul3A_1 : i32
    %scan3A = arith.constant 0 : i32
    %scan3A_3 = arith.constant 0 : i32
    %scan3A_4 = arith.constant 125 : i32
    %scan3A_5 = arith.addi %scan3A_3, %scan3A_4 : i32
    %scan3A_6 = arith.constant 1 : i32
    %scan3A_7 = scf.for %scan3A_40 = %scan3A_3 to %scan3A_5 step %scan3A_6 iter_args(%scan3A_41 = %scan3A) -> (i32)  : i32 {
      %broadcast_in_dim3A = arith.constant 0.000000e+00 : f32
      %broadcast_in_dim3A_42 = vector.broadcast %broadcast_in_dim3A : f32 to vector<8xf32>
      %swap3A = arith.index_cast %scan3A_40 : i32 to index
      %swap3A_43 = arith.constant 0 : index
      %swap3A_44 = tpu.vector_load %arg5[%swap3A, %swap3A_43] {strides = array<i32>} : memref<125x8xf32, #tpu.memory_space<vmem>>, vector<1x8xf32>,
      %swap3A_45 = vector.shape_cast %swap3A_44 : vector<1x8xf32> to vector<8xf32>
      %swap3A_46 = vector.shape_cast %broadcast_in_dim3A_42 : vector<8xf32> to vector<1x8xf32>
      tpu.vector_store %arg5[%swap3A, %swap3A_43], %swap3A_46 {strides = array<i32>} : memref<125x8xf32, #tpu.memory_space<vmem>>, vector<1x8xf32>,
      %scan3A_47 = arith.constant 0 : i32
      scf.yield %scan3A_47 : i32
    }
    %scan3A_8 = arith.constant 125 : i32
    %add3A_9 = arith.constant 0 : i32
    %add3A_10 = arith.addi %mul3A_2, %add3A_9 : i32
    "tpu.region"() ({
      %run_scoped3A = tpu.sem_alloc : memref<!tpu.dma_semaphore, #tpu.memory_space<semaphore_mem>>
      %dma_start3A = arith.constant 0 : i32
      %dma_start3A_40 = tpu.memref_slice %arg6[%add3A_10, %dma_start3A] : memref<10000x8xf32, #tpu.memory_space<vmem_shared>> -> memref<125x8xf32, #tpu.memory_space<vmem_shared>>
      %dma_start3A_41 = arith.constant 0 : i32
      %dma_start3A_42 = tpu.memref_slice %arg6[%add3A_10, %dma_start3A_41] : memref<10000x8xf32, #tpu.memory_space<vmem_shared>> -> memref<125x8xf32, #tpu.memory_space<vmem_shared>>
      tpu.enqueue_dma source(%arg5 : memref<125x8xf32, #tpu.memory_space<vmem>>) target(%dma_start3A_42 : memref<125x8xf32, #tpu.memory_space<vmem_shared>>) target_semaphore(%run_scoped3A : memref<!tpu.dma_semaphore, #tpu.memory_space<semaphore_mem>>)
      %dma_wait3A = arith.constant 0 : i32
      %dma_wait3A_43 = tpu.memref_slice %arg6[%add3A_10, %dma_wait3A] : memref<10000x8xf32, #tpu.memory_space<vmem_shared>> -> memref<125x8xf32, #tpu.memory_space<vmem_shared>>
      %dma_wait3A_44 = arith.constant 0 : i32
      %dma_wait3A_45 = tpu.memref_slice %arg6[%add3A_10, %dma_wait3A_44] : memref<10000x8xf32, #tpu.memory_space<vmem_shared>> -> memref<125x8xf32, #tpu.memory_space<vmem_shared>>
      tpu.wait_dma2 semaphore(%run_scoped3A : memref<!tpu.dma_semaphore, #tpu.memory_space<semaphore_mem>>) src(%arg5 : memref<125x8xf32, #tpu.memory_space<vmem>>) dst(%dma_wait3A_45 : memref<125x8xf32, #tpu.memory_space<vmem_shared>>)
      tpu.yield
    }) : () -> ()
    %add3A_11 = arith.constant 125 : i32
    %add3A_12 = arith.addi %mul3A_2, %add3A_11 : i32
    "tpu.region"() ({
      %run_scoped3A = tpu.sem_alloc : memref<!tpu.dma_semaphore, #tpu.memory_space<semaphore_mem>>
      %dma_start3A = arith.constant 0 : i32
      %dma_start3A_40 = tpu.memref_slice %arg6[%add3A_12, %dma_start3A] : memref<10000x8xf32, #tpu.memory_space<vmem_shared>> -> memref<125x8xf32, #tpu.memory_space<vmem_shared>>
      %dma_start3A_41 = arith.constant 0 : i32
      %dma_start3A_42 = tpu.memref_slice %arg6[%add3A_12, %dma_start3A_41] : memref<10000x8xf32, #tpu.memory_space<vmem_shared>> -> memref<125x8xf32, #tpu.memory_space<vmem_shared>>
      tpu.enqueue_dma source(%arg5 : memref<125x8xf32, #tpu.memory_space<vmem>>) target(%dma_start3A_42 : memref<125x8xf32, #tpu.memory_space<vmem_shared>>) target_semaphore(%run_scoped3A : memref<!tpu.dma_semaphore, #tpu.memory_space<semaphore_mem>>)
      %dma_wait3A = arith.constant 0 : i32
      %dma_wait3A_43 = tpu.memref_slice %arg6[%add3A_12, %dma_wait3A] : memref<10000x8xf32, #tpu.memory_space<vmem_shared>> -> memref<125x8xf32, #tpu.memory_space<vmem_shared>>
      %dma_wait3A_44 = arith.constant 0 : i32
      %dma_wait3A_45 = tpu.memref_slice %arg6[%add3A_12, %dma_wait3A_44] : memref<10000x8xf32, #tpu.memory_space<vmem_shared>> -> memref<125x8xf32, #tpu.memory_space<vmem_shared>>
      tpu.wait_dma2 semaphore(%run_scoped3A : memref<!tpu.dma_semaphore, #tpu.memory_space<semaphore_mem>>) src(%arg5 : memref<125x8xf32, #tpu.memory_space<vmem>>) dst(%dma_wait3A_45 : memref<125x8xf32, #tpu.memory_space<vmem_shared>>)
      tpu.yield
    }) : () -> ()
    %add3A_13 = arith.constant 250 : i32
    %add3A_14 = arith.addi %mul3A_2, %add3A_13 : i32
    "tpu.region"() ({
      %run_scoped3A = tpu.sem_alloc : memref<!tpu.dma_semaphore, #tpu.memory_space<semaphore_mem>>
      %dma_start3A = arith.constant 0 : i32
      %dma_start3A_40 = tpu.memref_slice %arg6[%add3A_14, %dma_start3A] : memref<10000x8xf32, #tpu.memory_space<vmem_shared>> -> memref<125x8xf32, #tpu.memory_space<vmem_shared>>
      %dma_start3A_41 = arith.constant 0 : i32
      %dma_start3A_42 = tpu.memref_slice %arg6[%add3A_14, %dma_start3A_41] : memref<10000x8xf32, #tpu.memory_space<vmem_shared>> -> memref<125x8xf32, #tpu.memory_space<vmem_shared>>
      tpu.enqueue_dma source(%arg5 : memref<125x8xf32, #tpu.memory_space<vmem>>) target(%dma_start3A_42 : memref<125x8xf32, #tpu.memory_space<vmem_shared>>) target_semaphore(%run_scoped3A : memref<!tpu.dma_semaphore, #tpu.memory_space<semaphore_mem>>)
      %dma_wait3A = arith.constant 0 : i32
      %dma_wait3A_43 = tpu.memref_slice %arg6[%add3A_14, %dma_wait3A] : memref<10000x8xf32, #tpu.memory_space<vmem_shared>> -> memref<125x8xf32, #tpu.memory_space<vmem_shared>>
      %dma_wait3A_44 = arith.constant 0 : i32
      %dma_wait3A_45 = tpu.memref_slice %arg6[%add3A_14, %dma_wait3A_44] : memref<10000x8xf32, #tpu.memory_space<vmem_shared>> -> memref<125x8xf32, #tpu.memory_space<vmem_shared>>
      tpu.wait_dma2 semaphore(%run_scoped3A : memref<!tpu.dma_semaphore, #tpu.memory_space<semaphore_mem>>) src(%arg5 : memref<125x8xf32, #tpu.memory_space<vmem>>) dst(%dma_wait3A_45 : memref<125x8xf32, #tpu.memory_space<vmem_shared>>)
      tpu.yield
    }) : () -> ()
    %add3A_15 = arith.constant 375 : i32
    %add3A_16 = arith.addi %mul3A_2, %add3A_15 : i32
    "tpu.region"() ({
      %run_scoped3A = tpu.sem_alloc : memref<!tpu.dma_semaphore, #tpu.memory_space<semaphore_mem>>
      %dma_start3A = arith.constant 0 : i32
      %dma_start3A_40 = tpu.memref_slice %arg6[%add3A_16, %dma_start3A] : memref<10000x8xf32, #tpu.memory_space<vmem_shared>> -> memref<125x8xf32, #tpu.memory_space<vmem_shared>>
      %dma_start3A_41 = arith.constant 0 : i32
      %dma_start3A_42 = tpu.memref_slice %arg6[%add3A_16, %dma_start3A_41] : memref<10000x8xf32, #tpu.memory_space<vmem_shared>> -> memref<125x8xf32, #tpu.memory_space<vmem_shared>>
      tpu.enqueue_dma source(%arg5 : memref<125x8xf32, #tpu.memory_space<vmem>>) target(%dma_start3A_42 : memref<125x8xf32, #tpu.memory_space<vmem_shared>>) target_semaphore(%run_scoped3A : memref<!tpu.dma_semaphore, #tpu.memory_space<semaphore_mem>>)
      %dma_wait3A = arith.constant 0 : i32
      %dma_wait3A_43 = tpu.memref_slice %arg6[%add3A_16, %dma_wait3A] : memref<10000x8xf32, #tpu.memory_space<vmem_shared>> -> memref<125x8xf32, #tpu.memory_space<vmem_shared>>
      %dma_wait3A_44 = arith.constant 0 : i32
      %dma_wait3A_45 = tpu.memref_slice %arg6[%add3A_16, %dma_wait3A_44] : memref<10000x8xf32, #tpu.memory_space<vmem_shared>> -> memref<125x8xf32, #tpu.memory_space<vmem_shared>>
      tpu.wait_dma2 semaphore(%run_scoped3A : memref<!tpu.dma_semaphore, #tpu.memory_space<semaphore_mem>>) src(%arg5 : memref<125x8xf32, #tpu.memory_space<vmem>>) dst(%dma_wait3A_45 : memref<125x8xf32, #tpu.memory_space<vmem_shared>>)
      tpu.yield
    }) : () -> ()
    %add3A_17 = arith.constant 500 : i32
    %add3A_18 = arith.addi %mul3A_2, %add3A_17 : i32
    "tpu.region"() ({
      %run_scoped3A = tpu.sem_alloc : memref<!tpu.dma_semaphore, #tpu.memory_space<semaphore_mem>>
      %dma_start3A = arith.constant 0 : i32
      %dma_start3A_40 = tpu.memref_slice %arg6[%add3A_18, %dma_start3A] : memref<10000x8xf32, #tpu.memory_space<vmem_shared>> -> memref<125x8xf32, #tpu.memory_space<vmem_shared>>
      %dma_start3A_41 = arith.constant 0 : i32
      %dma_start3A_42 = tpu.memref_slice %arg6[%add3A_18, %dma_start3A_41] : memref<10000x8xf32, #tpu.memory_space<vmem_shared>> -> memref<125x8xf32, #tpu.memory_space<vmem_shared>>
      tpu.enqueue_dma source(%arg5 : memref<125x8xf32, #tpu.memory_space<vmem>>) target(%dma_start3A_42 : memref<125x8xf32, #tpu.memory_space<vmem_shared>>) target_semaphore(%run_scoped3A : memref<!tpu.dma_semaphore, #tpu.memory_space<semaphore_mem>>)
      %dma_wait3A = arith.constant 0 : i32
      %dma_wait3A_43 = tpu.memref_slice %arg6[%add3A_18, %dma_wait3A] : memref<10000x8xf32, #tpu.memory_space<vmem_shared>> -> memref<125x8xf32, #tpu.memory_space<vmem_shared>>
      %dma_wait3A_44 = arith.constant 0 : i32
      %dma_wait3A_45 = tpu.memref_slice %arg6[%add3A_18, %dma_wait3A_44] : memref<10000x8xf32, #tpu.memory_space<vmem_shared>> -> memref<125x8xf32, #tpu.memory_space<vmem_shared>>
      tpu.wait_dma2 semaphore(%run_scoped3A : memref<!tpu.dma_semaphore, #tpu.memory_space<semaphore_mem>>) src(%arg5 : memref<125x8xf32, #tpu.memory_space<vmem>>) dst(%dma_wait3A_45 : memref<125x8xf32, #tpu.memory_space<vmem_shared>>)
      tpu.yield
    }) : () -> ()
    %mul3A_19 = arith.constant 80 : i32
    %mul3A_20 = arith.muli %add3A, %mul3A_19 : i32
    "tpu.region"() ({
      %run_scoped3A = tpu.sem_alloc : memref<!tpu.dma_semaphore, #tpu.memory_space<semaphore_mem>>
      %dma_start3A = arith.constant 0 : i32
      %dma_start3A_40 = tpu.memref_slice %arg2[%mul3A_20, %dma_start3A] : memref<2560x125xi32, #tpu.memory_space<hbm>> -> memref<80x125xi32, #tpu.memory_space<hbm>>
      %dma_start3A_41 = arith.constant 0 : i32
      %dma_start3A_42 = tpu.memref_slice %arg2[%mul3A_20, %dma_start3A_41] : memref<2560x125xi32, #tpu.memory_space<hbm>> -> memref<80x125xi32, #tpu.memory_space<hbm>>
      tpu.enqueue_dma source(%dma_start3A_42 : memref<80x125xi32, #tpu.memory_space<hbm>>) target(%arg4 : memref<80x125xi32, #tpu.memory_space<vmem>>) target_semaphore(%run_scoped3A : memref<!tpu.dma_semaphore, #tpu.memory_space<semaphore_mem>>)
      %dma_wait3A = arith.constant 0 : i32
      %dma_wait3A_43 = tpu.memref_slice %arg2[%mul3A_20, %dma_wait3A] : memref<2560x125xi32, #tpu.memory_space<hbm>> -> memref<80x125xi32, #tpu.memory_space<hbm>>
      %dma_wait3A_44 = arith.constant 0 : i32
      %dma_wait3A_45 = tpu.memref_slice %arg2[%mul3A_20, %dma_wait3A_44] : memref<2560x125xi32, #tpu.memory_space<hbm>> -> memref<80x125xi32, #tpu.memory_space<hbm>>
      tpu.wait_dma2 semaphore(%run_scoped3A : memref<!tpu.dma_semaphore, #tpu.memory_space<semaphore_mem>>) src(%dma_wait3A_45 : memref<80x125xi32, #tpu.memory_space<hbm>>) dst(%arg4 : memref<80x125xi32, #tpu.memory_space<vmem>>)
      tpu.yield
    }) : () -> ()
    %scan3A_21 = arith.constant 0 : i32
    %scan3A_22 = arith.constant 0 : i32
    %scan3A_23 = arith.constant 125 : i32
    %scan3A_24 = arith.addi %scan3A_22, %scan3A_23 : i32
    %scan3A_25 = arith.constant 1 : i32
    %scan3A_26 = scf.for %scan3A_40 = %scan3A_22 to %scan3A_24 step %scan3A_25 iter_args(%scan3A_41 = %scan3A_21) -> (i32)  : i32 {
      %broadcast_in_dim3A = arith.constant 1.000000e+00 : f32
      %broadcast_in_dim3A_42 = vector.broadcast %broadcast_in_dim3A : f32 to vector<8xf32>
      %swap3A = arith.index_cast %scan3A_40 : i32 to index
      %swap3A_43 = arith.constant 0 : index
      %swap3A_44 = tpu.vector_load %arg5[%swap3A, %swap3A_43] {strides = array<i32>} : memref<125x8xf32, #tpu.memory_space<vmem>>, vector<1x8xf32>,
      %swap3A_45 = vector.shape_cast %swap3A_44 : vector<1x8xf32> to vector<8xf32>
      %swap3A_46 = vector.shape_cast %broadcast_in_dim3A_42 : vector<8xf32> to vector<1x8xf32>
      tpu.vector_store %arg5[%swap3A, %swap3A_43], %swap3A_46 {strides = array<i32>} : memref<125x8xf32, #tpu.memory_space<vmem>>, vector<1x8xf32>,
      %scan3A_47 = arith.constant 0 : i32
      scf.yield %scan3A_47 : i32
    }
    %scan3A_27 = arith.constant 125 : i32
    %barrier3A = arith.constant 0 : index
    tpu.barrier barrier_id(%barrier3A)
    %scan3A_28 = arith.constant 0 : i32
    %scan3A_29 = arith.constant 0 : i32
    %scan3A_30 = arith.constant 5 : i32
    %scan3A_31 = arith.addi %scan3A_29, %scan3A_30 : i32
    %scan3A_32 = arith.constant 1 : i32
    %scan3A_33 = scf.for %scan3A_40 = %scan3A_29 to %scan3A_31 step %scan3A_32 iter_args(%scan3A_41 = %scan3A_28) -> (i32)  : i32 {
      %mul3A_42 = arith.constant 16 : i32
      %mul3A_43 = arith.muli %scan3A_40, %mul3A_42 : i32
      %add3A_44 = arith.constant 0 : i32
      %add3A_45 = arith.addi %mul3A_43, %add3A_44 : i32
      %dma_start3A = arith.constant 0 : i32
      %dma_start3A_46 = tpu.memref_slice %arg4[%add3A_45, %dma_start3A] : memref<80x125xi32, #tpu.memory_space<vmem>> -> memref<1x125xi32, #tpu.memory_space<vmem>>
      %dma_start3A_47 = tpu.memref_squeeze %dma_start3A_46 : memref<1x125xi32, #tpu.memory_space<vmem>> -> memref<125xi32, #tpu.memory_space<vmem>>
      %dma_start3A_48 = arith.constant 0 : i32
      %dma_start3A_49 = arith.constant 0 : i32
      %dma_start3A_50 = tpu.memref_slice %arg6[%dma_start3A_48, %dma_start3A_49] : memref<10000x8xf32, #tpu.memory_space<vmem_shared>> -> memref<10000x8xf32, #tpu.memory_space<vmem_shared>>
      tpu.enqueue_indirect_dma source(%arg5 : memref<125x8xf32, #tpu.memory_space<vmem>>) target(%dma_start3A_50 : memref<10000x8xf32, #tpu.memory_space<vmem_shared>>) offsets(%dma_start3A_47 : memref<125xi32, #tpu.memory_space<vmem>>) semaphore(%arg7 : memref<!tpu.dma_semaphore, #tpu.memory_space<semaphore_mem>>) {add = true}
      %mul3A_51 = arith.constant 16 : i32
      %mul3A_52 = arith.muli %scan3A_40, %mul3A_51 : i32
      %add3A_53 = arith.constant 1 : i32
      %add3A_54 = arith.addi %mul3A_52, %add3A_53 : i32
      %dma_start3A_55 = arith.constant 0 : i32
      %dma_start3A_56 = tpu.memref_slice %arg4[%add3A_54, %dma_start3A_55] : memref<80x125xi32, #tpu.memory_space<vmem>> -> memref<1x125xi32, #tpu.memory_space<vmem>>
      %dma_start3A_57 = tpu.memref_squeeze %dma_start3A_56 : memref<1x125xi32, #tpu.memory_space<vmem>> -> memref<125xi32, #tpu.memory_space<vmem>>
      %dma_start3A_58 = arith.constant 0 : i32
      %dma_start3A_59 = arith.constant 0 : i32
      %dma_start3A_60 = tpu.memref_slice %arg6[%dma_start3A_58, %dma_start3A_59] : memref<10000x8xf32, #tpu.memory_space<vmem_shared>> -> memref<10000x8xf32, #tpu.memory_space<vmem_shared>>
      tpu.enqueue_indirect_dma source(%arg5 : memref<125x8xf32, #tpu.memory_space<vmem>>) target(%dma_start3A_60 : memref<10000x8xf32, #tpu.memory_space<vmem_shared>>) offsets(%dma_start3A_57 : memref<125xi32, #tpu.memory_space<vmem>>) semaphore(%arg7 : memref<!tpu.dma_semaphore, #tpu.memory_space<semaphore_mem>>) {add = true}
      %mul3A_61 = arith.constant 16 : i32
      %mul3A_62 = arith.muli %scan3A_40, %mul3A_61 : i32
      %add3A_63 = arith.constant 2 : i32
      %add3A_64 = arith.addi %mul3A_62, %add3A_63 : i32
      %dma_start3A_65 = arith.constant 0 : i32
      %dma_start3A_66 = tpu.memref_slice %arg4[%add3A_64, %dma_start3A_65] : memref<80x125xi32, #tpu.memory_space<vmem>> -> memref<1x125xi32, #tpu.memory_space<vmem>>
      %dma_start3A_67 = tpu.memref_squeeze %dma_start3A_66 : memref<1x125xi32, #tpu.memory_space<vmem>> -> memref<125xi32, #tpu.memory_space<vmem>>
      %dma_start3A_68 = arith.constant 0 : i32
      %dma_start3A_69 = arith.constant 0 : i32
      %dma_start3A_70 = tpu.memref_slice %arg6[%dma_start3A_68, %dma_start3A_69] : memref<10000x8xf32, #tpu.memory_space<vmem_shared>> -> memref<10000x8xf32, #tpu.memory_space<vmem_shared>>
      tpu.enqueue_indirect_dma source(%arg5 : memref<125x8xf32, #tpu.memory_space<vmem>>) target(%dma_start3A_70 : memref<10000x8xf32, #tpu.memory_space<vmem_shared>>) offsets(%dma_start3A_67 : memref<125xi32, #tpu.memory_space<vmem>>) semaphore(%arg7 : memref<!tpu.dma_semaphore, #tpu.memory_space<semaphore_mem>>) {add = true}
      %mul3A_71 = arith.constant 16 : i32
      %mul3A_72 = arith.muli %scan3A_40, %mul3A_71 : i32
      %add3A_73 = arith.constant 3 : i32
      %add3A_74 = arith.addi %mul3A_72, %add3A_73 : i32
      %dma_start3A_75 = arith.constant 0 : i32
      %dma_start3A_76 = tpu.memref_slice %arg4[%add3A_74, %dma_start3A_75] : memref<80x125xi32, #tpu.memory_space<vmem>> -> memref<1x125xi32, #tpu.memory_space<vmem>>
      %dma_start3A_77 = tpu.memref_squeeze %dma_start3A_76 : memref<1x125xi32, #tpu.memory_space<vmem>> -> memref<125xi32, #tpu.memory_space<vmem>>
      %dma_start3A_78 = arith.constant 0 : i32
      %dma_start3A_79 = arith.constant 0 : i32
      %dma_start3A_80 = tpu.memref_slice %arg6[%dma_start3A_78, %dma_start3A_79] : memref<10000x8xf32, #tpu.memory_space<vmem_shared>> -> memref<10000x8xf32, #tpu.memory_space<vmem_shared>>
      tpu.enqueue_indirect_dma source(%arg5 : memref<125x8xf32, #tpu.memory_space<vmem>>) target(%dma_start3A_80 : memref<10000x8xf32, #tpu.memory_space<vmem_shared>>) offsets(%dma_start3A_77 : memref<125xi32, #tpu.memory_space<vmem>>) semaphore(%arg7 : memref<!tpu.dma_semaphore, #tpu.memory_space<semaphore_mem>>) {add = true}
      %mul3A_81 = arith.constant 16 : i32
      %mul3A_82 = arith.muli %scan3A_40, %mul3A_81 : i32
      %add3A_83 = arith.constant 4 : i32
      %add3A_84 = arith.addi %mul3A_82, %add3A_83 : i32
      %dma_start3A_85 = arith.constant 0 : i32
      %dma_start3A_86 = tpu.memref_slice %arg4[%add3A_84, %dma_start3A_85] : memref<80x125xi32, #tpu.memory_space<vmem>> -> memref<1x125xi32, #tpu.memory_space<vmem>>
      %dma_start3A_87 = tpu.memref_squeeze %dma_start3A_86 : memref<1x125xi32, #tpu.memory_space<vmem>> -> memref<125xi32, #tpu.memory_space<vmem>>
      %dma_start3A_88 = arith.constant 0 : i32
      %dma_start3A_89 = arith.constant 0 : i32
      %dma_start3A_90 = tpu.memref_slice %arg6[%dma_start3A_88, %dma_start3A_89] : memref<10000x8xf32, #tpu.memory_space<vmem_shared>> -> memref<10000x8xf32, #tpu.memory_space<vmem_shared>>
      tpu.enqueue_indirect_dma source(%arg5 : memref<125x8xf32, #tpu.memory_space<vmem>>) target(%dma_start3A_90 : memref<10000x8xf32, #tpu.memory_space<vmem_shared>>) offsets(%dma_start3A_87 : memref<125xi32, #tpu.memory_space<vmem>>) semaphore(%arg7 : memref<!tpu.dma_semaphore, #tpu.memory_space<semaphore_mem>>) {add = true}
      %mul3A_91 = arith.constant 16 : i32
      %mul3A_92 = arith.muli %scan3A_40, %mul3A_91 : i32
      %add3A_93 = arith.constant 5 : i32
      %add3A_94 = arith.addi %mul3A_92, %add3A_93 : i32
      %dma_start3A_95 = arith.constant 0 : i32
      %dma_start3A_96 = tpu.memref_slice %arg4[%add3A_94, %dma_start3A_95] : memref<80x125xi32, #tpu.memory_space<vmem>> -> memref<1x125xi32, #tpu.memory_space<vmem>>
      %dma_start3A_97 = tpu.memref_squeeze %dma_start3A_96 : memref<1x125xi32, #tpu.memory_space<vmem>> -> memref<125xi32, #tpu.memory_space<vmem>>
      %dma_start3A_98 = arith.constant 0 : i32
      %dma_start3A_99 = arith.constant 0 : i32
      %dma_start3A_100 = tpu.memref_slice %arg6[%dma_start3A_98, %dma_start3A_99] : memref<10000x8xf32, #tpu.memory_space<vmem_shared>> -> memref<10000x8xf32, #tpu.memory_space<vmem_shared>>
      tpu.enqueue_indirect_dma source(%arg5 : memref<125x8xf32, #tpu.memory_space<vmem>>) target(%dma_start3A_100 : memref<10000x8xf32, #tpu.memory_space<vmem_shared>>) offsets(%dma_start3A_97 : memref<125xi32, #tpu.memory_space<vmem>>) semaphore(%arg7 : memref<!tpu.dma_semaphore, #tpu.memory_space<semaphore_mem>>) {add = true}
      %mul3A_101 = arith.constant 16 : i32
      %mul3A_102 = arith.muli %scan3A_40, %mul3A_101 : i32
      %add3A_103 = arith.constant 6 : i32
      %add3A_104 = arith.addi %mul3A_102, %add3A_103 : i32
      %dma_start3A_105 = arith.constant 0 : i32
      %dma_start3A_106 = tpu.memref_slice %arg4[%add3A_104, %dma_start3A_105] : memref<80x125xi32, #tpu.memory_space<vmem>> -> memref<1x125xi32, #tpu.memory_space<vmem>>
      %dma_start3A_107 = tpu.memref_squeeze %dma_start3A_106 : memref<1x125xi32, #tpu.memory_space<vmem>> -> memref<125xi32, #tpu.memory_space<vmem>>
      %dma_start3A_108 = arith.constant 0 : i32
      %dma_start3A_109 = arith.constant 0 : i32
      %dma_start3A_110 = tpu.memref_slice %arg6[%dma_start3A_108, %dma_start3A_109] : memref<10000x8xf32, #tpu.memory_space<vmem_shared>> -> memref<10000x8xf32, #tpu.memory_space<vmem_shared>>
      tpu.enqueue_indirect_dma source(%arg5 : memref<125x8xf32, #tpu.memory_space<vmem>>) target(%dma_start3A_110 : memref<10000x8xf32, #tpu.memory_space<vmem_shared>>) offsets(%dma_start3A_107 : memref<125xi32, #tpu.memory_space<vmem>>) semaphore(%arg7 : memref<!tpu.dma_semaphore, #tpu.memory_space<semaphore_mem>>) {add = true}
      %mul3A_111 = arith.constant 16 : i32
      %mul3A_112 = arith.muli %scan3A_40, %mul3A_111 : i32
      %add3A_113 = arith.constant 7 : i32
      %add3A_114 = arith.addi %mul3A_112, %add3A_113 : i32
      %dma_start3A_115 = arith.constant 0 : i32
      %dma_start3A_116 = tpu.memref_slice %arg4[%add3A_114, %dma_start3A_115] : memref<80x125xi32, #tpu.memory_space<vmem>> -> memref<1x125xi32, #tpu.memory_space<vmem>>
      %dma_start3A_117 = tpu.memref_squeeze %dma_start3A_116 : memref<1x125xi32, #tpu.memory_space<vmem>> -> memref<125xi32, #tpu.memory_space<vmem>>
      %dma_start3A_118 = arith.constant 0 : i32
      %dma_start3A_119 = arith.constant 0 : i32
      %dma_start3A_120 = tpu.memref_slice %arg6[%dma_start3A_118, %dma_start3A_119] : memref<10000x8xf32, #tpu.memory_space<vmem_shared>> -> memref<10000x8xf32, #tpu.memory_space<vmem_shared>>
      tpu.enqueue_indirect_dma source(%arg5 : memref<125x8xf32, #tpu.memory_space<vmem>>) target(%dma_start3A_120 : memref<10000x8xf32, #tpu.memory_space<vmem_shared>>) offsets(%dma_start3A_117 : memref<125xi32, #tpu.memory_space<vmem>>) semaphore(%arg7 : memref<!tpu.dma_semaphore, #tpu.memory_space<semaphore_mem>>) {add = true}
      %mul3A_121 = arith.constant 16 : i32
      %mul3A_122 = arith.muli %scan3A_40, %mul3A_121 : i32
      %add3A_123 = arith.constant 8 : i32
      %add3A_124 = arith.addi %mul3A_122, %add3A_123 : i32
      %dma_start3A_125 = arith.constant 0 : i32
      %dma_start3A_126 = tpu.memref_slice %arg4[%add3A_124, %dma_start3A_125] : memref<80x125xi32, #tpu.memory_space<vmem>> -> memref<1x125xi32, #tpu.memory_space<vmem>>
      %dma_start3A_127 = tpu.memref_squeeze %dma_start3A_126 : memref<1x125xi32, #tpu.memory_space<vmem>> -> memref<125xi32, #tpu.memory_space<vmem>>
      %dma_start3A_128 = arith.constant 0 : i32
      %dma_start3A_129 = arith.constant 0 : i32
      %dma_start3A_130 = tpu.memref_slice %arg6[%dma_start3A_128, %dma_start3A_129] : memref<10000x8xf32, #tpu.memory_space<vmem_shared>> -> memref<10000x8xf32, #tpu.memory_space<vmem_shared>>
      tpu.enqueue_indirect_dma source(%arg5 : memref<125x8xf32, #tpu.memory_space<vmem>>) target(%dma_start3A_130 : memref<10000x8xf32, #tpu.memory_space<vmem_shared>>) offsets(%dma_start3A_127 : memref<125xi32, #tpu.memory_space<vmem>>) semaphore(%arg7 : memref<!tpu.dma_semaphore, #tpu.memory_space<semaphore_mem>>) {add = true}
      %mul3A_131 = arith.constant 16 : i32
      %mul3A_132 = arith.muli %scan3A_40, %mul3A_131 : i32
      %add3A_133 = arith.constant 9 : i32
      %add3A_134 = arith.addi %mul3A_132, %add3A_133 : i32
      %dma_start3A_135 = arith.constant 0 : i32
      %dma_start3A_136 = tpu.memref_slice %arg4[%add3A_134, %dma_start3A_135] : memref<80x125xi32, #tpu.memory_space<vmem>> -> memref<1x125xi32, #tpu.memory_space<vmem>>
      %dma_start3A_137 = tpu.memref_squeeze %dma_start3A_136 : memref<1x125xi32, #tpu.memory_space<vmem>> -> memref<125xi32, #tpu.memory_space<vmem>>
      %dma_start3A_138 = arith.constant 0 : i32
      %dma_start3A_139 = arith.constant 0 : i32
      %dma_start3A_140 = tpu.memref_slice %arg6[%dma_start3A_138, %dma_start3A_139] : memref<10000x8xf32, #tpu.memory_space<vmem_shared>> -> memref<10000x8xf32, #tpu.memory_space<vmem_shared>>
      tpu.enqueue_indirect_dma source(%arg5 : memref<125x8xf32, #tpu.memory_space<vmem>>) target(%dma_start3A_140 : memref<10000x8xf32, #tpu.memory_space<vmem_shared>>) offsets(%dma_start3A_137 : memref<125xi32, #tpu.memory_space<vmem>>) semaphore(%arg7 : memref<!tpu.dma_semaphore, #tpu.memory_space<semaphore_mem>>) {add = true}
      %mul3A_141 = arith.constant 16 : i32
      %mul3A_142 = arith.muli %scan3A_40, %mul3A_141 : i32
      %add3A_143 = arith.constant 10 : i32
      %add3A_144 = arith.addi %mul3A_142, %add3A_143 : i32
      %dma_start3A_145 = arith.constant 0 : i32
      %dma_start3A_146 = tpu.memref_slice %arg4[%add3A_144, %dma_start3A_145] : memref<80x125xi32, #tpu.memory_space<vmem>> -> memref<1x125xi32, #tpu.memory_space<vmem>>
      %dma_start3A_147 = tpu.memref_squeeze %dma_start3A_146 : memref<1x125xi32, #tpu.memory_space<vmem>> -> memref<125xi32, #tpu.memory_space<vmem>>
      %dma_start3A_148 = arith.constant 0 : i32
      %dma_start3A_149 = arith.constant 0 : i32
      %dma_start3A_150 = tpu.memref_slice %arg6[%dma_start3A_148, %dma_start3A_149] : memref<10000x8xf32, #tpu.memory_space<vmem_shared>> -> memref<10000x8xf32, #tpu.memory_space<vmem_shared>>
      tpu.enqueue_indirect_dma source(%arg5 : memref<125x8xf32, #tpu.memory_space<vmem>>) target(%dma_start3A_150 : memref<10000x8xf32, #tpu.memory_space<vmem_shared>>) offsets(%dma_start3A_147 : memref<125xi32, #tpu.memory_space<vmem>>) semaphore(%arg7 : memref<!tpu.dma_semaphore, #tpu.memory_space<semaphore_mem>>) {add = true}
      %mul3A_151 = arith.constant 16 : i32
      %mul3A_152 = arith.muli %scan3A_40, %mul3A_151 : i32
      %add3A_153 = arith.constant 11 : i32
      %add3A_154 = arith.addi %mul3A_152, %add3A_153 : i32
      %dma_start3A_155 = arith.constant 0 : i32
      %dma_start3A_156 = tpu.memref_slice %arg4[%add3A_154, %dma_start3A_155] : memref<80x125xi32, #tpu.memory_space<vmem>> -> memref<1x125xi32, #tpu.memory_space<vmem>>
      %dma_start3A_157 = tpu.memref_squeeze %dma_start3A_156 : memref<1x125xi32, #tpu.memory_space<vmem>> -> memref<125xi32, #tpu.memory_space<vmem>>
      %dma_start3A_158 = arith.constant 0 : i32
      %dma_start3A_159 = arith.constant 0 : i32
      %dma_start3A_160 = tpu.memref_slice %arg6[%dma_start3A_158, %dma_start3A_159] : memref<10000x8xf32, #tpu.memory_space<vmem_shared>> -> memref<10000x8xf32, #tpu.memory_space<vmem_shared>>
      tpu.enqueue_indirect_dma source(%arg5 : memref<125x8xf32, #tpu.memory_space<vmem>>) target(%dma_start3A_160 : memref<10000x8xf32, #tpu.memory_space<vmem_shared>>) offsets(%dma_start3A_157 : memref<125xi32, #tpu.memory_space<vmem>>) semaphore(%arg7 : memref<!tpu.dma_semaphore, #tpu.memory_space<semaphore_mem>>) {add = true}
      %mul3A_161 = arith.constant 16 : i32
      %mul3A_162 = arith.muli %scan3A_40, %mul3A_161 : i32
      %add3A_163 = arith.constant 12 : i32
      %add3A_164 = arith.addi %mul3A_162, %add3A_163 : i32
      %dma_start3A_165 = arith.constant 0 : i32
      %dma_start3A_166 = tpu.memref_slice %arg4[%add3A_164, %dma_start3A_165] : memref<80x125xi32, #tpu.memory_space<vmem>> -> memref<1x125xi32, #tpu.memory_space<vmem>>
      %dma_start3A_167 = tpu.memref_squeeze %dma_start3A_166 : memref<1x125xi32, #tpu.memory_space<vmem>> -> memref<125xi32, #tpu.memory_space<vmem>>
      %dma_start3A_168 = arith.constant 0 : i32
      %dma_start3A_169 = arith.constant 0 : i32
      %dma_start3A_170 = tpu.memref_slice %arg6[%dma_start3A_168, %dma_start3A_169] : memref<10000x8xf32, #tpu.memory_space<vmem_shared>> -> memref<10000x8xf32, #tpu.memory_space<vmem_shared>>
      tpu.enqueue_indirect_dma source(%arg5 : memref<125x8xf32, #tpu.memory_space<vmem>>) target(%dma_start3A_170 : memref<10000x8xf32, #tpu.memory_space<vmem_shared>>) offsets(%dma_start3A_167 : memref<125xi32, #tpu.memory_space<vmem>>) semaphore(%arg7 : memref<!tpu.dma_semaphore, #tpu.memory_space<semaphore_mem>>) {add = true}
      %mul3A_171 = arith.constant 16 : i32
      %mul3A_172 = arith.muli %scan3A_40, %mul3A_171 : i32
      %add3A_173 = arith.constant 13 : i32
      %add3A_174 = arith.addi %mul3A_172, %add3A_173 : i32
      %dma_start3A_175 = arith.constant 0 : i32
      %dma_start3A_176 = tpu.memref_slice %arg4[%add3A_174, %dma_start3A_175] : memref<80x125xi32, #tpu.memory_space<vmem>> -> memref<1x125xi32, #tpu.memory_space<vmem>>
      %dma_start3A_177 = tpu.memref_squeeze %dma_start3A_176 : memref<1x125xi32, #tpu.memory_space<vmem>> -> memref<125xi32, #tpu.memory_space<vmem>>
      %dma_start3A_178 = arith.constant 0 : i32
      %dma_start3A_179 = arith.constant 0 : i32
      %dma_start3A_180 = tpu.memref_slice %arg6[%dma_start3A_178, %dma_start3A_179] : memref<10000x8xf32, #tpu.memory_space<vmem_shared>> -> memref<10000x8xf32, #tpu.memory_space<vmem_shared>>
      tpu.enqueue_indirect_dma source(%arg5 : memref<125x8xf32, #tpu.memory_space<vmem>>) target(%dma_start3A_180 : memref<10000x8xf32, #tpu.memory_space<vmem_shared>>) offsets(%dma_start3A_177 : memref<125xi32, #tpu.memory_space<vmem>>) semaphore(%arg7 : memref<!tpu.dma_semaphore, #tpu.memory_space<semaphore_mem>>) {add = true}
      %mul3A_181 = arith.constant 16 : i32
      %mul3A_182 = arith.muli %scan3A_40, %mul3A_181 : i32
      %add3A_183 = arith.constant 14 : i32
      %add3A_184 = arith.addi %mul3A_182, %add3A_183 : i32
      %dma_start3A_185 = arith.constant 0 : i32
      %dma_start3A_186 = tpu.memref_slice %arg4[%add3A_184, %dma_start3A_185] : memref<80x125xi32, #tpu.memory_space<vmem>> -> memref<1x125xi32, #tpu.memory_space<vmem>>
      %dma_start3A_187 = tpu.memref_squeeze %dma_start3A_186 : memref<1x125xi32, #tpu.memory_space<vmem>> -> memref<125xi32, #tpu.memory_space<vmem>>
      %dma_start3A_188 = arith.constant 0 : i32
      %dma_start3A_189 = arith.constant 0 : i32
      %dma_start3A_190 = tpu.memref_slice %arg6[%dma_start3A_188, %dma_start3A_189] : memref<10000x8xf32, #tpu.memory_space<vmem_shared>> -> memref<10000x8xf32, #tpu.memory_space<vmem_shared>>
      tpu.enqueue_indirect_dma source(%arg5 : memref<125x8xf32, #tpu.memory_space<vmem>>) target(%dma_start3A_190 : memref<10000x8xf32, #tpu.memory_space<vmem_shared>>) offsets(%dma_start3A_187 : memref<125xi32, #tpu.memory_space<vmem>>) semaphore(%arg7 : memref<!tpu.dma_semaphore, #tpu.memory_space<semaphore_mem>>) {add = true}
      %mul3A_191 = arith.constant 16 : i32
      %mul3A_192 = arith.muli %scan3A_40, %mul3A_191 : i32
      %add3A_193 = arith.constant 15 : i32
      %add3A_194 = arith.addi %mul3A_192, %add3A_193 : i32
      %dma_start3A_195 = arith.constant 0 : i32
      %dma_start3A_196 = tpu.memref_slice %arg4[%add3A_194, %dma_start3A_195] : memref<80x125xi32, #tpu.memory_space<vmem>> -> memref<1x125xi32, #tpu.memory_space<vmem>>
      %dma_start3A_197 = tpu.memref_squeeze %dma_start3A_196 : memref<1x125xi32, #tpu.memory_space<vmem>> -> memref<125xi32, #tpu.memory_space<vmem>>
      %dma_start3A_198 = arith.constant 0 : i32
      %dma_start3A_199 = arith.constant 0 : i32
      %dma_start3A_200 = tpu.memref_slice %arg6[%dma_start3A_198, %dma_start3A_199] : memref<10000x8xf32, #tpu.memory_space<vmem_shared>> -> memref<10000x8xf32, #tpu.memory_space<vmem_shared>>
      tpu.enqueue_indirect_dma source(%arg5 : memref<125x8xf32, #tpu.memory_space<vmem>>) target(%dma_start3A_200 : memref<10000x8xf32, #tpu.memory_space<vmem_shared>>) offsets(%dma_start3A_197 : memref<125xi32, #tpu.memory_space<vmem>>) semaphore(%arg7 : memref<!tpu.dma_semaphore, #tpu.memory_space<semaphore_mem>>) {add = true}
      %dma_wait3A = arith.constant 0 : i32
      %dma_wait3A_201 = tpu.memref_slice %arg4[%add3A_45, %dma_wait3A] : memref<80x125xi32, #tpu.memory_space<vmem>> -> memref<1x125xi32, #tpu.memory_space<vmem>>
      %dma_wait3A_202 = tpu.memref_squeeze %dma_wait3A_201 : memref<1x125xi32, #tpu.memory_space<vmem>> -> memref<125xi32, #tpu.memory_space<vmem>>
      %dma_wait3A_203 = arith.constant 0 : i32
      %dma_wait3A_204 = arith.constant 0 : i32
      %dma_wait3A_205 = tpu.memref_slice %arg6[%dma_wait3A_203, %dma_wait3A_204] : memref<10000x8xf32, #tpu.memory_space<vmem_shared>> -> memref<10000x8xf32, #tpu.memory_space<vmem_shared>>
      tpu.wait_indirect_dma semaphore(%arg7 : memref<!tpu.dma_semaphore, #tpu.memory_space<semaphore_mem>>) src(%arg5 : memref<125x8xf32, #tpu.memory_space<vmem>>) dst(%dma_wait3A_205 : memref<10000x8xf32, #tpu.memory_space<vmem_shared>>)
      %dma_wait3A_206 = arith.constant 0 : i32
      %dma_wait3A_207 = tpu.memref_slice %arg4[%add3A_54, %dma_wait3A_206] : memref<80x125xi32, #tpu.memory_space<vmem>> -> memref<1x125xi32, #tpu.memory_space<vmem>>
      %dma_wait3A_208 = tpu.memref_squeeze %dma_wait3A_207 : memref<1x125xi32, #tpu.memory_space<vmem>> -> memref<125xi32, #tpu.memory_space<vmem>>
      %dma_wait3A_209 = arith.constant 0 : i32
      %dma_wait3A_210 = arith.constant 0 : i32
      %dma_wait3A_211 = tpu.memref_slice %arg6[%dma_wait3A_209, %dma_wait3A_210] : memref<10000x8xf32, #tpu.memory_space<vmem_shared>> -> memref<10000x8xf32, #tpu.memory_space<vmem_shared>>
      tpu.wait_indirect_dma semaphore(%arg7 : memref<!tpu.dma_semaphore, #tpu.memory_space<semaphore_mem>>) src(%arg5 : memref<125x8xf32, #tpu.memory_space<vmem>>) dst(%dma_wait3A_211 : memref<10000x8xf32, #tpu.memory_space<vmem_shared>>)
      %dma_wait3A_212 = arith.constant 0 : i32
      %dma_wait3A_213 = tpu.memref_slice %arg4[%add3A_64, %dma_wait3A_212] : memref<80x125xi32, #tpu.memory_space<vmem>> -> memref<1x125xi32, #tpu.memory_space<vmem>>
      %dma_wait3A_214 = tpu.memref_squeeze %dma_wait3A_213 : memref<1x125xi32, #tpu.memory_space<vmem>> -> memref<125xi32, #tpu.memory_space<vmem>>
      %dma_wait3A_215 = arith.constant 0 : i32
      %dma_wait3A_216 = arith.constant 0 : i32
      %dma_wait3A_217 = tpu.memref_slice %arg6[%dma_wait3A_215, %dma_wait3A_216] : memref<10000x8xf32, #tpu.memory_space<vmem_shared>> -> memref<10000x8xf32, #tpu.memory_space<vmem_shared>>
      tpu.wait_indirect_dma semaphore(%arg7 : memref<!tpu.dma_semaphore, #tpu.memory_space<semaphore_mem>>) src(%arg5 : memref<125x8xf32, #tpu.memory_space<vmem>>) dst(%dma_wait3A_217 : memref<10000x8xf32, #tpu.memory_space<vmem_shared>>)
      %dma_wait3A_218 = arith.constant 0 : i32
      %dma_wait3A_219 = tpu.memref_slice %arg4[%add3A_74, %dma_wait3A_218] : memref<80x125xi32, #tpu.memory_space<vmem>> -> memref<1x125xi32, #tpu.memory_space<vmem>>
      %dma_wait3A_220 = tpu.memref_squeeze %dma_wait3A_219 : memref<1x125xi32, #tpu.memory_space<vmem>> -> memref<125xi32, #tpu.memory_space<vmem>>
      %dma_wait3A_221 = arith.constant 0 : i32
      %dma_wait3A_222 = arith.constant 0 : i32
      %dma_wait3A_223 = tpu.memref_slice %arg6[%dma_wait3A_221, %dma_wait3A_222] : memref<10000x8xf32, #tpu.memory_space<vmem_shared>> -> memref<10000x8xf32, #tpu.memory_space<vmem_shared>>
      tpu.wait_indirect_dma semaphore(%arg7 : memref<!tpu.dma_semaphore, #tpu.memory_space<semaphore_mem>>) src(%arg5 : memref<125x8xf32, #tpu.memory_space<vmem>>) dst(%dma_wait3A_223 : memref<10000x8xf32, #tpu.memory_space<vmem_shared>>)
      %dma_wait3A_224 = arith.constant 0 : i32
      %dma_wait3A_225 = tpu.memref_slice %arg4[%add3A_84, %dma_wait3A_224] : memref<80x125xi32, #tpu.memory_space<vmem>> -> memref<1x125xi32, #tpu.memory_space<vmem>>
      %dma_wait3A_226 = tpu.memref_squeeze %dma_wait3A_225 : memref<1x125xi32, #tpu.memory_space<vmem>> -> memref<125xi32, #tpu.memory_space<vmem>>
      %dma_wait3A_227 = arith.constant 0 : i32
      %dma_wait3A_228 = arith.constant 0 : i32
      %dma_wait3A_229 = tpu.memref_slice %arg6[%dma_wait3A_227, %dma_wait3A_228] : memref<10000x8xf32, #tpu.memory_space<vmem_shared>> -> memref<10000x8xf32, #tpu.memory_space<vmem_shared>>
      tpu.wait_indirect_dma semaphore(%arg7 : memref<!tpu.dma_semaphore, #tpu.memory_space<semaphore_mem>>) src(%arg5 : memref<125x8xf32, #tpu.memory_space<vmem>>) dst(%dma_wait3A_229 : memref<10000x8xf32, #tpu.memory_space<vmem_shared>>)
      %dma_wait3A_230 = arith.constant 0 : i32
      %dma_wait3A_231 = tpu.memref_slice %arg4[%add3A_94, %dma_wait3A_230] : memref<80x125xi32, #tpu.memory_space<vmem>> -> memref<1x125xi32, #tpu.memory_space<vmem>>
      %dma_wait3A_232 = tpu.memref_squeeze %dma_wait3A_231 : memref<1x125xi32, #tpu.memory_space<vmem>> -> memref<125xi32, #tpu.memory_space<vmem>>
      %dma_wait3A_233 = arith.constant 0 : i32
      %dma_wait3A_234 = arith.constant 0 : i32
      %dma_wait3A_235 = tpu.memref_slice %arg6[%dma_wait3A_233, %dma_wait3A_234] : memref<10000x8xf32, #tpu.memory_space<vmem_shared>> -> memref<10000x8xf32, #tpu.memory_space<vmem_shared>>
      tpu.wait_indirect_dma semaphore(%arg7 : memref<!tpu.dma_semaphore, #tpu.memory_space<semaphore_mem>>) src(%arg5 : memref<125x8xf32, #tpu.memory_space<vmem>>) dst(%dma_wait3A_235 : memref<10000x8xf32, #tpu.memory_space<vmem_shared>>)
      %dma_wait3A_236 = arith.constant 0 : i32
      %dma_wait3A_237 = tpu.memref_slice %arg4[%add3A_104, %dma_wait3A_236] : memref<80x125xi32, #tpu.memory_space<vmem>> -> memref<1x125xi32, #tpu.memory_space<vmem>>
      %dma_wait3A_238 = tpu.memref_squeeze %dma_wait3A_237 : memref<1x125xi32, #tpu.memory_space<vmem>> -> memref<125xi32, #tpu.memory_space<vmem>>
      %dma_wait3A_239 = arith.constant 0 : i32
      %dma_wait3A_240 = arith.constant 0 : i32
      %dma_wait3A_241 = tpu.memref_slice %arg6[%dma_wait3A_239, %dma_wait3A_240] : memref<10000x8xf32, #tpu.memory_space<vmem_shared>> -> memref<10000x8xf32, #tpu.memory_space<vmem_shared>>
      tpu.wait_indirect_dma semaphore(%arg7 : memref<!tpu.dma_semaphore, #tpu.memory_space<semaphore_mem>>) src(%arg5 : memref<125x8xf32, #tpu.memory_space<vmem>>) dst(%dma_wait3A_241 : memref<10000x8xf32, #tpu.memory_space<vmem_shared>>)
      %dma_wait3A_242 = arith.constant 0 : i32
      %dma_wait3A_243 = tpu.memref_slice %arg4[%add3A_114, %dma_wait3A_242] : memref<80x125xi32, #tpu.memory_space<vmem>> -> memref<1x125xi32, #tpu.memory_space<vmem>>
      %dma_wait3A_244 = tpu.memref_squeeze %dma_wait3A_243 : memref<1x125xi32, #tpu.memory_space<vmem>> -> memref<125xi32, #tpu.memory_space<vmem>>
      %dma_wait3A_245 = arith.constant 0 : i32
      %dma_wait3A_246 = arith.constant 0 : i32
      %dma_wait3A_247 = tpu.memref_slice %arg6[%dma_wait3A_245, %dma_wait3A_246] : memref<10000x8xf32, #tpu.memory_space<vmem_shared>> -> memref<10000x8xf32, #tpu.memory_space<vmem_shared>>
      tpu.wait_indirect_dma semaphore(%arg7 : memref<!tpu.dma_semaphore, #tpu.memory_space<semaphore_mem>>) src(%arg5 : memref<125x8xf32, #tpu.memory_space<vmem>>) dst(%dma_wait3A_247 : memref<10000x8xf32, #tpu.memory_space<vmem_shared>>)
      %dma_wait3A_248 = arith.constant 0 : i32
      %dma_wait3A_249 = tpu.memref_slice %arg4[%add3A_124, %dma_wait3A_248] : memref<80x125xi32, #tpu.memory_space<vmem>> -> memref<1x125xi32, #tpu.memory_space<vmem>>
      %dma_wait3A_250 = tpu.memref_squeeze %dma_wait3A_249 : memref<1x125xi32, #tpu.memory_space<vmem>> -> memref<125xi32, #tpu.memory_space<vmem>>
      %dma_wait3A_251 = arith.constant 0 : i32
      %dma_wait3A_252 = arith.constant 0 : i32
      %dma_wait3A_253 = tpu.memref_slice %arg6[%dma_wait3A_251, %dma_wait3A_252] : memref<10000x8xf32, #tpu.memory_space<vmem_shared>> -> memref<10000x8xf32, #tpu.memory_space<vmem_shared>>
      tpu.wait_indirect_dma semaphore(%arg7 : memref<!tpu.dma_semaphore, #tpu.memory_space<semaphore_mem>>) src(%arg5 : memref<125x8xf32, #tpu.memory_space<vmem>>) dst(%dma_wait3A_253 : memref<10000x8xf32, #tpu.memory_space<vmem_shared>>)
      %dma_wait3A_254 = arith.constant 0 : i32
      %dma_wait3A_255 = tpu.memref_slice %arg4[%add3A_134, %dma_wait3A_254] : memref<80x125xi32, #tpu.memory_space<vmem>> -> memref<1x125xi32, #tpu.memory_space<vmem>>
      %dma_wait3A_256 = tpu.memref_squeeze %dma_wait3A_255 : memref<1x125xi32, #tpu.memory_space<vmem>> -> memref<125xi32, #tpu.memory_space<vmem>>
      %dma_wait3A_257 = arith.constant 0 : i32
      %dma_wait3A_258 = arith.constant 0 : i32
      %dma_wait3A_259 = tpu.memref_slice %arg6[%dma_wait3A_257, %dma_wait3A_258] : memref<10000x8xf32, #tpu.memory_space<vmem_shared>> -> memref<10000x8xf32, #tpu.memory_space<vmem_shared>>
      tpu.wait_indirect_dma semaphore(%arg7 : memref<!tpu.dma_semaphore, #tpu.memory_space<semaphore_mem>>) src(%arg5 : memref<125x8xf32, #tpu.memory_space<vmem>>) dst(%dma_wait3A_259 : memref<10000x8xf32, #tpu.memory_space<vmem_shared>>)
      %dma_wait3A_260 = arith.constant 0 : i32
      %dma_wait3A_261 = tpu.memref_slice %arg4[%add3A_144, %dma_wait3A_260] : memref<80x125xi32, #tpu.memory_space<vmem>> -> memref<1x125xi32, #tpu.memory_space<vmem>>
      %dma_wait3A_262 = tpu.memref_squeeze %dma_wait3A_261 : memref<1x125xi32, #tpu.memory_space<vmem>> -> memref<125xi32, #tpu.memory_space<vmem>>
      %dma_wait3A_263 = arith.constant 0 : i32
      %dma_wait3A_264 = arith.constant 0 : i32
      %dma_wait3A_265 = tpu.memref_slice %arg6[%dma_wait3A_263, %dma_wait3A_264] : memref<10000x8xf32, #tpu.memory_space<vmem_shared>> -> memref<10000x8xf32, #tpu.memory_space<vmem_shared>>
      tpu.wait_indirect_dma semaphore(%arg7 : memref<!tpu.dma_semaphore, #tpu.memory_space<semaphore_mem>>) src(%arg5 : memref<125x8xf32, #tpu.memory_space<vmem>>) dst(%dma_wait3A_265 : memref<10000x8xf32, #tpu.memory_space<vmem_shared>>)
      %dma_wait3A_266 = arith.constant 0 : i32
      %dma_wait3A_267 = tpu.memref_slice %arg4[%add3A_154, %dma_wait3A_266] : memref<80x125xi32, #tpu.memory_space<vmem>> -> memref<1x125xi32, #tpu.memory_space<vmem>>
      %dma_wait3A_268 = tpu.memref_squeeze %dma_wait3A_267 : memref<1x125xi32, #tpu.memory_space<vmem>> -> memref<125xi32, #tpu.memory_space<vmem>>
      %dma_wait3A_269 = arith.constant 0 : i32
      %dma_wait3A_270 = arith.constant 0 : i32
      %dma_wait3A_271 = tpu.memref_slice %arg6[%dma_wait3A_269, %dma_wait3A_270] : memref<10000x8xf32, #tpu.memory_space<vmem_shared>> -> memref<10000x8xf32, #tpu.memory_space<vmem_shared>>
      tpu.wait_indirect_dma semaphore(%arg7 : memref<!tpu.dma_semaphore, #tpu.memory_space<semaphore_mem>>) src(%arg5 : memref<125x8xf32, #tpu.memory_space<vmem>>) dst(%dma_wait3A_271 : memref<10000x8xf32, #tpu.memory_space<vmem_shared>>)
      %dma_wait3A_272 = arith.constant 0 : i32
      %dma_wait3A_273 = tpu.memref_slice %arg4[%add3A_164, %dma_wait3A_272] : memref<80x125xi32, #tpu.memory_space<vmem>> -> memref<1x125xi32, #tpu.memory_space<vmem>>
      %dma_wait3A_274 = tpu.memref_squeeze %dma_wait3A_273 : memref<1x125xi32, #tpu.memory_space<vmem>> -> memref<125xi32, #tpu.memory_space<vmem>>
      %dma_wait3A_275 = arith.constant 0 : i32
      %dma_wait3A_276 = arith.constant 0 : i32
      %dma_wait3A_277 = tpu.memref_slice %arg6[%dma_wait3A_275, %dma_wait3A_276] : memref<10000x8xf32, #tpu.memory_space<vmem_shared>> -> memref<10000x8xf32, #tpu.memory_space<vmem_shared>>
      tpu.wait_indirect_dma semaphore(%arg7 : memref<!tpu.dma_semaphore, #tpu.memory_space<semaphore_mem>>) src(%arg5 : memref<125x8xf32, #tpu.memory_space<vmem>>) dst(%dma_wait3A_277 : memref<10000x8xf32, #tpu.memory_space<vmem_shared>>)
      %dma_wait3A_278 = arith.constant 0 : i32
      %dma_wait3A_279 = tpu.memref_slice %arg4[%add3A_174, %dma_wait3A_278] : memref<80x125xi32, #tpu.memory_space<vmem>> -> memref<1x125xi32, #tpu.memory_space<vmem>>
      %dma_wait3A_280 = tpu.memref_squeeze %dma_wait3A_279 : memref<1x125xi32, #tpu.memory_space<vmem>> -> memref<125xi32, #tpu.memory_space<vmem>>
      %dma_wait3A_281 = arith.constant 0 : i32
      %dma_wait3A_282 = arith.constant 0 : i32
      %dma_wait3A_283 = tpu.memref_slice %arg6[%dma_wait3A_281, %dma_wait3A_282] : memref<10000x8xf32, #tpu.memory_space<vmem_shared>> -> memref<10000x8xf32, #tpu.memory_space<vmem_shared>>
      tpu.wait_indirect_dma semaphore(%arg7 : memref<!tpu.dma_semaphore, #tpu.memory_space<semaphore_mem>>) src(%arg5 : memref<125x8xf32, #tpu.memory_space<vmem>>) dst(%dma_wait3A_283 : memref<10000x8xf32, #tpu.memory_space<vmem_shared>>)
      %dma_wait3A_284 = arith.constant 0 : i32
      %dma_wait3A_285 = tpu.memref_slice %arg4[%add3A_184, %dma_wait3A_284] : memref<80x125xi32, #tpu.memory_space<vmem>> -> memref<1x125xi32, #tpu.memory_space<vmem>>
      %dma_wait3A_286 = tpu.memref_squeeze %dma_wait3A_285 : memref<1x125xi32, #tpu.memory_space<vmem>> -> memref<125xi32, #tpu.memory_space<vmem>>
      %dma_wait3A_287 = arith.constant 0 : i32
      %dma_wait3A_288 = arith.constant 0 : i32
      %dma_wait3A_289 = tpu.memref_slice %arg6[%dma_wait3A_287, %dma_wait3A_288] : memref<10000x8xf32, #tpu.memory_space<vmem_shared>> -> memref<10000x8xf32, #tpu.memory_space<vmem_shared>>
      tpu.wait_indirect_dma semaphore(%arg7 : memref<!tpu.dma_semaphore, #tpu.memory_space<semaphore_mem>>) src(%arg5 : memref<125x8xf32, #tpu.memory_space<vmem>>) dst(%dma_wait3A_289 : memref<10000x8xf32, #tpu.memory_space<vmem_shared>>)
      %dma_wait3A_290 = arith.constant 0 : i32
      %dma_wait3A_291 = tpu.memref_slice %arg4[%add3A_194, %dma_wait3A_290] : memref<80x125xi32, #tpu.memory_space<vmem>> -> memref<1x125xi32, #tpu.memory_space<vmem>>
      %dma_wait3A_292 = tpu.memref_squeeze %dma_wait3A_291 : memref<1x125xi32, #tpu.memory_space<vmem>> -> memref<125xi32, #tpu.memory_space<vmem>>
      %dma_wait3A_293 = arith.constant 0 : i32
      %dma_wait3A_294 = arith.constant 0 : i32
      %dma_wait3A_295 = tpu.memref_slice %arg6[%dma_wait3A_293, %dma_wait3A_294] : memref<10000x8xf32, #tpu.memory_space<vmem_shared>> -> memref<10000x8xf32, #tpu.memory_space<vmem_shared>>
      tpu.wait_indirect_dma semaphore(%arg7 : memref<!tpu.dma_semaphore, #tpu.memory_space<semaphore_mem>>) src(%arg5 : memref<125x8xf32, #tpu.memory_space<vmem>>) dst(%dma_wait3A_295 : memref<10000x8xf32, #tpu.memory_space<vmem_shared>>)
      %scan3A_296 = arith.constant 0 : i32
      scf.yield %scan3A_296 : i32
    }
    %scan3A_34 = arith.constant 5 : i32
    %barrier3A_35 = arith.constant 0 : index
    tpu.barrier barrier_id(%barrier3A_35)
    %mul3A_36 = arith.constant 624 : i32
    %mul3A_37 = arith.muli %arg1, %mul3A_36 : i32
    %multiple_of3A = tpu.assume_multiple %mul3A_37, 8 : i32
    "tpu.region"() ({
      %run_scoped3A = tpu.sem_alloc : memref<!tpu.dma_semaphore, #tpu.memory_space<semaphore_mem>>
      %dma_start3A = arith.constant 0 : i32
      %dma_start3A_40 = tpu.memref_slice %arg3[%arg0, %multiple_of3A, %dma_start3A] : memref<2x10000x8xf32, #tpu.memory_space<hbm>> -> memref<1x624x8xf32, #tpu.memory_space<hbm>>
      %dma_start3A_41 = tpu.memref_squeeze %dma_start3A_40 : memref<1x624x8xf32, #tpu.memory_space<hbm>> -> memref<624x8xf32, #tpu.memory_space<hbm>>
      %dma_start3A_42 = arith.constant 0 : i32
      %dma_start3A_43 = tpu.memref_slice %arg6[%multiple_of3A, %dma_start3A_42] : memref<10000x8xf32, #tpu.memory_space<vmem_shared>> -> memref<624x8xf32, #tpu.memory_space<vmem_shared>>
      tpu.enqueue_dma source(%dma_start3A_43 : memref<624x8xf32, #tpu.memory_space<vmem_shared>>) target(%dma_start3A_41 : memref<624x8xf32, #tpu.memory_space<hbm>>) target_semaphore(%run_scoped3A : memref<!tpu.dma_semaphore, #tpu.memory_space<semaphore_mem>>)
      %dma_wait3A = arith.constant 0 : i32
      %dma_wait3A_44 = tpu.memref_slice %arg3[%arg0, %multiple_of3A, %dma_wait3A] : memref<2x10000x8xf32, #tpu.memory_space<hbm>> -> memref<1x624x8xf32, #tpu.memory_space<hbm>>
      %dma_wait3A_45 = tpu.memref_squeeze %dma_wait3A_44 : memref<1x624x8xf32, #tpu.memory_space<hbm>> -> memref<624x8xf32, #tpu.memory_space<hbm>>
      %dma_wait3A_46 = arith.constant 0 : i32
      %dma_wait3A_47 = tpu.memref_slice %arg6[%multiple_of3A, %dma_wait3A_46] : memref<10000x8xf32, #tpu.memory_space<vmem_shared>> -> memref<624x8xf32, #tpu.memory_space<vmem_shared>>
      tpu.wait_dma2 semaphore(%run_scoped3A : memref<!tpu.dma_semaphore, #tpu.memory_space<semaphore_mem>>) src(%dma_wait3A_47 : memref<624x8xf32, #tpu.memory_space<vmem_shared>>) dst(%dma_wait3A_45 : memref<624x8xf32, #tpu.memory_space<hbm>>)
      tpu.yield
    }) : () -> ()
    %eq3A = arith.constant 0 : i32
    %eq3A_38 = arith.cmpi eq, %arg1, %eq3A : i32
    %convert_element_type3A = arith.extui %eq3A_38 : i1 to i32
    %cond3A = arith.constant 0 : i32
    %cond3A_39 = arith.cmpi ne, %convert_element_type3A, %cond3A : i32
    scf.if %cond3A_39 {
      "tpu.region"() ({
        %run_scoped3A = tpu.sem_alloc : memref<!tpu.dma_semaphore, #tpu.memory_space<semaphore_mem>>
        %dma_start3A = arith.constant 9984 : i32
        %dma_start3A_40 = arith.constant 0 : i32
        %dma_start3A_41 = tpu.memref_slice %arg3[%arg0, %dma_start3A, %dma_start3A_40] : memref<2x10000x8xf32, #tpu.memory_space<hbm>> -> memref<1x16x8xf32, #tpu.memory_space<hbm>>
        %dma_start3A_42 = tpu.memref_squeeze %dma_start3A_41 : memref<1x16x8xf32, #tpu.memory_space<hbm>> -> memref<16x8xf32, #tpu.memory_space<hbm>>
        %dma_start3A_43 = arith.constant 9984 : i32
        %dma_start3A_44 = arith.constant 0 : i32
        %dma_start3A_45 = tpu.memref_slice %arg6[%dma_start3A_43, %dma_start3A_44] : memref<10000x8xf32, #tpu.memory_space<vmem_shared>> -> memref<16x8xf32, #tpu.memory_space<vmem_shared>>
        tpu.enqueue_dma source(%dma_start3A_45 : memref<16x8xf32, #tpu.memory_space<vmem_shared>>) target(%dma_start3A_42 : memref<16x8xf32, #tpu.memory_space<hbm>>) target_semaphore(%run_scoped3A : memref<!tpu.dma_semaphore, #tpu.memory_space<semaphore_mem>>)
        %dma_wait3A = arith.constant 9984 : i32
        %dma_wait3A_46 = arith.constant 0 : i32
        %dma_wait3A_47 = tpu.memref_slice %arg3[%arg0, %dma_wait3A, %dma_wait3A_46] : memref<2x10000x8xf32, #tpu.memory_space<hbm>> -> memref<1x16x8xf32, #tpu.memory_space<hbm>>
        %dma_wait3A_48 = tpu.memref_squeeze %dma_wait3A_47 : memref<1x16x8xf32, #tpu.memory_space<hbm>> -> memref<16x8xf32, #tpu.memory_space<hbm>>
        %dma_wait3A_49 = arith.constant 9984 : i32
        %dma_wait3A_50 = arith.constant 0 : i32
        %dma_wait3A_51 = tpu.memref_slice %arg6[%dma_wait3A_49, %dma_wait3A_50] : memref<10000x8xf32, #tpu.memory_space<vmem_shared>> -> memref<16x8xf32, #tpu.memory_space<vmem_shared>>
        tpu.wait_dma2 semaphore(%run_scoped3A : memref<!tpu.dma_semaphore, #tpu.memory_space<semaphore_mem>>) src(%dma_wait3A_51 : memref<16x8xf32, #tpu.memory_space<vmem_shared>>) dst(%dma_wait3A_48 : memref<16x8xf32, #tpu.memory_space<hbm>>)
        tpu.yield
      }) : () -> ()
    } else {
    }
    return
  }
}

#map = affine_map<(d0, d1) -> (0, 0)>
#map1 = affine_map<(d0, d1) -> (0, 0, 0)>
module attributes {stable_mosaic.version = 14 : i64} {
  func.func @k(%arg0: i32, %arg1: i32, %arg2: memref<10000x32xf32, #tpu.memory_space<hbm>>, %arg3: memref<2560x125xi32, #tpu.memory_space<hbm>>, %arg4: memref<2560x125xi32, #tpu.memory_space<hbm>>, %arg5: memref<2x10000x32xf32, #tpu.memory_space<hbm>>, %arg6: memref<80x125xi32, #tpu.memory_space<vmem>>, %arg7: memref<80x125xi32, #tpu.memory_space<vmem>>, %arg8: memref<125x32xf32, #tpu.memory_space<vmem>>, %arg9: memref<125x32xf32, #tpu.memory_space<vmem>>, %arg10: memref<10000x32xf32, #tpu.memory_space<vmem_shared>>, %arg11: memref<!tpu.dma_semaphore, #tpu.memory_space<semaphore_mem>>, %arg12: memref<!tpu.dma_semaphore, #tpu.memory_space<semaphore_mem>>, %arg13: memref<!tpu.dma_semaphore, #tpu.memory_space<semaphore_mem>>, %arg14: memref<!tpu.dma_semaphore, #tpu.memory_space<semaphore_mem>>) attributes {dimension_semantics = [#tpu.dimension_semantics<core_parallel>, #tpu.dimension_semantics<subcore_parallel>], iteration_bounds = array<i64: 2, 16>, scalar_prefetch = 0 : i64, scratch_operands = 9 : i64, tpu.core_type = #tpu.core_type<sc_vector_subcore>, window_params = [{transform_indices = #map}, {transform_indices = #map}, {transform_indices = #map}, {transform_indices = #map1}]} {
    %mul3A = arith.constant 16 : i32
    %mul3A_0 = arith.muli %arg0, %mul3A : i32
    %add3A = arith.addi %mul3A_0, %arg1 : i32
    %mul3A_1 = arith.constant 625 : i32
    %mul3A_2 = arith.muli %arg1, %mul3A_1 : i32
    %scan3A = arith.constant 0 : i32
    %scan3A_3 = arith.constant 0 : i32
    %scan3A_4 = arith.constant 125 : i32
    %scan3A_5 = arith.addi %scan3A_3, %scan3A_4 : i32
    %scan3A_6 = arith.constant 1 : i32
    %scan3A_7 = scf.for %scan3A_89 = %scan3A_3 to %scan3A_5 step %scan3A_6 iter_args(%scan3A_90 = %scan3A) -> (i32)  : i32 {
      %broadcast_in_dim3A = arith.constant 0.000000e+00 : f32
      %broadcast_in_dim3A_91 = vector.broadcast %broadcast_in_dim3A : f32 to vector<16xf32>
      %swap3A = arith.index_cast %scan3A_89 : i32 to index
      %swap3A_92 = arith.constant 0 : index
      %swap3A_93 = tpu.vector_load %arg8[%swap3A, %swap3A_92] {strides = array<i32>} : memref<125x32xf32, #tpu.memory_space<vmem>>, vector<1x16xf32>,
      %swap3A_94 = vector.shape_cast %swap3A_93 : vector<1x16xf32> to vector<16xf32>
      %swap3A_95 = vector.shape_cast %broadcast_in_dim3A_91 : vector<16xf32> to vector<1x16xf32>
      tpu.vector_store %arg8[%swap3A, %swap3A_92], %swap3A_95 {strides = array<i32>} : memref<125x32xf32, #tpu.memory_space<vmem>>, vector<1x16xf32>,
      %broadcast_in_dim3A_96 = arith.constant 0.000000e+00 : f32
      %broadcast_in_dim3A_97 = vector.broadcast %broadcast_in_dim3A_96 : f32 to vector<16xf32>
      %swap3A_98 = arith.index_cast %scan3A_89 : i32 to index
      %swap3A_99 = arith.constant 16 : index
      %swap3A_100 = tpu.vector_load %arg8[%swap3A_98, %swap3A_99] {strides = array<i32>} : memref<125x32xf32, #tpu.memory_space<vmem>>, vector<1x16xf32>,
      %swap3A_101 = vector.shape_cast %swap3A_100 : vector<1x16xf32> to vector<16xf32>
      %swap3A_102 = vector.shape_cast %broadcast_in_dim3A_97 : vector<16xf32> to vector<1x16xf32>
      tpu.vector_store %arg8[%swap3A_98, %swap3A_99], %swap3A_102 {strides = array<i32>} : memref<125x32xf32, #tpu.memory_space<vmem>>, vector<1x16xf32>,
      %scan3A_103 = arith.constant 0 : i32
      scf.yield %scan3A_103 : i32
    }
    %scan3A_8 = arith.constant 125 : i32
    %add3A_9 = arith.constant 0 : i32
    %add3A_10 = arith.addi %mul3A_2, %add3A_9 : i32
    "tpu.region"() ({
      %run_scoped3A = tpu.sem_alloc : memref<!tpu.dma_semaphore, #tpu.memory_space<semaphore_mem>>
      %dma_start3A_89 = arith.constant 0 : i32
      %dma_start3A_90 = tpu.memref_slice %arg10[%add3A_10, %dma_start3A_89] : memref<10000x32xf32, #tpu.memory_space<vmem_shared>> -> memref<125x32xf32, #tpu.memory_space<vmem_shared>>
      %dma_start3A_91 = arith.constant 0 : i32
      %dma_start3A_92 = tpu.memref_slice %arg10[%add3A_10, %dma_start3A_91] : memref<10000x32xf32, #tpu.memory_space<vmem_shared>> -> memref<125x32xf32, #tpu.memory_space<vmem_shared>>
      tpu.enqueue_dma source(%arg8 : memref<125x32xf32, #tpu.memory_space<vmem>>) target(%dma_start3A_92 : memref<125x32xf32, #tpu.memory_space<vmem_shared>>) target_semaphore(%run_scoped3A : memref<!tpu.dma_semaphore, #tpu.memory_space<semaphore_mem>>)
      %dma_wait3A_93 = arith.constant 0 : i32
      %dma_wait3A_94 = tpu.memref_slice %arg10[%add3A_10, %dma_wait3A_93] : memref<10000x32xf32, #tpu.memory_space<vmem_shared>> -> memref<125x32xf32, #tpu.memory_space<vmem_shared>>
      %dma_wait3A_95 = arith.constant 0 : i32
      %dma_wait3A_96 = tpu.memref_slice %arg10[%add3A_10, %dma_wait3A_95] : memref<10000x32xf32, #tpu.memory_space<vmem_shared>> -> memref<125x32xf32, #tpu.memory_space<vmem_shared>>
      tpu.wait_dma2 semaphore(%run_scoped3A : memref<!tpu.dma_semaphore, #tpu.memory_space<semaphore_mem>>) src(%arg8 : memref<125x32xf32, #tpu.memory_space<vmem>>) dst(%dma_wait3A_96 : memref<125x32xf32, #tpu.memory_space<vmem_shared>>)
      tpu.yield
    }) : () -> ()
    %add3A_11 = arith.constant 125 : i32
    %add3A_12 = arith.addi %mul3A_2, %add3A_11 : i32
    "tpu.region"() ({
      %run_scoped3A = tpu.sem_alloc : memref<!tpu.dma_semaphore, #tpu.memory_space<semaphore_mem>>
      %dma_start3A_89 = arith.constant 0 : i32
      %dma_start3A_90 = tpu.memref_slice %arg10[%add3A_12, %dma_start3A_89] : memref<10000x32xf32, #tpu.memory_space<vmem_shared>> -> memref<125x32xf32, #tpu.memory_space<vmem_shared>>
      %dma_start3A_91 = arith.constant 0 : i32
      %dma_start3A_92 = tpu.memref_slice %arg10[%add3A_12, %dma_start3A_91] : memref<10000x32xf32, #tpu.memory_space<vmem_shared>> -> memref<125x32xf32, #tpu.memory_space<vmem_shared>>
      tpu.enqueue_dma source(%arg8 : memref<125x32xf32, #tpu.memory_space<vmem>>) target(%dma_start3A_92 : memref<125x32xf32, #tpu.memory_space<vmem_shared>>) target_semaphore(%run_scoped3A : memref<!tpu.dma_semaphore, #tpu.memory_space<semaphore_mem>>)
      %dma_wait3A_93 = arith.constant 0 : i32
      %dma_wait3A_94 = tpu.memref_slice %arg10[%add3A_12, %dma_wait3A_93] : memref<10000x32xf32, #tpu.memory_space<vmem_shared>> -> memref<125x32xf32, #tpu.memory_space<vmem_shared>>
      %dma_wait3A_95 = arith.constant 0 : i32
      %dma_wait3A_96 = tpu.memref_slice %arg10[%add3A_12, %dma_wait3A_95] : memref<10000x32xf32, #tpu.memory_space<vmem_shared>> -> memref<125x32xf32, #tpu.memory_space<vmem_shared>>
      tpu.wait_dma2 semaphore(%run_scoped3A : memref<!tpu.dma_semaphore, #tpu.memory_space<semaphore_mem>>) src(%arg8 : memref<125x32xf32, #tpu.memory_space<vmem>>) dst(%dma_wait3A_96 : memref<125x32xf32, #tpu.memory_space<vmem_shared>>)
      tpu.yield
    }) : () -> ()
    %add3A_13 = arith.constant 250 : i32
    %add3A_14 = arith.addi %mul3A_2, %add3A_13 : i32
    "tpu.region"() ({
      %run_scoped3A = tpu.sem_alloc : memref<!tpu.dma_semaphore, #tpu.memory_space<semaphore_mem>>
      %dma_start3A_89 = arith.constant 0 : i32
      %dma_start3A_90 = tpu.memref_slice %arg10[%add3A_14, %dma_start3A_89] : memref<10000x32xf32, #tpu.memory_space<vmem_shared>> -> memref<125x32xf32, #tpu.memory_space<vmem_shared>>
      %dma_start3A_91 = arith.constant 0 : i32
      %dma_start3A_92 = tpu.memref_slice %arg10[%add3A_14, %dma_start3A_91] : memref<10000x32xf32, #tpu.memory_space<vmem_shared>> -> memref<125x32xf32, #tpu.memory_space<vmem_shared>>
      tpu.enqueue_dma source(%arg8 : memref<125x32xf32, #tpu.memory_space<vmem>>) target(%dma_start3A_92 : memref<125x32xf32, #tpu.memory_space<vmem_shared>>) target_semaphore(%run_scoped3A : memref<!tpu.dma_semaphore, #tpu.memory_space<semaphore_mem>>)
      %dma_wait3A_93 = arith.constant 0 : i32
      %dma_wait3A_94 = tpu.memref_slice %arg10[%add3A_14, %dma_wait3A_93] : memref<10000x32xf32, #tpu.memory_space<vmem_shared>> -> memref<125x32xf32, #tpu.memory_space<vmem_shared>>
      %dma_wait3A_95 = arith.constant 0 : i32
      %dma_wait3A_96 = tpu.memref_slice %arg10[%add3A_14, %dma_wait3A_95] : memref<10000x32xf32, #tpu.memory_space<vmem_shared>> -> memref<125x32xf32, #tpu.memory_space<vmem_shared>>
      tpu.wait_dma2 semaphore(%run_scoped3A : memref<!tpu.dma_semaphore, #tpu.memory_space<semaphore_mem>>) src(%arg8 : memref<125x32xf32, #tpu.memory_space<vmem>>) dst(%dma_wait3A_96 : memref<125x32xf32, #tpu.memory_space<vmem_shared>>)
      tpu.yield
    }) : () -> ()
    %add3A_15 = arith.constant 375 : i32
    %add3A_16 = arith.addi %mul3A_2, %add3A_15 : i32
    "tpu.region"() ({
      %run_scoped3A = tpu.sem_alloc : memref<!tpu.dma_semaphore, #tpu.memory_space<semaphore_mem>>
      %dma_start3A_89 = arith.constant 0 : i32
      %dma_start3A_90 = tpu.memref_slice %arg10[%add3A_16, %dma_start3A_89] : memref<10000x32xf32, #tpu.memory_space<vmem_shared>> -> memref<125x32xf32, #tpu.memory_space<vmem_shared>>
      %dma_start3A_91 = arith.constant 0 : i32
      %dma_start3A_92 = tpu.memref_slice %arg10[%add3A_16, %dma_start3A_91] : memref<10000x32xf32, #tpu.memory_space<vmem_shared>> -> memref<125x32xf32, #tpu.memory_space<vmem_shared>>
      tpu.enqueue_dma source(%arg8 : memref<125x32xf32, #tpu.memory_space<vmem>>) target(%dma_start3A_92 : memref<125x32xf32, #tpu.memory_space<vmem_shared>>) target_semaphore(%run_scoped3A : memref<!tpu.dma_semaphore, #tpu.memory_space<semaphore_mem>>)
      %dma_wait3A_93 = arith.constant 0 : i32
      %dma_wait3A_94 = tpu.memref_slice %arg10[%add3A_16, %dma_wait3A_93] : memref<10000x32xf32, #tpu.memory_space<vmem_shared>> -> memref<125x32xf32, #tpu.memory_space<vmem_shared>>
      %dma_wait3A_95 = arith.constant 0 : i32
      %dma_wait3A_96 = tpu.memref_slice %arg10[%add3A_16, %dma_wait3A_95] : memref<10000x32xf32, #tpu.memory_space<vmem_shared>> -> memref<125x32xf32, #tpu.memory_space<vmem_shared>>
      tpu.wait_dma2 semaphore(%run_scoped3A : memref<!tpu.dma_semaphore, #tpu.memory_space<semaphore_mem>>) src(%arg8 : memref<125x32xf32, #tpu.memory_space<vmem>>) dst(%dma_wait3A_96 : memref<125x32xf32, #tpu.memory_space<vmem_shared>>)
      tpu.yield
    }) : () -> ()
    %add3A_17 = arith.constant 500 : i32
    %add3A_18 = arith.addi %mul3A_2, %add3A_17 : i32
    "tpu.region"() ({
      %run_scoped3A = tpu.sem_alloc : memref<!tpu.dma_semaphore, #tpu.memory_space<semaphore_mem>>
      %dma_start3A_89 = arith.constant 0 : i32
      %dma_start3A_90 = tpu.memref_slice %arg10[%add3A_18, %dma_start3A_89] : memref<10000x32xf32, #tpu.memory_space<vmem_shared>> -> memref<125x32xf32, #tpu.memory_space<vmem_shared>>
      %dma_start3A_91 = arith.constant 0 : i32
      %dma_start3A_92 = tpu.memref_slice %arg10[%add3A_18, %dma_start3A_91] : memref<10000x32xf32, #tpu.memory_space<vmem_shared>> -> memref<125x32xf32, #tpu.memory_space<vmem_shared>>
      tpu.enqueue_dma source(%arg8 : memref<125x32xf32, #tpu.memory_space<vmem>>) target(%dma_start3A_92 : memref<125x32xf32, #tpu.memory_space<vmem_shared>>) target_semaphore(%run_scoped3A : memref<!tpu.dma_semaphore, #tpu.memory_space<semaphore_mem>>)
      %dma_wait3A_93 = arith.constant 0 : i32
      %dma_wait3A_94 = tpu.memref_slice %arg10[%add3A_18, %dma_wait3A_93] : memref<10000x32xf32, #tpu.memory_space<vmem_shared>> -> memref<125x32xf32, #tpu.memory_space<vmem_shared>>
      %dma_wait3A_95 = arith.constant 0 : i32
      %dma_wait3A_96 = tpu.memref_slice %arg10[%add3A_18, %dma_wait3A_95] : memref<10000x32xf32, #tpu.memory_space<vmem_shared>> -> memref<125x32xf32, #tpu.memory_space<vmem_shared>>
      tpu.wait_dma2 semaphore(%run_scoped3A : memref<!tpu.dma_semaphore, #tpu.memory_space<semaphore_mem>>) src(%arg8 : memref<125x32xf32, #tpu.memory_space<vmem>>) dst(%dma_wait3A_96 : memref<125x32xf32, #tpu.memory_space<vmem_shared>>)
      tpu.yield
    }) : () -> ()
    %mul3A_19 = arith.constant 80 : i32
    %mul3A_20 = arith.muli %add3A, %mul3A_19 : i32
    "tpu.region"() ({
      %run_scoped3A = tpu.sem_alloc : memref<!tpu.dma_semaphore, #tpu.memory_space<semaphore_mem>>
      %dma_start3A_89 = arith.constant 0 : i32
      %dma_start3A_90 = tpu.memref_slice %arg3[%mul3A_20, %dma_start3A_89] : memref<2560x125xi32, #tpu.memory_space<hbm>> -> memref<80x125xi32, #tpu.memory_space<hbm>>
      %dma_start3A_91 = arith.constant 0 : i32
      %dma_start3A_92 = tpu.memref_slice %arg3[%mul3A_20, %dma_start3A_91] : memref<2560x125xi32, #tpu.memory_space<hbm>> -> memref<80x125xi32, #tpu.memory_space<hbm>>
      tpu.enqueue_dma source(%dma_start3A_92 : memref<80x125xi32, #tpu.memory_space<hbm>>) target(%arg6 : memref<80x125xi32, #tpu.memory_space<vmem>>) target_semaphore(%run_scoped3A : memref<!tpu.dma_semaphore, #tpu.memory_space<semaphore_mem>>)
      %dma_wait3A_93 = arith.constant 0 : i32
      %dma_wait3A_94 = tpu.memref_slice %arg3[%mul3A_20, %dma_wait3A_93] : memref<2560x125xi32, #tpu.memory_space<hbm>> -> memref<80x125xi32, #tpu.memory_space<hbm>>
      %dma_wait3A_95 = arith.constant 0 : i32
      %dma_wait3A_96 = tpu.memref_slice %arg3[%mul3A_20, %dma_wait3A_95] : memref<2560x125xi32, #tpu.memory_space<hbm>> -> memref<80x125xi32, #tpu.memory_space<hbm>>
      tpu.wait_dma2 semaphore(%run_scoped3A : memref<!tpu.dma_semaphore, #tpu.memory_space<semaphore_mem>>) src(%dma_wait3A_96 : memref<80x125xi32, #tpu.memory_space<hbm>>) dst(%arg6 : memref<80x125xi32, #tpu.memory_space<vmem>>)
      tpu.yield
    }) : () -> ()
    %mul3A_21 = arith.constant 80 : i32
    %mul3A_22 = arith.muli %add3A, %mul3A_21 : i32
    "tpu.region"() ({
      %run_scoped3A = tpu.sem_alloc : memref<!tpu.dma_semaphore, #tpu.memory_space<semaphore_mem>>
      %dma_start3A_89 = arith.constant 0 : i32
      %dma_start3A_90 = tpu.memref_slice %arg4[%mul3A_22, %dma_start3A_89] : memref<2560x125xi32, #tpu.memory_space<hbm>> -> memref<80x125xi32, #tpu.memory_space<hbm>>
      %dma_start3A_91 = arith.constant 0 : i32
      %dma_start3A_92 = tpu.memref_slice %arg4[%mul3A_22, %dma_start3A_91] : memref<2560x125xi32, #tpu.memory_space<hbm>> -> memref<80x125xi32, #tpu.memory_space<hbm>>
      tpu.enqueue_dma source(%dma_start3A_92 : memref<80x125xi32, #tpu.memory_space<hbm>>) target(%arg7 : memref<80x125xi32, #tpu.memory_space<vmem>>) target_semaphore(%run_scoped3A : memref<!tpu.dma_semaphore, #tpu.memory_space<semaphore_mem>>)
      %dma_wait3A_93 = arith.constant 0 : i32
      %dma_wait3A_94 = tpu.memref_slice %arg4[%mul3A_22, %dma_wait3A_93] : memref<2560x125xi32, #tpu.memory_space<hbm>> -> memref<80x125xi32, #tpu.memory_space<hbm>>
      %dma_wait3A_95 = arith.constant 0 : i32
      %dma_wait3A_96 = tpu.memref_slice %arg4[%mul3A_22, %dma_wait3A_95] : memref<2560x125xi32, #tpu.memory_space<hbm>> -> memref<80x125xi32, #tpu.memory_space<hbm>>
      tpu.wait_dma2 semaphore(%run_scoped3A : memref<!tpu.dma_semaphore, #tpu.memory_space<semaphore_mem>>) src(%dma_wait3A_96 : memref<80x125xi32, #tpu.memory_space<hbm>>) dst(%arg7 : memref<80x125xi32, #tpu.memory_space<vmem>>)
      tpu.yield
    }) : () -> ()
    %barrier3A = arith.constant 0 : index
    tpu.barrier barrier_id(%barrier3A)
    %dma_start3A = arith.constant 0 : i32
    %dma_start3A_23 = arith.constant 0 : i32
    %dma_start3A_24 = tpu.memref_slice %arg6[%dma_start3A, %dma_start3A_23] : memref<80x125xi32, #tpu.memory_space<vmem>> -> memref<1x125xi32, #tpu.memory_space<vmem>>
    %dma_start3A_25 = tpu.memref_squeeze %dma_start3A_24 : memref<1x125xi32, #tpu.memory_space<vmem>> -> memref<125xi32, #tpu.memory_space<vmem>>
    %dma_start3A_26 = arith.constant 0 : i32
    %dma_start3A_27 = arith.constant 0 : i32
    %dma_start3A_28 = tpu.memref_slice %arg2[%dma_start3A_26, %dma_start3A_27] : memref<10000x32xf32, #tpu.memory_space<hbm>> -> memref<10000x32xf32, #tpu.memory_space<hbm>>
    tpu.enqueue_indirect_dma source(%dma_start3A_28 : memref<10000x32xf32, #tpu.memory_space<hbm>>) target(%arg8 : memref<125x32xf32, #tpu.memory_space<vmem>>) offsets(%dma_start3A_25 : memref<125xi32, #tpu.memory_space<vmem>>) semaphore(%arg11 : memref<!tpu.dma_semaphore, #tpu.memory_space<semaphore_mem>>)
    %dma_start3A_29 = arith.constant 1 : i32
    %dma_start3A_30 = arith.constant 0 : i32
    %dma_start3A_31 = tpu.memref_slice %arg6[%dma_start3A_29, %dma_start3A_30] : memref<80x125xi32, #tpu.memory_space<vmem>> -> memref<1x125xi32, #tpu.memory_space<vmem>>
    %dma_start3A_32 = tpu.memref_squeeze %dma_start3A_31 : memref<1x125xi32, #tpu.memory_space<vmem>> -> memref<125xi32, #tpu.memory_space<vmem>>
    %dma_start3A_33 = arith.constant 0 : i32
    %dma_start3A_34 = arith.constant 0 : i32
    %dma_start3A_35 = tpu.memref_slice %arg2[%dma_start3A_33, %dma_start3A_34] : memref<10000x32xf32, #tpu.memory_space<hbm>> -> memref<10000x32xf32, #tpu.memory_space<hbm>>
    tpu.enqueue_indirect_dma source(%dma_start3A_35 : memref<10000x32xf32, #tpu.memory_space<hbm>>) target(%arg9 : memref<125x32xf32, #tpu.memory_space<vmem>>) offsets(%dma_start3A_32 : memref<125xi32, #tpu.memory_space<vmem>>) semaphore(%arg12 : memref<!tpu.dma_semaphore, #tpu.memory_space<semaphore_mem>>)
    %scan3A_36 = arith.constant 0 : i32
    %scan3A_37 = arith.constant 0 : i32
    %scan3A_38 = arith.constant 39 : i32
    %scan3A_39 = arith.addi %scan3A_37, %scan3A_38 : i32
    %scan3A_40 = arith.constant 1 : i32
    %scan3A_41 = scf.for %scan3A_89 = %scan3A_37 to %scan3A_39 step %scan3A_40 iter_args(%scan3A_90 = %scan3A_36) -> (i32)  : i32 {
      %mul3A_91 = arith.constant 2 : i32
      %mul3A_92 = arith.muli %mul3A_91, %scan3A_89 : i32
      %add3A_93 = arith.constant 1 : i32
      %add3A_94 = arith.addi %mul3A_92, %add3A_93 : i32
      %dma_wait3A_95 = arith.constant 0 : i32
      %dma_wait3A_96 = tpu.memref_slice %arg6[%mul3A_92, %dma_wait3A_95] : memref<80x125xi32, #tpu.memory_space<vmem>> -> memref<1x125xi32, #tpu.memory_space<vmem>>
      %dma_wait3A_97 = tpu.memref_squeeze %dma_wait3A_96 : memref<1x125xi32, #tpu.memory_space<vmem>> -> memref<125xi32, #tpu.memory_space<vmem>>
      %dma_wait3A_98 = arith.constant 0 : i32
      %dma_wait3A_99 = arith.constant 0 : i32
      %dma_wait3A_100 = tpu.memref_slice %arg2[%dma_wait3A_98, %dma_wait3A_99] : memref<10000x32xf32, #tpu.memory_space<hbm>> -> memref<10000x32xf32, #tpu.memory_space<hbm>>
      tpu.wait_indirect_dma semaphore(%arg11 : memref<!tpu.dma_semaphore, #tpu.memory_space<semaphore_mem>>) src(%dma_wait3A_100 : memref<10000x32xf32, #tpu.memory_space<hbm>>) dst(%arg8 : memref<125x32xf32, #tpu.memory_space<vmem>>)
      %dma_start3A_101 = arith.constant 0 : i32
      %dma_start3A_102 = tpu.memref_slice %arg7[%mul3A_92, %dma_start3A_101] : memref<80x125xi32, #tpu.memory_space<vmem>> -> memref<1x125xi32, #tpu.memory_space<vmem>>
      %dma_start3A_103 = tpu.memref_squeeze %dma_start3A_102 : memref<1x125xi32, #tpu.memory_space<vmem>> -> memref<125xi32, #tpu.memory_space<vmem>>
      %dma_start3A_104 = arith.constant 0 : i32
      %dma_start3A_105 = arith.constant 0 : i32
      %dma_start3A_106 = tpu.memref_slice %arg10[%dma_start3A_104, %dma_start3A_105] : memref<10000x32xf32, #tpu.memory_space<vmem_shared>> -> memref<10000x32xf32, #tpu.memory_space<vmem_shared>>
      tpu.enqueue_indirect_dma source(%arg8 : memref<125x32xf32, #tpu.memory_space<vmem>>) target(%dma_start3A_106 : memref<10000x32xf32, #tpu.memory_space<vmem_shared>>) offsets(%dma_start3A_103 : memref<125xi32, #tpu.memory_space<vmem>>) semaphore(%arg13 : memref<!tpu.dma_semaphore, #tpu.memory_space<semaphore_mem>>) {add = true}
      %dma_wait3A_107 = arith.constant 0 : i32
      %dma_wait3A_108 = tpu.memref_slice %arg6[%add3A_94, %dma_wait3A_107] : memref<80x125xi32, #tpu.memory_space<vmem>> -> memref<1x125xi32, #tpu.memory_space<vmem>>
      %dma_wait3A_109 = tpu.memref_squeeze %dma_wait3A_108 : memref<1x125xi32, #tpu.memory_space<vmem>> -> memref<125xi32, #tpu.memory_space<vmem>>
      %dma_wait3A_110 = arith.constant 0 : i32
      %dma_wait3A_111 = arith.constant 0 : i32
      %dma_wait3A_112 = tpu.memref_slice %arg2[%dma_wait3A_110, %dma_wait3A_111] : memref<10000x32xf32, #tpu.memory_space<hbm>> -> memref<10000x32xf32, #tpu.memory_space<hbm>>
      tpu.wait_indirect_dma semaphore(%arg12 : memref<!tpu.dma_semaphore, #tpu.memory_space<semaphore_mem>>) src(%dma_wait3A_112 : memref<10000x32xf32, #tpu.memory_space<hbm>>) dst(%arg9 : memref<125x32xf32, #tpu.memory_space<vmem>>)
      %dma_start3A_113 = arith.constant 0 : i32
      %dma_start3A_114 = tpu.memref_slice %arg7[%add3A_94, %dma_start3A_113] : memref<80x125xi32, #tpu.memory_space<vmem>> -> memref<1x125xi32, #tpu.memory_space<vmem>>
      %dma_start3A_115 = tpu.memref_squeeze %dma_start3A_114 : memref<1x125xi32, #tpu.memory_space<vmem>> -> memref<125xi32, #tpu.memory_space<vmem>>
      %dma_start3A_116 = arith.constant 0 : i32
      %dma_start3A_117 = arith.constant 0 : i32
      %dma_start3A_118 = tpu.memref_slice %arg10[%dma_start3A_116, %dma_start3A_117] : memref<10000x32xf32, #tpu.memory_space<vmem_shared>> -> memref<10000x32xf32, #tpu.memory_space<vmem_shared>>
      tpu.enqueue_indirect_dma source(%arg9 : memref<125x32xf32, #tpu.memory_space<vmem>>) target(%dma_start3A_118 : memref<10000x32xf32, #tpu.memory_space<vmem_shared>>) offsets(%dma_start3A_115 : memref<125xi32, #tpu.memory_space<vmem>>) semaphore(%arg14 : memref<!tpu.dma_semaphore, #tpu.memory_space<semaphore_mem>>) {add = true}
      %dma_wait3A_119 = arith.constant 0 : i32
      %dma_wait3A_120 = tpu.memref_slice %arg7[%mul3A_92, %dma_wait3A_119] : memref<80x125xi32, #tpu.memory_space<vmem>> -> memref<1x125xi32, #tpu.memory_space<vmem>>
      %dma_wait3A_121 = tpu.memref_squeeze %dma_wait3A_120 : memref<1x125xi32, #tpu.memory_space<vmem>> -> memref<125xi32, #tpu.memory_space<vmem>>
      %dma_wait3A_122 = arith.constant 0 : i32
      %dma_wait3A_123 = arith.constant 0 : i32
      %dma_wait3A_124 = tpu.memref_slice %arg10[%dma_wait3A_122, %dma_wait3A_123] : memref<10000x32xf32, #tpu.memory_space<vmem_shared>> -> memref<10000x32xf32, #tpu.memory_space<vmem_shared>>
      tpu.wait_indirect_dma semaphore(%arg13 : memref<!tpu.dma_semaphore, #tpu.memory_space<semaphore_mem>>) src(%arg8 : memref<125x32xf32, #tpu.memory_space<vmem>>) dst(%dma_wait3A_124 : memref<10000x32xf32, #tpu.memory_space<vmem_shared>>)
      %add3A_125 = arith.constant 2 : i32
      %add3A_126 = arith.addi %mul3A_92, %add3A_125 : i32
      %dma_start3A_127 = arith.constant 0 : i32
      %dma_start3A_128 = tpu.memref_slice %arg6[%add3A_126, %dma_start3A_127] : memref<80x125xi32, #tpu.memory_space<vmem>> -> memref<1x125xi32, #tpu.memory_space<vmem>>
      %dma_start3A_129 = tpu.memref_squeeze %dma_start3A_128 : memref<1x125xi32, #tpu.memory_space<vmem>> -> memref<125xi32, #tpu.memory_space<vmem>>
      %dma_start3A_130 = arith.constant 0 : i32
      %dma_start3A_131 = arith.constant 0 : i32
      %dma_start3A_132 = tpu.memref_slice %arg2[%dma_start3A_130, %dma_start3A_131] : memref<10000x32xf32, #tpu.memory_space<hbm>> -> memref<10000x32xf32, #tpu.memory_space<hbm>>
      tpu.enqueue_indirect_dma source(%dma_start3A_132 : memref<10000x32xf32, #tpu.memory_space<hbm>>) target(%arg8 : memref<125x32xf32, #tpu.memory_space<vmem>>) offsets(%dma_start3A_129 : memref<125xi32, #tpu.memory_space<vmem>>) semaphore(%arg11 : memref<!tpu.dma_semaphore, #tpu.memory_space<semaphore_mem>>)
      %dma_wait3A_133 = arith.constant 0 : i32
      %dma_wait3A_134 = tpu.memref_slice %arg7[%add3A_94, %dma_wait3A_133] : memref<80x125xi32, #tpu.memory_space<vmem>> -> memref<1x125xi32, #tpu.memory_space<vmem>>
      %dma_wait3A_135 = tpu.memref_squeeze %dma_wait3A_134 : memref<1x125xi32, #tpu.memory_space<vmem>> -> memref<125xi32, #tpu.memory_space<vmem>>
      %dma_wait3A_136 = arith.constant 0 : i32
      %dma_wait3A_137 = arith.constant 0 : i32
      %dma_wait3A_138 = tpu.memref_slice %arg10[%dma_wait3A_136, %dma_wait3A_137] : memref<10000x32xf32, #tpu.memory_space<vmem_shared>> -> memref<10000x32xf32, #tpu.memory_space<vmem_shared>>
      tpu.wait_indirect_dma semaphore(%arg14 : memref<!tpu.dma_semaphore, #tpu.memory_space<semaphore_mem>>) src(%arg9 : memref<125x32xf32, #tpu.memory_space<vmem>>) dst(%dma_wait3A_138 : memref<10000x32xf32, #tpu.memory_space<vmem_shared>>)
      %add3A_139 = arith.constant 2 : i32
      %add3A_140 = arith.addi %add3A_94, %add3A_139 : i32
      %dma_start3A_141 = arith.constant 0 : i32
      %dma_start3A_142 = tpu.memref_slice %arg6[%add3A_140, %dma_start3A_141] : memref<80x125xi32, #tpu.memory_space<vmem>> -> memref<1x125xi32, #tpu.memory_space<vmem>>
      %dma_start3A_143 = tpu.memref_squeeze %dma_start3A_142 : memref<1x125xi32, #tpu.memory_space<vmem>> -> memref<125xi32, #tpu.memory_space<vmem>>
      %dma_start3A_144 = arith.constant 0 : i32
      %dma_start3A_145 = arith.constant 0 : i32
      %dma_start3A_146 = tpu.memref_slice %arg2[%dma_start3A_144, %dma_start3A_145] : memref<10000x32xf32, #tpu.memory_space<hbm>> -> memref<10000x32xf32, #tpu.memory_space<hbm>>
      tpu.enqueue_indirect_dma source(%dma_start3A_146 : memref<10000x32xf32, #tpu.memory_space<hbm>>) target(%arg9 : memref<125x32xf32, #tpu.memory_space<vmem>>) offsets(%dma_start3A_143 : memref<125xi32, #tpu.memory_space<vmem>>) semaphore(%arg12 : memref<!tpu.dma_semaphore, #tpu.memory_space<semaphore_mem>>)
      %scan3A_147 = arith.constant 0 : i32
      scf.yield %scan3A_147 : i32
    }
    %scan3A_42 = arith.constant 39 : i32
    %dma_wait3A = arith.constant 78 : i32
    %dma_wait3A_43 = arith.constant 0 : i32
    %dma_wait3A_44 = tpu.memref_slice %arg6[%dma_wait3A, %dma_wait3A_43] : memref<80x125xi32, #tpu.memory_space<vmem>> -> memref<1x125xi32, #tpu.memory_space<vmem>>
    %dma_wait3A_45 = tpu.memref_squeeze %dma_wait3A_44 : memref<1x125xi32, #tpu.memory_space<vmem>> -> memref<125xi32, #tpu.memory_space<vmem>>
    %dma_wait3A_46 = arith.constant 0 : i32
    %dma_wait3A_47 = arith.constant 0 : i32
    %dma_wait3A_48 = tpu.memref_slice %arg2[%dma_wait3A_46, %dma_wait3A_47] : memref<10000x32xf32, #tpu.memory_space<hbm>> -> memref<10000x32xf32, #tpu.memory_space<hbm>>
    tpu.wait_indirect_dma semaphore(%arg11 : memref<!tpu.dma_semaphore, #tpu.memory_space<semaphore_mem>>) src(%dma_wait3A_48 : memref<10000x32xf32, #tpu.memory_space<hbm>>) dst(%arg8 : memref<125x32xf32, #tpu.memory_space<vmem>>)
    %dma_start3A_49 = arith.constant 78 : i32
    %dma_start3A_50 = arith.constant 0 : i32
    %dma_start3A_51 = tpu.memref_slice %arg7[%dma_start3A_49, %dma_start3A_50] : memref<80x125xi32, #tpu.memory_space<vmem>> -> memref<1x125xi32, #tpu.memory_space<vmem>>
    %dma_start3A_52 = tpu.memref_squeeze %dma_start3A_51 : memref<1x125xi32, #tpu.memory_space<vmem>> -> memref<125xi32, #tpu.memory_space<vmem>>
    %dma_start3A_53 = arith.constant 0 : i32
    %dma_start3A_54 = arith.constant 0 : i32
    %dma_start3A_55 = tpu.memref_slice %arg10[%dma_start3A_53, %dma_start3A_54] : memref<10000x32xf32, #tpu.memory_space<vmem_shared>> -> memref<10000x32xf32, #tpu.memory_space<vmem_shared>>
    tpu.enqueue_indirect_dma source(%arg8 : memref<125x32xf32, #tpu.memory_space<vmem>>) target(%dma_start3A_55 : memref<10000x32xf32, #tpu.memory_space<vmem_shared>>) offsets(%dma_start3A_52 : memref<125xi32, #tpu.memory_space<vmem>>) semaphore(%arg13 : memref<!tpu.dma_semaphore, #tpu.memory_space<semaphore_mem>>) {add = true}
    %dma_wait3A_56 = arith.constant 79 : i32
    %dma_wait3A_57 = arith.constant 0 : i32
    %dma_wait3A_58 = tpu.memref_slice %arg6[%dma_wait3A_56, %dma_wait3A_57] : memref<80x125xi32, #tpu.memory_space<vmem>> -> memref<1x125xi32, #tpu.memory_space<vmem>>
    %dma_wait3A_59 = tpu.memref_squeeze %dma_wait3A_58 : memref<1x125xi32, #tpu.memory_space<vmem>> -> memref<125xi32, #tpu.memory_space<vmem>>
    %dma_wait3A_60 = arith.constant 0 : i32
    %dma_wait3A_61 = arith.constant 0 : i32
    %dma_wait3A_62 = tpu.memref_slice %arg2[%dma_wait3A_60, %dma_wait3A_61] : memref<10000x32xf32, #tpu.memory_space<hbm>> -> memref<10000x32xf32, #tpu.memory_space<hbm>>
    tpu.wait_indirect_dma semaphore(%arg12 : memref<!tpu.dma_semaphore, #tpu.memory_space<semaphore_mem>>) src(%dma_wait3A_62 : memref<10000x32xf32, #tpu.memory_space<hbm>>) dst(%arg9 : memref<125x32xf32, #tpu.memory_space<vmem>>)
    %dma_start3A_63 = arith.constant 79 : i32
    %dma_start3A_64 = arith.constant 0 : i32
    %dma_start3A_65 = tpu.memref_slice %arg7[%dma_start3A_63, %dma_start3A_64] : memref<80x125xi32, #tpu.memory_space<vmem>> -> memref<1x125xi32, #tpu.memory_space<vmem>>
    %dma_start3A_66 = tpu.memref_squeeze %dma_start3A_65 : memref<1x125xi32, #tpu.memory_space<vmem>> -> memref<125xi32, #tpu.memory_space<vmem>>
    %dma_start3A_67 = arith.constant 0 : i32
    %dma_start3A_68 = arith.constant 0 : i32
    %dma_start3A_69 = tpu.memref_slice %arg10[%dma_start3A_67, %dma_start3A_68] : memref<10000x32xf32, #tpu.memory_space<vmem_shared>> -> memref<10000x32xf32, #tpu.memory_space<vmem_shared>>
    tpu.enqueue_indirect_dma source(%arg9 : memref<125x32xf32, #tpu.memory_space<vmem>>) target(%dma_start3A_69 : memref<10000x32xf32, #tpu.memory_space<vmem_shared>>) offsets(%dma_start3A_66 : memref<125xi32, #tpu.memory_space<vmem>>) semaphore(%arg14 : memref<!tpu.dma_semaphore, #tpu.memory_space<semaphore_mem>>) {add = true}
    %dma_wait3A_70 = arith.constant 78 : i32
    %dma_wait3A_71 = arith.constant 0 : i32
    %dma_wait3A_72 = tpu.memref_slice %arg7[%dma_wait3A_70, %dma_wait3A_71] : memref<80x125xi32, #tpu.memory_space<vmem>> -> memref<1x125xi32, #tpu.memory_space<vmem>>
    %dma_wait3A_73 = tpu.memref_squeeze %dma_wait3A_72 : memref<1x125xi32, #tpu.memory_space<vmem>> -> memref<125xi32, #tpu.memory_space<vmem>>
    %dma_wait3A_74 = arith.constant 0 : i32
    %dma_wait3A_75 = arith.constant 0 : i32
    %dma_wait3A_76 = tpu.memref_slice %arg10[%dma_wait3A_74, %dma_wait3A_75] : memref<10000x32xf32, #tpu.memory_space<vmem_shared>> -> memref<10000x32xf32, #tpu.memory_space<vmem_shared>>
    tpu.wait_indirect_dma semaphore(%arg13 : memref<!tpu.dma_semaphore, #tpu.memory_space<semaphore_mem>>) src(%arg8 : memref<125x32xf32, #tpu.memory_space<vmem>>) dst(%dma_wait3A_76 : memref<10000x32xf32, #tpu.memory_space<vmem_shared>>)
    %dma_wait3A_77 = arith.constant 79 : i32
    %dma_wait3A_78 = arith.constant 0 : i32
    %dma_wait3A_79 = tpu.memref_slice %arg7[%dma_wait3A_77, %dma_wait3A_78] : memref<80x125xi32, #tpu.memory_space<vmem>> -> memref<1x125xi32, #tpu.memory_space<vmem>>
    %dma_wait3A_80 = tpu.memref_squeeze %dma_wait3A_79 : memref<1x125xi32, #tpu.memory_space<vmem>> -> memref<125xi32, #tpu.memory_space<vmem>>
    %dma_wait3A_81 = arith.constant 0 : i32
    %dma_wait3A_82 = arith.constant 0 : i32
    %dma_wait3A_83 = tpu.memref_slice %arg10[%dma_wait3A_81, %dma_wait3A_82] : memref<10000x32xf32, #tpu.memory_space<vmem_shared>> -> memref<10000x32xf32, #tpu.memory_space<vmem_shared>>
    tpu.wait_indirect_dma semaphore(%arg14 : memref<!tpu.dma_semaphore, #tpu.memory_space<semaphore_mem>>) src(%arg9 : memref<125x32xf32, #tpu.memory_space<vmem>>) dst(%dma_wait3A_83 : memref<10000x32xf32, #tpu.memory_space<vmem_shared>>)
    %barrier3A_84 = arith.constant 0 : index
    tpu.barrier barrier_id(%barrier3A_84)
    %mul3A_85 = arith.constant 624 : i32
    %mul3A_86 = arith.muli %arg1, %mul3A_85 : i32
    %multiple_of3A = tpu.assume_multiple %mul3A_86, 8 : i32
    "tpu.region"() ({
      %run_scoped3A = tpu.sem_alloc : memref<!tpu.dma_semaphore, #tpu.memory_space<semaphore_mem>>
      %dma_start3A_89 = arith.constant 0 : i32
      %dma_start3A_90 = tpu.memref_slice %arg5[%arg0, %multiple_of3A, %dma_start3A_89] : memref<2x10000x32xf32, #tpu.memory_space<hbm>> -> memref<1x624x32xf32, #tpu.memory_space<hbm>>
      %dma_start3A_91 = tpu.memref_squeeze %dma_start3A_90 : memref<1x624x32xf32, #tpu.memory_space<hbm>> -> memref<624x32xf32, #tpu.memory_space<hbm>>
      %dma_start3A_92 = arith.constant 0 : i32
      %dma_start3A_93 = tpu.memref_slice %arg10[%multiple_of3A, %dma_start3A_92] : memref<10000x32xf32, #tpu.memory_space<vmem_shared>> -> memref<624x32xf32, #tpu.memory_space<vmem_shared>>
      tpu.enqueue_dma source(%dma_start3A_93 : memref<624x32xf32, #tpu.memory_space<vmem_shared>>) target(%dma_start3A_91 : memref<624x32xf32, #tpu.memory_space<hbm>>) target_semaphore(%run_scoped3A : memref<!tpu.dma_semaphore, #tpu.memory_space<semaphore_mem>>)
      %dma_wait3A_94 = arith.constant 0 : i32
      %dma_wait3A_95 = tpu.memref_slice %arg5[%arg0, %multiple_of3A, %dma_wait3A_94] : memref<2x10000x32xf32, #tpu.memory_space<hbm>> -> memref<1x624x32xf32, #tpu.memory_space<hbm>>
      %dma_wait3A_96 = tpu.memref_squeeze %dma_wait3A_95 : memref<1x624x32xf32, #tpu.memory_space<hbm>> -> memref<624x32xf32, #tpu.memory_space<hbm>>
      %dma_wait3A_97 = arith.constant 0 : i32
      %dma_wait3A_98 = tpu.memref_slice %arg10[%multiple_of3A, %dma_wait3A_97] : memref<10000x32xf32, #tpu.memory_space<vmem_shared>> -> memref<624x32xf32, #tpu.memory_space<vmem_shared>>
      tpu.wait_dma2 semaphore(%run_scoped3A : memref<!tpu.dma_semaphore, #tpu.memory_space<semaphore_mem>>) src(%dma_wait3A_98 : memref<624x32xf32, #tpu.memory_space<vmem_shared>>) dst(%dma_wait3A_96 : memref<624x32xf32, #tpu.memory_space<hbm>>)
      tpu.yield
    }) : () -> ()
    %eq3A = arith.constant 0 : i32
    %eq3A_87 = arith.cmpi eq, %arg1, %eq3A : i32
    %convert_element_type3A = arith.extui %eq3A_87 : i1 to i32
    %cond3A = arith.constant 0 : i32
    %cond3A_88 = arith.cmpi ne, %convert_element_type3A, %cond3A : i32
    scf.if %cond3A_88 {
      "tpu.region"() ({
        %run_scoped3A = tpu.sem_alloc : memref<!tpu.dma_semaphore, #tpu.memory_space<semaphore_mem>>
        %dma_start3A_89 = arith.constant 9984 : i32
        %dma_start3A_90 = arith.constant 0 : i32
        %dma_start3A_91 = tpu.memref_slice %arg5[%arg0, %dma_start3A_89, %dma_start3A_90] : memref<2x10000x32xf32, #tpu.memory_space<hbm>> -> memref<1x16x32xf32, #tpu.memory_space<hbm>>
        %dma_start3A_92 = tpu.memref_squeeze %dma_start3A_91 : memref<1x16x32xf32, #tpu.memory_space<hbm>> -> memref<16x32xf32, #tpu.memory_space<hbm>>
        %dma_start3A_93 = arith.constant 9984 : i32
        %dma_start3A_94 = arith.constant 0 : i32
        %dma_start3A_95 = tpu.memref_slice %arg10[%dma_start3A_93, %dma_start3A_94] : memref<10000x32xf32, #tpu.memory_space<vmem_shared>> -> memref<16x32xf32, #tpu.memory_space<vmem_shared>>
        tpu.enqueue_dma source(%dma_start3A_95 : memref<16x32xf32, #tpu.memory_space<vmem_shared>>) target(%dma_start3A_92 : memref<16x32xf32, #tpu.memory_space<hbm>>) target_semaphore(%run_scoped3A : memref<!tpu.dma_semaphore, #tpu.memory_space<semaphore_mem>>)
        %dma_wait3A_96 = arith.constant 9984 : i32
        %dma_wait3A_97 = arith.constant 0 : i32
        %dma_wait3A_98 = tpu.memref_slice %arg5[%arg0, %dma_wait3A_96, %dma_wait3A_97] : memref<2x10000x32xf32, #tpu.memory_space<hbm>> -> memref<1x16x32xf32, #tpu.memory_space<hbm>>
        %dma_wait3A_99 = tpu.memref_squeeze %dma_wait3A_98 : memref<1x16x32xf32, #tpu.memory_space<hbm>> -> memref<16x32xf32, #tpu.memory_space<hbm>>
        %dma_wait3A_100 = arith.constant 9984 : i32
        %dma_wait3A_101 = arith.constant 0 : i32
        %dma_wait3A_102 = tpu.memref_slice %arg10[%dma_wait3A_100, %dma_wait3A_101] : memref<10000x32xf32, #tpu.memory_space<vmem_shared>> -> memref<16x32xf32, #tpu.memory_space<vmem_shared>>
        tpu.wait_dma2 semaphore(%run_scoped3A : memref<!tpu.dma_semaphore, #tpu.memory_space<semaphore_mem>>) src(%dma_wait3A_102 : memref<16x32xf32, #tpu.memory_space<vmem_shared>>) dst(%dma_wait3A_99 : memref<16x32xf32, #tpu.memory_space<hbm>>)
        tpu.yield
      }) : () -> ()
    } else {
    }
    return
  }
}

module attributes {stable_mosaic.version = 14 : i64} {
  func.func @body(%arg0: i32, %arg1: memref<1000x128xf32, #tpu.memory_space<vmem>>, %arg2: memref<128x64xf32, #tpu.memory_space<vmem>>, %arg3: memref<2x1000x8xf32, #tpu.memory_space<vmem>>, %arg4: memref<1000x64xf32, #tpu.memory_space<vmem>>, %arg5: memref<1000x64xf32, #tpu.memory_space<vmem>>, %arg6: memref<1000x1xf32, #tpu.memory_space<vmem>>) attributes {dimension_semantics = [#tpu.dimension_semantics<arbitrary>], iteration_bounds = array<i64: 10>, scalar_prefetch = 0 : i64, scratch_operands = 0 : i64, tpu.core_type = #tpu.core_type<tc>, window_params = [{transform_indices = @transform_0, window_bounds = array<i64: 1000, 128>}, {pipeline_mode = #tpu.pipeline_mode<synchronous>, transform_indices = @transform_1, window_bounds = array<i64: 128, 64>}, {transform_indices = @transform_2, window_bounds = array<i64: 2, 1000, 8>}, {transform_indices = @transform_3, window_bounds = array<i64: 1000, 64>}, {transform_indices = @transform_4, window_bounds = array<i64: 1000, 64>}, {transform_indices = @transform_5, window_bounds = array<i64: 1000, 1>}]} {
    %get3A = arith.constant 0 : index
    %get3A_0 = arith.constant 0 : index
    %get3A_1 = arith.constant 0 : index
    %get3A_2 = vector.load %arg3[%get3A, %get3A_0, %get3A_1] : memref<2x1000x8xf32, #tpu.memory_space<vmem>>, vector<2x1000x8xf32>
    %slice3A = vector.extract_strided_slice %get3A_2 {offsets = [0, 0, 0], sizes = [1, 1000, 1], strides = [1, 1, 1]} : vector<2x1000x8xf32> to vector<1x1000x1xf32>
    %squeeze3A = vector.shape_cast %slice3A : vector<1x1000x1xf32> to vector<1000x1xf32>
    %slice3A_3 = vector.extract_strided_slice %get3A_2 {offsets = [1, 0, 0], sizes = [1, 1000, 1], strides = [1, 1, 1]} : vector<2x1000x8xf32> to vector<1x1000x1xf32>
    %squeeze3A_4 = vector.shape_cast %slice3A_3 : vector<1x1000x1xf32> to vector<1000x1xf32>
    %add3A = arith.addf %squeeze3A, %squeeze3A_4 : vector<1000x1xf32>
    %add3A_5 = arith.constant 1.000000e+00 : f32
    %add3A_6 = vector.broadcast %add3A_5 : f32 to vector<1000x1xf32>
    %add3A_7 = arith.addf %add3A, %add3A_6 : vector<1000x1xf32>
    %rsqrt3A = math.rsqrt %add3A_7 : vector<1000x1xf32>
    %get3A_8 = arith.constant 0 : index
    %get3A_9 = arith.constant 0 : index
    %get3A_10 = vector.load %arg1[%get3A_8, %get3A_9] : memref<1000x128xf32, #tpu.memory_space<vmem>>, vector<1000x128xf32>
    %get3A_11 = arith.constant 0 : index
    %get3A_12 = arith.constant 0 : index
    %get3A_13 = vector.load %arg2[%get3A_11, %get3A_12] : memref<128x64xf32, #tpu.memory_space<vmem>>, vector<128x64xf32>
    %dot_general3A = arith.constant dense<0.000000e+00> : vector<1000x64xf32>
    %dot_general3A_14 = tpu.matmul %get3A_10, %get3A_13, %dot_general3A {dimension_numbers = #tpu.dot_dimension_numbers<[1], [0], [0], [1], [0, 0, 1, 1], [], []>, transpose_lhs_hint = false} : vector<1000x128xf32>, vector<128x64xf32>, vector<1000x64xf32> -> vector<1000x64xf32>
    %swap3A = arith.constant 0 : index
    %swap3A_15 = arith.constant 0 : index
    %swap3A_16 = vector.load %arg4[%swap3A, %swap3A_15] : memref<1000x64xf32, #tpu.memory_space<vmem>>, vector<1000x64xf32>
    tpu.vector_store %arg4[%swap3A, %swap3A_15], %dot_general3A_14 {strides = array<i32>} : memref<1000x64xf32, #tpu.memory_space<vmem>>, vector<1000x64xf32>,
    %mul3A = vector.broadcast %rsqrt3A : vector<1000x1xf32> to vector<1000x64xf32>
    %mul3A_17 = arith.mulf %dot_general3A_14, %mul3A : vector<1000x64xf32>
    %swap3A_18 = arith.constant 0 : index
    %swap3A_19 = arith.constant 0 : index
    %swap3A_20 = vector.load %arg5[%swap3A_18, %swap3A_19] : memref<1000x64xf32, #tpu.memory_space<vmem>>, vector<1000x64xf32>
    tpu.vector_store %arg5[%swap3A_18, %swap3A_19], %mul3A_17 {strides = array<i32>} : memref<1000x64xf32, #tpu.memory_space<vmem>>, vector<1000x64xf32>,
    %swap3A_21 = arith.constant 0 : index
    %swap3A_22 = arith.constant 0 : index
    %swap3A_23 = vector.load %arg6[%swap3A_21, %swap3A_22] : memref<1000x1xf32, #tpu.memory_space<vmem>>, vector<1000x1xf32>
    tpu.vector_store %arg6[%swap3A_21, %swap3A_22], %rsqrt3A {strides = array<i32>} : memref<1000x1xf32, #tpu.memory_space<vmem>>, vector<1000x1xf32>,
    return
  }
  func.func @transform_0(%arg0: i32) -> (i32, i32) {
    %c0_i32 = arith.constant 0 : i32
    %c0_i32_0 = arith.constant 0 : i32
    return %arg0, %c0_i32 : i32, i32
  }
  func.func @transform_1(%arg0: i32) -> (i32, i32) {
    %c0_i32 = arith.constant 0 : i32
    %c0_i32_0 = arith.constant 0 : i32
    %c0_i32_1 = arith.constant 0 : i32
    return %c0_i32, %c0_i32_0 : i32, i32
  }
  func.func @transform_2(%arg0: i32) -> (i32, i32, i32) {
    %c0_i32 = arith.constant 0 : i32
    %c0_i32_0 = arith.constant 0 : i32
    %c0_i32_1 = arith.constant 0 : i32
    return %c0_i32, %arg0, %c0_i32_0 : i32, i32, i32
  }
  func.func @transform_3(%arg0: i32) -> (i32, i32) {
    %c0_i32 = arith.constant 0 : i32
    %c0_i32_0 = arith.constant 0 : i32
    return %arg0, %c0_i32 : i32, i32
  }
  func.func @transform_4(%arg0: i32) -> (i32, i32) {
    %c0_i32 = arith.constant 0 : i32
    %c0_i32_0 = arith.constant 0 : i32
    return %arg0, %c0_i32 : i32, i32
  }
  func.func @transform_5(%arg0: i32) -> (i32, i32) {
    %c0_i32 = arith.constant 0 : i32
    %c0_i32_0 = arith.constant 0 : i32
    return %arg0, %c0_i32 : i32, i32
  }
}

module attributes {stable_mosaic.version = 14 : i64} {
  func.func @body(%arg0: i32, %arg1: memref<2x1000x64xf32, #tpu.memory_space<vmem>>, %arg2: memref<1000x64xf32, #tpu.memory_space<vmem>>, %arg3: memref<1000x1xf32, #tpu.memory_space<vmem>>, %arg4: memref<1x64xf32, #tpu.memory_space<vmem>>, %arg5: memref<64x32xf32, #tpu.memory_space<vmem>>, %arg6: memref<1000x32xf32, #tpu.memory_space<vmem>>, %arg7: memref<1000x32xf32, #tpu.memory_space<vmem>>) attributes {dimension_semantics = [#tpu.dimension_semantics<arbitrary>], iteration_bounds = array<i64: 10>, scalar_prefetch = 0 : i64, scratch_operands = 0 : i64, tpu.core_type = #tpu.core_type<tc>, window_params = [{transform_indices = @transform_0, window_bounds = array<i64: 2, 1000, 64>}, {transform_indices = @transform_1, window_bounds = array<i64: 1000, 64>}, {transform_indices = @transform_2, window_bounds = array<i64: 1000, 1>}, {pipeline_mode = #tpu.pipeline_mode<synchronous>, transform_indices = @transform_3, window_bounds = array<i64: 1, 64>}, {pipeline_mode = #tpu.pipeline_mode<synchronous>, transform_indices = @transform_4, window_bounds = array<i64: 64, 32>}, {transform_indices = @transform_5, window_bounds = array<i64: 1000, 32>}, {transform_indices = @transform_6, window_bounds = array<i64: 1000, 32>}]} {
    %get3A = arith.constant 0 : index
    %get3A_0 = arith.constant 0 : index
    %get3A_1 = arith.constant 0 : index
    %get3A_2 = vector.load %arg1[%get3A, %get3A_0, %get3A_1] : memref<2x1000x64xf32, #tpu.memory_space<vmem>>, vector<2x1000x64xf32>
    %get3A_3 = arith.constant 0 : index
    %get3A_4 = arith.constant 0 : index
    %get3A_5 = vector.load %arg3[%get3A_3, %get3A_4] : memref<1000x1xf32, #tpu.memory_space<vmem>>, vector<1000x1xf32>
    %slice3A = vector.extract_strided_slice %get3A_2 {offsets = [0, 0, 0], sizes = [1, 1000, 64], strides = [1, 1, 1]} : vector<2x1000x64xf32> to vector<1x1000x64xf32>
    %squeeze3A = vector.shape_cast %slice3A : vector<1x1000x64xf32> to vector<1000x64xf32>
    %slice3A_6 = vector.extract_strided_slice %get3A_2 {offsets = [1, 0, 0], sizes = [1, 1000, 64], strides = [1, 1, 1]} : vector<2x1000x64xf32> to vector<1x1000x64xf32>
    %squeeze3A_7 = vector.shape_cast %slice3A_6 : vector<1x1000x64xf32> to vector<1000x64xf32>
    %add3A = arith.addf %squeeze3A, %squeeze3A_7 : vector<1000x64xf32>
    %mul3A = vector.broadcast %get3A_5 : vector<1000x1xf32> to vector<1000x64xf32>
    %mul3A_8 = arith.mulf %mul3A, %add3A : vector<1000x64xf32>
    %mul3A_9 = arith.mulf %get3A_5, %get3A_5 : vector<1000x1xf32>
    %get3A_10 = arith.constant 0 : index
    %get3A_11 = arith.constant 0 : index
    %get3A_12 = vector.load %arg2[%get3A_10, %get3A_11] : memref<1000x64xf32, #tpu.memory_space<vmem>>, vector<1000x64xf32>
    %mul3A_13 = vector.broadcast %mul3A_9 : vector<1000x1xf32> to vector<1000x64xf32>
    %mul3A_14 = arith.mulf %mul3A_13, %get3A_12 : vector<1000x64xf32>
    %add3A_15 = arith.addf %mul3A_8, %mul3A_14 : vector<1000x64xf32>
    %get3A_16 = arith.constant 0 : index
    %get3A_17 = arith.constant 0 : index
    %get3A_18 = vector.load %arg4[%get3A_16, %get3A_17] : memref<1x64xf32, #tpu.memory_space<vmem>>, vector<1x64xf32>
    %add3A_19 = vector.broadcast %get3A_18 : vector<1x64xf32> to vector<1000x64xf32>
    %add3A_20 = arith.addf %add3A_15, %add3A_19 : vector<1000x64xf32>
    %max3A = arith.constant 0.000000e+00 : f32
    %max3A_21 = vector.broadcast %max3A : f32 to vector<1000x64xf32>
    %max3A_22 = arith.maximumf %add3A_20, %max3A_21 : vector<1000x64xf32>
    %get3A_23 = arith.constant 0 : index
    %get3A_24 = arith.constant 0 : index
    %get3A_25 = vector.load %arg5[%get3A_23, %get3A_24] : memref<64x32xf32, #tpu.memory_space<vmem>>, vector<64x32xf32>
    %dot_general3A = arith.constant dense<0.000000e+00> : vector<1000x32xf32>
    %dot_general3A_26 = tpu.matmul %max3A_22, %get3A_25, %dot_general3A {dimension_numbers = #tpu.dot_dimension_numbers<[1], [0], [0], [1], [0, 0, 1, 1], [], []>, transpose_lhs_hint = false} : vector<1000x64xf32>, vector<64x32xf32>, vector<1000x32xf32> -> vector<1000x32xf32>
    %swap3A = arith.constant 0 : index
    %swap3A_27 = arith.constant 0 : index
    %swap3A_28 = vector.load %arg6[%swap3A, %swap3A_27] : memref<1000x32xf32, #tpu.memory_space<vmem>>, vector<1000x32xf32>
    tpu.vector_store %arg6[%swap3A, %swap3A_27], %dot_general3A_26 {strides = array<i32>} : memref<1000x32xf32, #tpu.memory_space<vmem>>, vector<1000x32xf32>,
    %mul3A_29 = vector.broadcast %get3A_5 : vector<1000x1xf32> to vector<1000x32xf32>
    %mul3A_30 = arith.mulf %dot_general3A_26, %mul3A_29 : vector<1000x32xf32>
    %swap3A_31 = arith.constant 0 : index
    %swap3A_32 = arith.constant 0 : index
    %swap3A_33 = vector.load %arg7[%swap3A_31, %swap3A_32] : memref<1000x32xf32, #tpu.memory_space<vmem>>, vector<1000x32xf32>
    tpu.vector_store %arg7[%swap3A_31, %swap3A_32], %mul3A_30 {strides = array<i32>} : memref<1000x32xf32, #tpu.memory_space<vmem>>, vector<1000x32xf32>,
    return
  }
  func.func @transform_0(%arg0: i32) -> (i32, i32, i32) {
    %c0_i32 = arith.constant 0 : i32
    %c0_i32_0 = arith.constant 0 : i32
    %c0_i32_1 = arith.constant 0 : i32
    return %c0_i32, %arg0, %c0_i32_0 : i32, i32, i32
  }
  func.func @transform_1(%arg0: i32) -> (i32, i32) {
    %c0_i32 = arith.constant 0 : i32
    %c0_i32_0 = arith.constant 0 : i32
    return %arg0, %c0_i32 : i32, i32
  }
  func.func @transform_2(%arg0: i32) -> (i32, i32) {
    %c0_i32 = arith.constant 0 : i32
    %c0_i32_0 = arith.constant 0 : i32
    return %arg0, %c0_i32 : i32, i32
  }
  func.func @transform_3(%arg0: i32) -> (i32, i32) {
    %c0_i32 = arith.constant 0 : i32
    %c0_i32_0 = arith.constant 0 : i32
    %c0_i32_1 = arith.constant 0 : i32
    return %c0_i32, %c0_i32_0 : i32, i32
  }
  func.func @transform_4(%arg0: i32) -> (i32, i32) {
    %c0_i32 = arith.constant 0 : i32
    %c0_i32_0 = arith.constant 0 : i32
    %c0_i32_1 = arith.constant 0 : i32
    return %c0_i32, %c0_i32_0 : i32, i32
  }
  func.func @transform_5(%arg0: i32) -> (i32, i32) {
    %c0_i32 = arith.constant 0 : i32
    %c0_i32_0 = arith.constant 0 : i32
    return %arg0, %c0_i32 : i32, i32
  }
  func.func @transform_6(%arg0: i32) -> (i32, i32) {
    %c0_i32 = arith.constant 0 : i32
    %c0_i32_0 = arith.constant 0 : i32
    return %arg0, %c0_i32 : i32, i32
  }
}

module attributes {stable_mosaic.version = 14 : i64} {
  func.func @body(%arg0: i32, %arg1: memref<2x1000x32xf32, #tpu.memory_space<vmem>>, %arg2: memref<1000x32xf32, #tpu.memory_space<vmem>>, %arg3: memref<1000x1xf32, #tpu.memory_space<vmem>>, %arg4: memref<1x32xf32, #tpu.memory_space<vmem>>, %arg5: memref<1000x32xf32, #tpu.memory_space<vmem>>) attributes {dimension_semantics = [#tpu.dimension_semantics<arbitrary>], iteration_bounds = array<i64: 10>, scalar_prefetch = 0 : i64, scratch_operands = 0 : i64, tpu.core_type = #tpu.core_type<tc>, window_params = [{transform_indices = @transform_0, window_bounds = array<i64: 2, 1000, 32>}, {transform_indices = @transform_1, window_bounds = array<i64: 1000, 32>}, {transform_indices = @transform_2, window_bounds = array<i64: 1000, 1>}, {pipeline_mode = #tpu.pipeline_mode<synchronous>, transform_indices = @transform_3, window_bounds = array<i64: 1, 32>}, {transform_indices = @transform_4, window_bounds = array<i64: 1000, 32>}]} {
    %get3A = arith.constant 0 : index
    %get3A_0 = arith.constant 0 : index
    %get3A_1 = arith.constant 0 : index
    %get3A_2 = vector.load %arg1[%get3A, %get3A_0, %get3A_1] : memref<2x1000x32xf32, #tpu.memory_space<vmem>>, vector<2x1000x32xf32>
    %get3A_3 = arith.constant 0 : index
    %get3A_4 = arith.constant 0 : index
    %get3A_5 = vector.load %arg3[%get3A_3, %get3A_4] : memref<1000x1xf32, #tpu.memory_space<vmem>>, vector<1000x1xf32>
    %slice3A = vector.extract_strided_slice %get3A_2 {offsets = [0, 0, 0], sizes = [1, 1000, 32], strides = [1, 1, 1]} : vector<2x1000x32xf32> to vector<1x1000x32xf32>
    %squeeze3A = vector.shape_cast %slice3A : vector<1x1000x32xf32> to vector<1000x32xf32>
    %slice3A_6 = vector.extract_strided_slice %get3A_2 {offsets = [1, 0, 0], sizes = [1, 1000, 32], strides = [1, 1, 1]} : vector<2x1000x32xf32> to vector<1x1000x32xf32>
    %squeeze3A_7 = vector.shape_cast %slice3A_6 : vector<1x1000x32xf32> to vector<1000x32xf32>
    %add3A = arith.addf %squeeze3A, %squeeze3A_7 : vector<1000x32xf32>
    %mul3A = vector.broadcast %get3A_5 : vector<1000x1xf32> to vector<1000x32xf32>
    %mul3A_8 = arith.mulf %mul3A, %add3A : vector<1000x32xf32>
    %mul3A_9 = arith.mulf %get3A_5, %get3A_5 : vector<1000x1xf32>
    %get3A_10 = arith.constant 0 : index
    %get3A_11 = arith.constant 0 : index
    %get3A_12 = vector.load %arg2[%get3A_10, %get3A_11] : memref<1000x32xf32, #tpu.memory_space<vmem>>, vector<1000x32xf32>
    %mul3A_13 = vector.broadcast %mul3A_9 : vector<1000x1xf32> to vector<1000x32xf32>
    %mul3A_14 = arith.mulf %mul3A_13, %get3A_12 : vector<1000x32xf32>
    %add3A_15 = arith.addf %mul3A_8, %mul3A_14 : vector<1000x32xf32>
    %get3A_16 = arith.constant 0 : index
    %get3A_17 = arith.constant 0 : index
    %get3A_18 = vector.load %arg4[%get3A_16, %get3A_17] : memref<1x32xf32, #tpu.memory_space<vmem>>, vector<1x32xf32>
    %add3A_19 = vector.broadcast %get3A_18 : vector<1x32xf32> to vector<1000x32xf32>
    %add3A_20 = arith.addf %add3A_15, %add3A_19 : vector<1000x32xf32>
    %swap3A = arith.constant 0 : index
    %swap3A_21 = arith.constant 0 : index
    %swap3A_22 = vector.load %arg5[%swap3A, %swap3A_21] : memref<1000x32xf32, #tpu.memory_space<vmem>>, vector<1000x32xf32>
    tpu.vector_store %arg5[%swap3A, %swap3A_21], %add3A_20 {strides = array<i32>} : memref<1000x32xf32, #tpu.memory_space<vmem>>, vector<1000x32xf32>,
    return
  }
  func.func @transform_0(%arg0: i32) -> (i32, i32, i32) {
    %c0_i32 = arith.constant 0 : i32
    %c0_i32_0 = arith.constant 0 : i32
    %c0_i32_1 = arith.constant 0 : i32
    return %c0_i32, %arg0, %c0_i32_0 : i32, i32, i32
  }
  func.func @transform_1(%arg0: i32) -> (i32, i32) {
    %c0_i32 = arith.constant 0 : i32
    %c0_i32_0 = arith.constant 0 : i32
    return %arg0, %c0_i32 : i32, i32
  }
  func.func @transform_2(%arg0: i32) -> (i32, i32) {
    %c0_i32 = arith.constant 0 : i32
    %c0_i32_0 = arith.constant 0 : i32
    return %arg0, %c0_i32 : i32, i32
  }
  func.func @transform_3(%arg0: i32) -> (i32, i32) {
    %c0_i32 = arith.constant 0 : i32
    %c0_i32_0 = arith.constant 0 : i32
    %c0_i32_1 = arith.constant 0 : i32
    return %c0_i32, %c0_i32_0 : i32, i32
  }
  func.func @transform_4(%arg0: i32) -> (i32, i32) {
    %c0_i32 = arith.constant 0 : i32
    %c0_i32_0 = arith.constant 0 : i32
    return %arg0, %c0_i32 : i32, i32
  }
}

</mosaic_0001>

<sc_bundles>
// kernel: kernel.11.cloned.1.call-start
scs
__scs_entry_jumppad:
0x0: {  	(pc) =	sbr.rel $0x88, $3  }
0x1: {  	(tag) =	ssettag $0x0;
	lr =	simm.s32 $0x1  }
0x2: {  	[smem:$0x3F9B] =	sst lr;
	_ =	strace $0xD0000000  }
0x3: {  	_ = 	snop  }
0x4: {  	_ = 	snop  }
0x5: {  	_ = 	snop  }
0x6: {  	_ = 	snop  }
0x7: {  	_ = 	snop  }
__scs_overlays_trampoline_lowered:
0x8: {  	[smem:$0x3FAA] =	sst s0  }
0x9: {  	[smem:$0x3FAB] =	sst s1  }
0xa: {  	[smem:$0x3FAC] =	sst s2  }
0xb: {  	[smem:$0x3FAD] =	sst s3  }
0xc: {  	[smem:$0x3FAE] =	sst s4  }
0xd: {  	[smem:$0x3FAF] =	sst s5  }
0xe: {  	[smem:$0x3FB0] =	sst s6  }
0xf: {  	[smem:$0x3FB1] =	sst s7  }
0x10: {  	[smem:$0x3FB2] =	sst s8  }
0x11: {  	[smem:$0x3FB3] =	sst s9;
	s0 =	simm.s32 @!p0 $0x0  }
0x12: {  	s1 =	sld [smem:$0x3F99];
	s0 =	simm.s32 @p0 $0x1  }
0x13: {  	[smem:$0x3FB4] =	sst s0;
	s0 =	simm.s32 @!p1 $0x0  }
0x14: {  	s2 =	sld [smem:$0x3F98];
	s0 =	simm.s32 @p1 $0x1  }
0x15: {  	[smem:$0x3FB5] =	sst s0;
	s0 =	simm.s32 @!p2 $0x0  }
0x16: {  	s3 =	sld [smem:$0x3FDB];
	s0 =	simm.s32 @p2 $0x1  }
0x17: {  	s4 =	simm.s32 $0x1BF5;
	[smem:$0x3FB7] =	sst s0  }
0x18: {  	s0 =	sld [smem:$0x3F9A];
	_ =	swait.ge [sflag:s4], $0x0  }
0x19: {  	s7 =	sld [smem:$0x3F9B]  }
0x1a: {  	s8 =	sadd.s32 $0xFFFFE003, lr  }
0x1b: {  	s9 =	sadd.s32 $0xFFFFFEF7, lr;
	s5 =	simm.s32 $0xFFFFFFFF;
	p2 =	slt.u32 s8, $0xFFFFF086  }
0x1c: {  	p1 =	slt.u32 s9, $0xF7A;
	s5 =	simm.s32 @!p2 $0x0  }
0x1d: {  	s5 =	simm.s32 @p1 $0x1;
	p0 =	seq.s32 s7, s2  }
0x1e: {  	s7 =	smul.u32 @!p0 $0xF7A, s2;
	p2 =	seq.s32 @!p0 s5, $0x0  }
0x1f: {  	s9 =	smul.u32 $0xF7A, s1;
	s8 =	simm.s32 @!p0 $0x1BF5;
	p2 =	por !p2, p0  }
0x20: {  	[sflag:s8] =	ssyncset.s32 @!p0 $0xFFFFF086;
	s6 =	sadd.s32 @!p0 s3, s7;
	s7 =	simm.s32 @!p0 $0x108  }
0x21: {  	s3 =	sadd.s32 s3, s9;
	s6 =	sadd.s32 @!p0 $0x88, s6;
	s7 =	simm.s32 @p2 $0x1082  }
0x22: {  	[simem:s7], [sflag:s8] =	dma.local @!p0 [hbm:s6], $0xF7A  }
0x23: {  	s9 =	sor.u32 $0xD0000000, s2;
	s6 =	simm.s32 $0x108;
	_ =	swait.ge @!p0 [sflag:s8], $0x0  }
0x24: {  	s3 =	sadd.s32 $0x88, s3;
	s6 =	simm.s32 @!p1 $0x1082;
	[sflag:s4] =	ssyncset.s32 $0xFFFFF086  }
0x25: {  	[simem:s6], [sflag:s4] =	dma.local [hbm:s3], $0xF7A  }
0x26: {  	[smem:$0x3F9B] =	sst s1;
	(tag) =	ssettag s2;
	_ =	strace s9  }
0x27: {  	s1 =	sld [smem:$0x3FAB]  }
0x28: {  	s2 =	sld [smem:$0x3FAC]  }
0x29: {  	s4 =	sld [smem:$0x3FAE]  }
0x2a: {  	p0 =	seq.s32 s5, $0x0;
	s5 =	sld [smem:$0x3FAF]  }
0x2b: {  	s6 =	sld [smem:$0x3FB0]  }
0x2c: {  	s7 =	sld [smem:$0x3FB1]  }
0x2d: {  	s3 =	simm.s32 $0x108;
	s8 =	sld [smem:$0x3FB2]  }
0x2e: {  	s3 =	simm.s32 @!p0 $0x1082;
	s9 =	sld [smem:$0x3FB3]  }
0x2f: {  	lr =	sadd.s32 s0, s3;
	s0 =	sld [smem:$0x3FAA]  }
0x30: {  	s3 =	sld [smem:$0x3FAD]  }
0x31: {  	[smem:$0x3FB6] =	sst s10  }
0x32: {  	s10 =	sld [smem:$0x3FB4];
	_ =	sdelay $0x3  }
0x33: {  	p0 =	seq.s32 s10, $0x1;
	s10 =	sld [smem:$0x3FB6];
	_ =	sdelay $0x3  }
0x34: {  	[smem:$0x3FB6] =	sst s10  }
0x35: {  	s10 =	sld [smem:$0x3FB5];
	_ =	sdelay $0x3  }
0x36: {  	p1 =	seq.s32 s10, $0x1;
	s10 =	sld [smem:$0x3FB6];
	_ =	sdelay $0x3  }
0x37: {  	[smem:$0x3FB6] =	sst s10  }
0x38: {  	s10 =	sld [smem:$0x3FB7]  }
0x39: {  	_ = 	snop;
	(pc) =	sbr.ind lr, $3  }
0x3a: {  	_ = 	snop  }
0x3b: {  	_ = 	snop  }
0x3c: {  	p2 =	seq.s32 s10, $0x1;
	s10 =	sld [smem:$0x3FB6]  }
0x3d: {  	_ =	shalt  }
0x3e: {  	_ =	shalt  }
0x3f: {  	_ =	shalt  }
0x40: {  	_ =	shalt  }
0x41: {  	_ =	shalt  }
0x42: {  	_ =	shalt  }
0x43: {  	_ =	shalt  }
0x44: {  	_ =	shalt  }
0x45: {  	_ =	shalt  }
0x46: {  	_ =	shalt  }
0x47: {  	_ =	shalt  }
0x48: {  	_ =	shalt  }
0x49: {  	_ =	shalt  }
0x4a: {  	_ =	shalt  }
0x4b: {  	_ =	shalt  }
0x4c: {  	_ =	shalt  }
0x4d: {  	_ =	shalt  }
0x4e: {  	_ =	shalt  }
0x4f: {  	_ =	shalt  }
0x50: {  	_ =	shalt  }
0x51: {  	_ =	shalt  }
0x52: {  	_ =	shalt  }
0x53: {  	_ =	shalt  }
0x54: {  	_ =	shalt  }
0x55: {  	_ =	shalt  }
0x56: {  	_ =	shalt  }
0x57: {  	_ =	shalt  }
0x58: {  	_ =	shalt  }
0x59: {  	_ =	shalt  }
0x5a: {  	_ =	shalt  }
0x5b: {  	_ =	shalt  }
0x5c: {  	_ =	shalt  }
0x5d: {  	_ =	shalt  }
0x5e: {  	_ =	shalt  }
0x5f: {  	_ =	shalt  }
0x60: {  	_ =	shalt  }
0x61: {  	_ =	shalt  }
0x62: {  	_ =	shalt  }
0x63: {  	_ =	shalt  }
0x64: {  	_ =	shalt  }
0x65: {  	_ =	shalt  }
0x66: {  	_ =	shalt  }
0x67: {  	_ =	shalt  }
0x68: {  	_ =	shalt  }
0x69: {  	_ =	shalt  }
0x6a: {  	_ =	shalt  }
0x6b: {  	_ =	shalt  }
0x6c: {  	_ =	shalt  }
0x6d: {  	_ =	shalt  }
0x6e: {  	_ =	shalt  }
0x6f: {  	_ =	shalt  }
0x70: {  	_ =	shalt  }
0x71: {  	_ =	shalt  }
0x72: {  	_ =	shalt  }
0x73: {  	_ =	shalt  }
0x74: {  	_ =	shalt  }
0x75: {  	_ =	shalt  }
0x76: {  	_ =	shalt  }
0x77: {  	_ =	shalt  }
0x78: {  	_ =	shalt  }
0x79: {  	_ =	shalt  }
0x7a: {  	_ =	shalt  }
0x7b: {  	_ =	shalt  }
0x7c: {  	_ =	shalt  }
0x7d: {  	_ =	shalt  }
0x7e: {  	_ =	shalt  }
0x7f: {  	_ =	shalt  }
0x80: {  	_ =	shalt  }
0x81: {  	_ =	shalt  }
0x82: {  	_ =	shalt  }
0x83: {  	_ =	shalt  }
0x84: {  	_ =	shalt  }
0x85: {  	_ =	shalt  }
0x86: {  	_ =	shalt  }
0x87: {  	_ =	shalt  }
.Lfunc_end0:
.L_simem_size_0:
called_computation.1_lowered:
.L_overlay_start_0:
0x88: {  	s2 =	sld [smem:$0x3FD9]  }
0x89: {  	s3 =	sld [smem:$0x3FFE];
	_ =	sdelay $0x1  }
0x8a: {  	s1 =	srdreg.scid  }
0x8b: {  	s0 =	sand.u32 $0x1, s1  }
0x8c: {  	s16 =	sshll.u32 s0, $0xA;
	s2 =	sadd.s32 s3, s2  }
0x8d: {  	s2 =	sadd.s32 s2, s16  }
0x8e: {  	[smem:$0x3FC2] =	sst s2  }
0x8f: {  	_ = 	snop  }
0x90: {  	(tm) =	ssettm $0x1  }
0x91: {  	s17 =	sld [smem:$0x3FFB];
	_ =	sdelay $0x3  }
0x92: {  	_ =	strace s17  }
0x93: {  	s2 =	sld [smem:$0x3FFC];
	_ =	sdelay $0x3  }
0x94: {  	_ =	strace s2  }
0x95: {  	s2 =	sld [smem:$0x3FFD];
	_ =	sdelay $0x3  }
0x96: {  	_ =	strace s2  }
0x97: {  	_ =	strace $0x8FFFFFFF  }
0x98: {  	s18 =	sld [smem:$0x3FDB];
	_ =	sdelay $0x1  }
0x99: {  	s19 =	simm.s32 $_scs_section_size  }
0x9a: {  	s4 =	simm.s32 $_size__tile_overlayer_lowered;
	s5 =	simm.s32 $_tile_overlayer_lowered  }
0x9b: {  	s22 =	simm.s32 $0x1BFF;
	s21 =	sshll.u32 s5, $0x1;
	s2 =	sadd.s32 s19, s18  }
0x9c: {  	s6 =	simm.s32 $0x0;
	s20 =	sshll.u32 s4, $0x1;
	s4 =	sadd.s32 s21, s2  }
0x9d: {  	[timem:s6], [sflag:s22] =	dma.local [hbm:s4], s20  }
0x9e: {  	_ =	swait.ge [sflag:s22], s20  }
0x9f: {  	s3 =	ssub.s32 $0x0, s20;
	[sflag:s22] =	ssyncset.done $0x0  }
0xa0: {  	[sflag:s22] =	ssyncadd.s32 s3;
	_ =	sdelay $0x1  }
0xa1: {  	s23 =	simm.s32 $0x1B8B  }
0xa2: {  	_ =	swait.ge [sflag:s23], $0x1  }
0xa3: {  	[sflag:s23] =	ssyncset.done $0x0  }
0xa4: {  	s25 =	simm.s32 $0x1B8E;
	s24 =	sld [smem:$0x3FFE];
	[sflag:s23] =	ssyncadd.s32 $0xFFFFFFFF  }
0xa5: {  	s26 =	simm.s32 $execute0_lowered;
	[smem:$0x3FD2] =	sst s25  }
0xa6: {  	s4 =	sshll.u32 s26, $0x1;
	_ =	strace $0x80000049;
	[dreg:$0x1] =	wrdreg $0xFFFFFFFF  }
0xa7: {  	s28 =	simm.s32 $_size_execute0_lowered;
	s2 =	sadd.s32 s2, s4;
	[dreg:$0x0] =	wrdreg $0x0  }
0xa8: {  	s4 =	sshll.u32 s28, $0x1;
	[dreg:$0x2] =	wrdreg s2  }
0xa9: {  	[dreg:$0x3] =	wrdreg s4  }
0xaa: {  	[dreg:$0x4] =	wrdreg $0xC0  }
0xab: {  	_ =	task [dreg:s6], $0x5FFFF  }
0xac: {  	[dreg:$0x1] =	wrdreg $0xFFFFFFFF  }
0xad: {  	[dreg:$0x0] =	wrdreg $0x60  }
0xae: {  	[dreg:$0x2] =	wrdreg s24  }
0xaf: {  	[dreg:$0x3] =	wrdreg $0x8E800  }
0xb0: {  	[dreg:$0x4] =	wrdreg $0x9  }
0xb1: {  	_ =	task.clear_ibuf [dreg:s6], $0x5FFFF;
	_ =	strace $0x90000049  }
0xb2: {  	s29 =	simm.s32 $0x9;
	_ =	strace $0x8000004B  }
0xb3: {  	_ =	swait.ge [sflag:s29], $0x1  }
0xb4: {  	[sflag:s29] =	ssyncadd.s32 $0xFFFFFFFF  }
0xb5: {  	_ =	strace $0x9000004B  }
0xb6: {  	_ =	sfence  }
0xb7: {  	s30 =	sld [smem:$0x0];
	_ =	sdelay $0x2  }
0xb8: {  	s31 =	sshll.u32 s1, $0xD;
	s1 =	sshrl.u32 s1, $0x2  }
0xb9: {  	s3 =	sand.u32 $0x4000, s31;
	s1 =	sadd.s32 s1, s30  }
0xba: {  	s0 =	sor.u32 s3, s0;
	s1 =	sshll.u32 s1, $0x11  }
0xbb: {  	s0 =	sor.u32 s1, s0  }
0xbc: {  	s0 =	sadd.s32 $0x8F2B, s0  }
0xbd: {  	[sflag:s0] =	ssyncadd.remote.s32 $0x1  }
0xbe: {  	_ =	sfence.sel $0xFFFF  }
0xbf: {  	[dreg:$0x0] =	wrdreg $0xFFFFFFFF;
	(pc) =	sbr.abs _section_cstart, $3  }
0xc0: {  	[dreg:$0x1] =	wrdreg $0xFFFFFFFF  }
0xc1: {  	_ =	task.clear_ibuf [dreg:s6], $0x2FFFF;
	_ =	strace $0x9FFFFFFF  }
0xc2: {  	(tm) =	ssettm $0x7FFFFFFF  }
0xc3: {  	_ =	shalt  }
tec
execute0_lowered:
.L_overlay_start_1:
0x0: {  	(tag) =	ssettag $0x1  }
0x1: {  	s0 =	srdreg.scid;
	s5 =	rddreg [dreg:$0x0]  }
0x2: {  	s1 =	rddreg [dreg:$0x1];
	s2 =	stileid.u32  }
0x3: {  	s3 =	simm.s32 $0x0;
	s18 =	simm.s32 $0x7D;
	s19 =	simm.s32 $0x80  }
0x4: {  	s20 =	simm.s32 $0x6F40;
	s21 =	simm.s32 $0x1;
	s22 =	simm.s32 $0x2  }
0x5: {  	s23 =	simm.s32 $0x3;
	s26 =	simm.s32 $0x4;
	s28 =	simm.s32 $0x4F00  }
0x6: {  	s29 =	simm.s32 $0x4F80;
	s6 =	sand.u32 $0x1, s0;
	s8 =	smul.u32 $0x27100, s2  }
0x7: {  	[smem:$0x7FF] =	sst s3;
	s13 =	sadd.s32 $0x29200, s5;
	s15 =	smul.u32 $0x9C00, s2  }
0x8: {  	s25 =	sadd.s32 $0x9C000, s1;
	p0 =	sne.s32 s2, $0x0;
	s4 =	sshll.u32 s6, $0x4  }
0x9: {  	_ =	strace $0x8000004A;
	s30 =	ssub.s32 $0x2, s6;
	s12 =	smul.u32 $0x9C400, s6  }
0xa: {  	s25 =	sshrl.u32 @!p0 s25, $0x3;
	s4 =	sor.u32 s2, s4;
	s31 =	sshrl.u32 s30, $0x1  }
0xb: {  	s8 =	sshrl.u32 s8, $0x2;
	s24 =	sadd.s32 s15, s1;
	s7 =	smul.u32 $0x500, s4  }
0xc: {  	s4 =	sadd.s32 $0x15800, s5;
	s14 =	ssub.s32 s30, s31;
	s16 =	sadd.s32 s15, s12  }
0xd: {  	s17 =	sshrl.u32 s12, $0x3;
	s15 =	simm.s32 $0x5000;
	s24 =	sshrl.u32 s24, $0x3  }
0xe: {  	s16 =	sshrl.u32 s16, $0x3;
	s14 =	smax.u32 s14, $0x1;
	s11 =	sadd.s32 s7, s5  }
0xf: {  	s5 =	sadd.s32 s8, s1;
	s12 =	sadd.s32 s13, s16;
	s13 =	sadd.s32 s13, s17  }
0x10: {  	s16 =	simm.s32 $0x5;
	s17 =	simm.s32 $0x2800;
	s6 =	sadd.s32 $0x1F40, s5  }
0x11: {  	s7 =	sadd.s32 $0x3E80, s5;
	s8 =	sadd.s32 $0x5DC0, s5;
	s9 =	sadd.s32 $0x7D00, s5  }
0x12: {  	v0 =	vimm.f32 $0.0e+00;
	s10 =	sadd.s32 $0xB800, s11;
	s11 =	sadd.s32 $0x1800, s11;
	s13 =	sadd.s32 $0x13800, s13  }
.LBB2_1:
0x13: {  	s31 =	simm.s32 $0x100;
	s30 =	simm.s32 $0x0  }
.LBB2_2:
0x14: {  	p1 =	sne.s32 s31, $0x7C00;
	[tilespmem:s30+$0x5030] =	vst v0;
	s0 =	smov.u32 s31;
	s31 =	sadd.s32 $0x100, s31  }
.Ltmp0:
0x15: {  	[tilespmem:s30+$0x5020] =	vst v0;
	(pc) =	sbr.rel @p1 .LBB2_2-.Ltmp0, $3  }
0x16: {  	[tilespmem:s30+$0x5000] =	vst v0  }
0x17: {  	[tilespmem:s30+$0x5010] =	vst v0;
	_ =	sdelay $0x1  }
0x18: {  	s30 =	sshra.s32 s0, $0x2  }
0x19: {  	[tilespmem:s30+$0x5030] =	vst v0  }
0x1a: {  	[tilespmem:s30+$0x5020] =	vst v0  }
0x1b: {  	[tilespmem:s30+$0x5000] =	vst v0  }
0x1c: {  	[tilespmem:s30+$0x5010] =	vst v0  }
0x1d: {  	[spmem:s5] =	stream.linear.scatter [tilespmem:s15], [sflag:$0x5], $0x1F40, $0x38;
	[tilespmem:$0x12AC0] =	vst v63  }
0x1e: {  	_ =	swait.ge [sflag:s16], $0x1F40  }
0x1f: {  	[sflag:s16] =	ssyncset.done $0x0  }
0x20: {  	[sflag:s16] =	ssyncadd.s32 $0xFFFFE0C0  }
0x21: {  	[spmem:s6] =	stream.linear.scatter [tilespmem:s15], [sflag:$0x5], $0x1F40, $0x38;
	[tilespmem:$0x12AC0] =	vst v63  }
0x22: {  	_ =	swait.ge [sflag:s16], $0x1F40  }
0x23: {  	[sflag:s16] =	ssyncset.done $0x0  }
0x24: {  	[sflag:s16] =	ssyncadd.s32 $0xFFFFE0C0  }
0x25: {  	[spmem:s7] =	stream.linear.scatter [tilespmem:s15], [sflag:$0x5], $0x1F40, $0x38;
	[tilespmem:$0x12AC0] =	vst v63  }
0x26: {  	_ =	swait.ge [sflag:s16], $0x1F40  }
0x27: {  	[sflag:s16] =	ssyncset.done $0x0  }
0x28: {  	[sflag:s16] =	ssyncadd.s32 $0xFFFFE0C0  }
0x29: {  	[spmem:s8] =	stream.linear.scatter [tilespmem:s15], [sflag:$0x5], $0x1F40, $0x38;
	[tilespmem:$0x12AC0] =	vst v63  }
0x2a: {  	_ =	swait.ge [sflag:s16], $0x1F40  }
0x2b: {  	[sflag:s16] =	ssyncset.done $0x0  }
0x2c: {  	[sflag:s16] =	ssyncadd.s32 $0xFFFFE0C0  }
0x2d: {  	[spmem:s9] =	stream.linear.scatter [tilespmem:s15], [sflag:$0x5], $0x1F40, $0x38;
	[tilespmem:$0x12AC0] =	vst v63  }
0x2e: {  	_ =	swait.ge [sflag:s16], $0x1F40  }
0x2f: {  	[sflag:s16] =	ssyncset.done $0x0  }
0x30: {  	s0 =	simm.s32 $0x0;
	[sflag:s16] =	ssyncadd.s32 $0xFFFFE0C0  }
0x31: {  	[tilespmem:s0], [sflag:$0x5] =	stream.linear.gather [hbm4b:s10+s0], $0x2800, $0x38;
	[tilespmem:$0x12AC0] =	vst v63  }
0x32: {  	_ =	swait.ge [sflag:s16], $0x2800  }
0x33: {  	[sflag:s16] =	ssyncset.done $0x0  }
0x34: {  	[sflag:s16] =	ssyncadd.s32 $0xFFFFD800  }
0x35: {  	[tilespmem:s17], [sflag:$0x5] =	stream.linear.gather [hbm4b:s11+s0], $0x2800, $0x38;
	[tilespmem:$0x12AC0] =	vst v63  }
0x36: {  	_ =	swait.ge [sflag:s16], $0x2800  }
0x37: {  	[sflag:s16] =	ssyncset.done $0x0  }
0x38: {  	[sflag:s16] =	ssyncadd.s32 $0xFFFFD800  }
0x39: {  	[bflag:$0x0] =	sbarrier.arrive $0xFFFF  }
0x3a: {  	[tilespmem:s15], [sflag:$0x1] =	stream.indirect.gather [hbm4b:s4+s18], $0x40, s0, s18, $0xb8;
	[tilespmem:$0x12AC0] =	vst v63  }
0x3b: {  	_ = 	snop  }
0x3c: {  	[tilespmem:s20], [sflag:$0x2] =	stream.indirect.gather [hbm4b:s4+s18], $0x40, s19, s18, $0xb8;
	[tilespmem:$0x12AC0] =	vst v63  }
0x3d: {  	_ =	swait.ge [sflag:s21], $0x1F40  }
0x3e: {  	[sflag:s21] =	ssyncset.done $0x0  }
0x3f: {  	s0 =	simm.s32 $0x2800;
	[sflag:s21] =	ssyncadd.s32 $0xFFFFE0C0  }
0x40: {  	[spmem:s1] =	stream.indirect.scatter.add.f32 [tilespmem:s15], [sflag:$0x3], $0x40, s0, s18, $0xb8;
	[tilespmem:$0x12AC0] =	vst v63  }
0x41: {  	_ =	swait.ge [sflag:s22], $0x1F40  }
0x42: {  	[sflag:s22] =	ssyncset.done $0x0  }
0x43: {  	s0 =	simm.s32 $0x2880;
	[sflag:s22] =	ssyncadd.s32 $0xFFFFE0C0  }
0x44: {  	[spmem:s1] =	stream.indirect.scatter.add.f32 [tilespmem:s20], [sflag:$0x4], $0x40, s0, s18, $0xb8;
	[tilespmem:$0x12AC0] =	vst v63  }
0x45: {  	_ =	swait.ge [sflag:s23], $0x1F40  }
0x46: {  	[sflag:s23] =	ssyncset.done $0x0  }
0x47: {  	s0 =	simm.s32 $0x100;
	[sflag:s23] =	ssyncadd.s32 $0xFFFFE0C0  }
0x48: {  	[tilespmem:s15], [sflag:$0x1] =	stream.indirect.gather [hbm4b:s4+s18], $0x40, s0, s18, $0xb8;
	[tilespmem:$0x12AC0] =	vst v63  }
0x49: {  	_ =	swait.ge [sflag:s26], $0x1F40  }
0x4a: {  	[sflag:s26] =	ssyncset.done $0x0  }
0x4b: {  	s30 =	simm.s32 $0x400;
	s31 =	simm.s32 $0x180;
	[sflag:s26] =	ssyncadd.s32 $0xFFFFE0C0  }
.LBB2_4:
0x4c: {  	[tilespmem:s20], [sflag:$0x2] =	stream.indirect.gather [hbm4b:s4+s18], $0x40, s31, s18, $0xb8;
	[tilespmem:$0x12AC0] =	vst v63  }
0x4d: {  	s0 =	smov.u32 s30  }
0x4e: {  	p1 =	sne.s32 s30, $0x9800;
	s30 =	sadd.s32 $0x400, s30;
	_ =	swait.ge [sflag:s21], $0x1F40  }
0x4f: {  	s0 =	sshra.s32 s0, $0x2;
	[sflag:s21] =	ssyncset.done $0x0  }
0x50: {  	s31 =	sadd.s32 $0x2800, s0;
	[sflag:s21] =	ssyncadd.s32 $0xFFFFE0C0  }
0x51: {  	[spmem:s1] =	stream.indirect.scatter.add.f32 [tilespmem:s15], [sflag:$0x3], $0x40, s31, s18, $0xb8;
	[tilespmem:$0x12AC0] =	vst v63  }
0x52: {  	_ =	swait.ge [sflag:s22], $0x1F40  }
0x53: {  	[sflag:s22] =	ssyncset.done $0x0  }
0x54: {  	s31 =	sadd.s32 $0x2880, s0;
	[sflag:s22] =	ssyncadd.s32 $0xFFFFE0C0  }
0x55: {  	[spmem:s1] =	stream.indirect.scatter.add.f32 [tilespmem:s20], [sflag:$0x4], $0x40, s31, s18, $0xb8;
	[tilespmem:$0x12AC0] =	vst v63  }
0x56: {  	_ =	swait.ge [sflag:s23], $0x1F40  }
0x57: {  	[sflag:s23] =	ssyncset.done $0x0  }
.Ltmp1:
0x58: {  	s31 =	sadd.s32 $0x100, s0;
	[sflag:s23] =	ssyncadd.s32 $0xFFFFE0C0;
	(pc) =	sbr.rel @p1 .LBB2_4-.Ltmp1, $4  }
0x59: {  	[tilespmem:s15], [sflag:$0x1] =	stream.indirect.gather [hbm4b:s4+s18], $0x40, s31, s18, $0xb8;
	[tilespmem:$0x12AC0] =	vst v63  }
0x5a: {  	_ =	swait.ge [sflag:s26], $0x1F40  }
0x5b: {  	[sflag:s26] =	ssyncset.done $0x0  }
0x5c: {  	s31 =	sadd.s32 $0x180, s0;
	[sflag:s26] =	ssyncadd.s32 $0xFFFFE0C0  }
0x5d: {  	[tilespmem:s20], [sflag:$0x2] =	stream.indirect.gather [hbm4b:s4+s18], $0x40, s31, s18, $0xb8;
	[tilespmem:$0x12AC0] =	vst v63  }
0x5e: {  	_ =	swait.ge [sflag:s21], $0x1F40  }
0x5f: {  	[sflag:s21] =	ssyncset.done $0x0  }
0x60: {  	[sflag:s21] =	ssyncadd.s32 $0xFFFFE0C0  }
0x61: {  	[spmem:s1] =	stream.indirect.scatter.add.f32 [tilespmem:s15], [sflag:$0x3], $0x40, s28, s18, $0xb8;
	[tilespmem:$0x12AC0] =	vst v63  }
0x62: {  	_ =	swait.ge [sflag:s22], $0x1F40  }
0x63: {  	[sflag:s22] =	ssyncset.done $0x0  }
0x64: {  	[sflag:s22] =	ssyncadd.s32 $0xFFFFE0C0  }
0x65: {  	[spmem:s1] =	stream.indirect.scatter.add.f32 [tilespmem:s20], [sflag:$0x4], $0x40, s29, s18, $0xb8;
	[tilespmem:$0x12AC0] =	vst v63  }
0x66: {  	_ =	swait.ge [sflag:s23], $0x1F40  }
0x67: {  	[sflag:s23] =	ssyncset.done $0x0  }
0x68: {  	[sflag:s23] =	ssyncadd.s32 $0xFFFFE0C0  }
0x69: {  	_ =	swait.ge [sflag:s26], $0x1F40  }
0x6a: {  	[sflag:s26] =	ssyncset.done $0x0  }
0x6b: {  	s0 =	sshll.u32 s2, $0x6;
	[sflag:s26] =	ssyncadd.s32 $0xFFFFE0C0  }
0x6c: {  	s0 =	sor.u32 $0x1C05, s0;
	[bflag:$0x0] =	sbarrier.arrive $0xFFFF  }
0x6d: {  	[hbm:s12], [sflag:s0] =	dma.local [spmem:s24], $0x1380  }
0x6e: {  	_ =	swait.ge [sflag:s16], $0x1380  }
0x6f: {  	s3 =	sadd.s32 $0x1, s3;
	[sflag:s16] =	ssyncset.done $0x0  }
0x70: {  	p1 =	sne.s32 s3, s14;
	[sflag:s16] =	ssyncadd.s32 $0xFFFFEC80  }
0x71: {  	[hbm:s13], [sflag:s0] =	dma.local @!p0 [spmem:s25], $0x80  }
.Ltmp2:
0x72: {  	_ = 	snop;
	(pc) =	sbr.rel @p1 .LBB2_1-.Ltmp2, $4  }
0x73: {  	s0 =	simm.s32 @!p0 $0x5  }
0x74: {  	_ =	swait.ge @!p0 [sflag:s0], $0x80  }
0x75: {  	[sflag:s0] =	ssyncset.done @!p0 $0x0  }
0x76: {  	[sflag:s0] =	ssyncadd.s32 @!p0 $0xFFFFFF80  }
0x77: {  	_ =	sfence.sel $0x180000  }
0x78: {  	[bflag:$0x0] =	sbarrier.arrive $0xFFFF  }
0x79: {  	_ =	strace $0x9000004A  }
0x7a: {  	[bflag:$0x2] =	sbarrier.arrive $0xFFFF  }
0x7b: {  	s0 =	rddreg [dreg:$0x2]  }
0x7c: {  	s0 =	sadd.s32 @!p0 $0x100000, s0  }
0x7d: {  	[sflag:s0] =	ssyncadd.tile.s32 @!p0 $0x1;
	_ =	shalt  }
.Lfunc_end2:
_tile_overlayer_lowered:
.L_overlay_start_2:
0x7e: {  	(tag) =	ssettag $0x2  }
0x7f: {  	s0 =	rddreg [dreg:$0x0];
	s2 =	stileid.u32  }
0x80: {  	s1 =	rddreg [dreg:$0x1];
	p0 =	sne.s32 s2, $0x0  }
0x81: {  	s3 =	rddreg [dreg:$0x2];
	[bflag:$0x3] =	sbarrier.arrive $0xFFFF;
	s2 =	simm.s32 @!p0 $0x1C05  }
0x82: {  	[timem:s3], [sflag:s2] =	dma.local @!p0 [hbm:s0], s1  }
0x83: {  	s0 =	simm.s32 @!p0 $0x5  }
0x84: {  	_ =	swait.ge @!p0 [sflag:s0], s1  }
0x85: {  	s1 =	ssub.s32 @!p0 $0x0, s1;
	[sflag:s0] =	ssyncset.done @!p0 $0x0  }
0x86: {  	[sflag:s0] =	ssyncadd.s32 @!p0 s1  }
0x87: {  	[bflag:$0x3] =	sbarrier.arrive $0xFFFF  }
0x88: {  	_ =	shalt  }

// kernel: kernel.14.cloned.1.call-start
scs
__scs_entry_jumppad:
0x0: {  	(pc) =	sbr.rel $0x88, $3  }
0x1: {  	(tag) =	ssettag $0x0;
	lr =	simm.s32 $0x1  }
0x2: {  	[smem:$0x3F9B] =	sst lr;
	_ =	strace $0xD0000000  }
0x3: {  	_ = 	snop  }
0x4: {  	_ = 	snop  }
0x5: {  	_ = 	snop  }
0x6: {  	_ = 	snop  }
0x7: {  	_ = 	snop  }
__scs_overlays_trampoline_lowered:
0x8: {  	[smem:$0x3FAA] =	sst s0  }
0x9: {  	[smem:$0x3FAB] =	sst s1  }
0xa: {  	[smem:$0x3FAC] =	sst s2  }
0xb: {  	[smem:$0x3FAD] =	sst s3  }
0xc: {  	[smem:$0x3FAE] =	sst s4  }
0xd: {  	[smem:$0x3FAF] =	sst s5  }
0xe: {  	[smem:$0x3FB0] =	sst s6  }
0xf: {  	[smem:$0x3FB1] =	sst s7  }
0x10: {  	[smem:$0x3FB2] =	sst s8  }
0x11: {  	[smem:$0x3FB3] =	sst s9;
	s0 =	simm.s32 @!p0 $0x0  }
0x12: {  	s1 =	sld [smem:$0x3F99];
	s0 =	simm.s32 @p0 $0x1  }
0x13: {  	[smem:$0x3FB4] =	sst s0;
	s0 =	simm.s32 @!p1 $0x0  }
0x14: {  	s2 =	sld [smem:$0x3F98];
	s0 =	simm.s32 @p1 $0x1  }
0x15: {  	[smem:$0x3FB5] =	sst s0;
	s0 =	simm.s32 @!p2 $0x0  }
0x16: {  	s3 =	sld [smem:$0x3FDB];
	s0 =	simm.s32 @p2 $0x1  }
0x17: {  	s4 =	simm.s32 $0x1BF5;
	[smem:$0x3FB7] =	sst s0  }
0x18: {  	s0 =	sld [smem:$0x3F9A];
	_ =	swait.ge [sflag:s4], $0x0  }
0x19: {  	s7 =	sld [smem:$0x3F9B]  }
0x1a: {  	s8 =	sadd.s32 $0xFFFFE003, lr  }
0x1b: {  	s9 =	sadd.s32 $0xFFFFFEF7, lr;
	s5 =	simm.s32 $0xFFFFFFFF;
	p2 =	slt.u32 s8, $0xFFFFF086  }
0x1c: {  	p1 =	slt.u32 s9, $0xF7A;
	s5 =	simm.s32 @!p2 $0x0  }
0x1d: {  	s5 =	simm.s32 @p1 $0x1;
	p0 =	seq.s32 s7, s2  }
0x1e: {  	s7 =	smul.u32 @!p0 $0xF7A, s2;
	p2 =	seq.s32 @!p0 s5, $0x0  }
0x1f: {  	s9 =	smul.u32 $0xF7A, s1;
	s8 =	simm.s32 @!p0 $0x1BF5;
	p2 =	por !p2, p0  }
0x20: {  	[sflag:s8] =	ssyncset.s32 @!p0 $0xFFFFF086;
	s6 =	sadd.s32 @!p0 s3, s7;
	s7 =	simm.s32 @!p0 $0x108  }
0x21: {  	s3 =	sadd.s32 s3, s9;
	s6 =	sadd.s32 @!p0 $0x88, s6;
	s7 =	simm.s32 @p2 $0x1082  }
0x22: {  	[simem:s7], [sflag:s8] =	dma.local @!p0 [hbm:s6], $0xF7A  }
0x23: {  	s9 =	sor.u32 $0xD0000000, s2;
	s6 =	simm.s32 $0x108;
	_ =	swait.ge @!p0 [sflag:s8], $0x0  }
0x24: {  	s3 =	sadd.s32 $0x88, s3;
	s6 =	simm.s32 @!p1 $0x1082;
	[sflag:s4] =	ssyncset.s32 $0xFFFFF086  }
0x25: {  	[simem:s6], [sflag:s4] =	dma.local [hbm:s3], $0xF7A  }
0x26: {  	[smem:$0x3F9B] =	sst s1;
	(tag) =	ssettag s2;
	_ =	strace s9  }
0x27: {  	s1 =	sld [smem:$0x3FAB]  }
0x28: {  	s2 =	sld [smem:$0x3FAC]  }
0x29: {  	s4 =	sld [smem:$0x3FAE]  }
0x2a: {  	p0 =	seq.s32 s5, $0x0;
	s5 =	sld [smem:$0x3FAF]  }
0x2b: {  	s6 =	sld [smem:$0x3FB0]  }
0x2c: {  	s7 =	sld [smem:$0x3FB1]  }
0x2d: {  	s3 =	simm.s32 $0x108;
	s8 =	sld [smem:$0x3FB2]  }
0x2e: {  	s3 =	simm.s32 @!p0 $0x1082;
	s9 =	sld [smem:$0x3FB3]  }
0x2f: {  	lr =	sadd.s32 s0, s3;
	s0 =	sld [smem:$0x3FAA]  }
0x30: {  	s3 =	sld [smem:$0x3FAD]  }
0x31: {  	[smem:$0x3FB6] =	sst s10  }
0x32: {  	s10 =	sld [smem:$0x3FB4];
	_ =	sdelay $0x3  }
0x33: {  	p0 =	seq.s32 s10, $0x1;
	s10 =	sld [smem:$0x3FB6];
	_ =	sdelay $0x3  }
0x34: {  	[smem:$0x3FB6] =	sst s10  }
0x35: {  	s10 =	sld [smem:$0x3FB5];
	_ =	sdelay $0x3  }
0x36: {  	p1 =	seq.s32 s10, $0x1;
	s10 =	sld [smem:$0x3FB6];
	_ =	sdelay $0x3  }
0x37: {  	[smem:$0x3FB6] =	sst s10  }
0x38: {  	s10 =	sld [smem:$0x3FB7]  }
0x39: {  	_ = 	snop;
	(pc) =	sbr.ind lr, $3  }
0x3a: {  	_ = 	snop  }
0x3b: {  	_ = 	snop  }
0x3c: {  	p2 =	seq.s32 s10, $0x1;
	s10 =	sld [smem:$0x3FB6]  }
0x3d: {  	_ =	shalt  }
0x3e: {  	_ =	shalt  }
0x3f: {  	_ =	shalt  }
0x40: {  	_ =	shalt  }
0x41: {  	_ =	shalt  }
0x42: {  	_ =	shalt  }
0x43: {  	_ =	shalt  }
0x44: {  	_ =	shalt  }
0x45: {  	_ =	shalt  }
0x46: {  	_ =	shalt  }
0x47: {  	_ =	shalt  }
0x48: {  	_ =	shalt  }
0x49: {  	_ =	shalt  }
0x4a: {  	_ =	shalt  }
0x4b: {  	_ =	shalt  }
0x4c: {  	_ =	shalt  }
0x4d: {  	_ =	shalt  }
0x4e: {  	_ =	shalt  }
0x4f: {  	_ =	shalt  }
0x50: {  	_ =	shalt  }
0x51: {  	_ =	shalt  }
0x52: {  	_ =	shalt  }
0x53: {  	_ =	shalt  }
0x54: {  	_ =	shalt  }
0x55: {  	_ =	shalt  }
0x56: {  	_ =	shalt  }
0x57: {  	_ =	shalt  }
0x58: {  	_ =	shalt  }
0x59: {  	_ =	shalt  }
0x5a: {  	_ =	shalt  }
0x5b: {  	_ =	shalt  }
0x5c: {  	_ =	shalt  }
0x5d: {  	_ =	shalt  }
0x5e: {  	_ =	shalt  }
0x5f: {  	_ =	shalt  }
0x60: {  	_ =	shalt  }
0x61: {  	_ =	shalt  }
0x62: {  	_ =	shalt  }
0x63: {  	_ =	shalt  }
0x64: {  	_ =	shalt  }
0x65: {  	_ =	shalt  }
0x66: {  	_ =	shalt  }
0x67: {  	_ =	shalt  }
0x68: {  	_ =	shalt  }
0x69: {  	_ =	shalt  }
0x6a: {  	_ =	shalt  }
0x6b: {  	_ =	shalt  }
0x6c: {  	_ =	shalt  }
0x6d: {  	_ =	shalt  }
0x6e: {  	_ =	shalt  }
0x6f: {  	_ =	shalt  }
0x70: {  	_ =	shalt  }
0x71: {  	_ =	shalt  }
0x72: {  	_ =	shalt  }
0x73: {  	_ =	shalt  }
0x74: {  	_ =	shalt  }
0x75: {  	_ =	shalt  }
0x76: {  	_ =	shalt  }
0x77: {  	_ =	shalt  }
0x78: {  	_ =	shalt  }
0x79: {  	_ =	shalt  }
0x7a: {  	_ =	shalt  }
0x7b: {  	_ =	shalt  }
0x7c: {  	_ =	shalt  }
0x7d: {  	_ =	shalt  }
0x7e: {  	_ =	shalt  }
0x7f: {  	_ =	shalt  }
0x80: {  	_ =	shalt  }
0x81: {  	_ =	shalt  }
0x82: {  	_ =	shalt  }
0x83: {  	_ =	shalt  }
0x84: {  	_ =	shalt  }
0x85: {  	_ =	shalt  }
0x86: {  	_ =	shalt  }
0x87: {  	_ =	shalt  }
.Lfunc_end0:
.L_simem_size_0:
called_computation.2_lowered:
.L_overlay_start_0:
0x88: {  	s2 =	sld [smem:$0x3FD9]  }
0x89: {  	s3 =	sld [smem:$0x3FFE];
	_ =	sdelay $0x1  }
0x8a: {  	s1 =	srdreg.scid  }
0x8b: {  	s0 =	sand.u32 $0x1, s1  }
0x8c: {  	s17 =	sshll.u32 s0, $0xA;
	s2 =	sadd.s32 s3, s2  }
0x8d: {  	s2 =	sadd.s32 s2, s17  }
0x8e: {  	[smem:$0x3FC2] =	sst s2  }
0x8f: {  	_ = 	snop  }
0x90: {  	s2 =	sld [smem:$0x3FD0];
	(tm) =	ssettm $0x1  }
0x91: {  	s18 =	sld [smem:$0x3FFB];
	_ =	sdelay $0x3  }
0x92: {  	_ =	strace s18  }
0x93: {  	s3 =	sld [smem:$0x3FFC];
	_ =	sdelay $0x3  }
0x94: {  	_ =	strace s3  }
0x95: {  	s3 =	sld [smem:$0x3FFD];
	_ =	sdelay $0x3  }
0x96: {  	_ =	strace s3  }
0x97: {  	_ =	strace $0x8FFFFFFF  }
0x98: {  	s19 =	sld [smem:$0x3FDB];
	_ =	sdelay $0x1  }
0x99: {  	s4 =	simm.s32 $_scs_section_size  }
0x9a: {  	s5 =	simm.s32 $_size__tile_overlayer_lowered;
	s6 =	simm.s32 $_tile_overlayer_lowered  }
0x9b: {  	s22 =	simm.s32 $0x1BFF;
	s21 =	sshll.u32 s6, $0x1;
	s3 =	sadd.s32 s4, s19  }
0x9c: {  	s7 =	simm.s32 $0x0;
	s20 =	sshll.u32 s5, $0x1;
	s5 =	sadd.s32 s21, s3  }
0x9d: {  	[timem:s7], [sflag:s22] =	dma.local [hbm:s5], s20  }
0x9e: {  	_ =	swait.ge [sflag:s22], s20  }
0x9f: {  	s4 =	ssub.s32 $0x0, s20;
	[sflag:s22] =	ssyncset.done $0x0  }
0xa0: {  	[sflag:s22] =	ssyncadd.s32 s4;
	_ =	sdelay $0x1  }
0xa1: {  	s23 =	simm.s32 $0x1B8B  }
0xa2: {  	_ =	swait.ge [sflag:s23], $0x1  }
0xa3: {  	[sflag:s23] =	ssyncset.done $0x0  }
0xa4: {  	s25 =	simm.s32 $0x1B8E;
	s24 =	sld [smem:$0x3FFE];
	[sflag:s23] =	ssyncadd.s32 $0xFFFFFFFF  }
0xa5: {  	s26 =	simm.s32 $execute0_lowered;
	[smem:$0x3FD2] =	sst s25  }
0xa6: {  	s5 =	sshll.u32 s26, $0x1;
	_ =	strace $0x8000004C;
	[dreg:$0x1] =	wrdreg $0xFFFFFFFF  }
0xa7: {  	s28 =	simm.s32 $_size_execute0_lowered;
	s3 =	sadd.s32 s3, s5;
	[dreg:$0x0] =	wrdreg $0x0  }
0xa8: {  	s5 =	sshll.u32 s28, $0x1;
	[dreg:$0x2] =	wrdreg s3  }
0xa9: {  	[dreg:$0x3] =	wrdreg s5  }
0xaa: {  	[dreg:$0x4] =	wrdreg $0xC0  }
0xab: {  	_ =	task [dreg:s7], $0x5FFFF  }
0xac: {  	[dreg:$0x1] =	wrdreg $0xFFFFFFFF  }
0xad: {  	[dreg:$0x0] =	wrdreg $0x60  }
0xae: {  	[dreg:$0x2] =	wrdreg s2  }
0xaf: {  	[dreg:$0x3] =	wrdreg s24  }
0xb0: {  	[dreg:$0x4] =	wrdreg $0x6F400  }
0xb1: {  	[dreg:$0x5] =	wrdreg $0x9  }
0xb2: {  	_ =	task.clear_ibuf [dreg:s7], $0x6FFFF;
	_ =	strace $0x9000004C  }
0xb3: {  	s29 =	simm.s32 $0x9;
	_ =	strace $0x8000004E  }
0xb4: {  	_ =	swait.ge [sflag:s29], $0x1  }
0xb5: {  	[sflag:s29] =	ssyncadd.s32 $0xFFFFFFFF  }
0xb6: {  	_ =	strace $0x9000004E  }
0xb7: {  	_ =	sfence  }
0xb8: {  	s30 =	sld [smem:$0x0];
	_ =	sdelay $0x2  }
0xb9: {  	s31 =	sshll.u32 s1, $0xD;
	s1 =	sshrl.u32 s1, $0x2  }
0xba: {  	s3 =	sand.u32 $0x4000, s31;
	s1 =	sadd.s32 s1, s30  }
0xbb: {  	s0 =	sor.u32 s3, s0;
	s1 =	sshll.u32 s1, $0x11  }
0xbc: {  	s0 =	sor.u32 s1, s0  }
0xbd: {  	s0 =	sadd.s32 $0x8F2B, s0  }
0xbe: {  	[sflag:s0] =	ssyncadd.remote.s32 $0x1  }
0xbf: {  	_ =	sfence.sel $0xFFFF  }
0xc0: {  	[dreg:$0x0] =	wrdreg $0xFFFFFFFF;
	(pc) =	sbr.abs _section_cstart, $3  }
0xc1: {  	[dreg:$0x1] =	wrdreg $0xFFFFFFFF  }
0xc2: {  	_ =	task.clear_ibuf [dreg:s7], $0x2FFFF;
	_ =	strace $0x9FFFFFFF  }
0xc3: {  	(tm) =	ssettm $0x7FFFFFFF  }
tec
execute0_lowered:
.L_overlay_start_1:
0x0: {  	(tag) =	ssettag $0x1  }
0x1: {  	s0 =	rddreg [dreg:$0x0]  }
0x2: {  	s5 =	rddreg [dreg:$0x1]  }
0x3: {  	s1 =	srdreg.scid;
	s2 =	rddreg [dreg:$0x2]  }
0x4: {  	s3 =	stileid.u32;
	s4 =	simm.s32 $0x0;
	s18 =	simm.s32 $0x7D  }
0x5: {  	s19 =	simm.s32 $0x80;
	s20 =	simm.s32 $0x5FA0;
	s21 =	simm.s32 $0x1  }
0x6: {  	s22 =	simm.s32 $0x2;
	s23 =	simm.s32 $0x3;
	s26 =	simm.s32 $0x4  }
0x7: {  	s28 =	simm.s32 $0x4F00;
	s29 =	simm.s32 $0x4F80;
	s6 =	sand.u32 $0x1, s1  }
0x8: {  	[smem:$0x7FF] =	sst s4;
	s8 =	smul.u32 $0x13880, s3;
	s13 =	sadd.s32 $0x15800, s5  }
0x9: {  	s15 =	smul.u32 $0x4E00, s3;
	s25 =	sadd.s32 $0x4E000, s2;
	p0 =	sne.s32 s3, $0x0  }
0xa: {  	s7 =	sshll.u32 s6, $0x4;
	_ =	strace $0x8000004D;
	s30 =	ssub.s32 $0x2, s6  }
0xb: {  	s12 =	smul.u32 $0x4E200, s6;
	s25 =	sshrl.u32 @!p0 s25, $0x3;
	s7 =	sor.u32 s3, s7  }
0xc: {  	s31 =	sshrl.u32 s30, $0x1;
	s8 =	sshrl.u32 s8, $0x2;
	s24 =	sadd.s32 s15, s2  }
0xd: {  	s7 =	smul.u32 $0x500, s7;
	s14 =	ssub.s32 s30, s31;
	s16 =	sadd.s32 s15, s12  }
0xe: {  	s17 =	sshrl.u32 s12, $0x3;
	s15 =	simm.s32 $0x5000;
	s24 =	sshrl.u32 s24, $0x3  }
0xf: {  	s16 =	sshrl.u32 s16, $0x3;
	s14 =	smax.u32 s14, $0x1;
	s11 =	sadd.s32 s7, s5  }
0x10: {  	s5 =	sadd.s32 s8, s2;
	s12 =	sadd.s32 s13, s16;
	s13 =	sadd.s32 s13, s17  }
0x11: {  	s16 =	simm.s32 $0x5;
	s17 =	simm.s32 $0x2800;
	s6 =	sadd.s32 $0xFA0, s5  }
0x12: {  	s7 =	sadd.s32 $0x1F40, s5;
	s8 =	sadd.s32 $0x2EE0, s5;
	s9 =	sadd.s32 $0x3E80, s5  }
0x13: {  	v0 =	vimm.f32 $0.0e+00;
	s10 =	sadd.s32 $0xB800, s11;
	s11 =	sadd.s32 $0x1800, s11;
	s13 =	sadd.s32 $0x9C00, s13  }
.LBB2_1:
0x14: {  	s30 =	simm.s32 $0x80;
	s31 =	simm.s32 $0x0  }
.LBB2_2:
0x15: {  	p1 =	sne.s32 s30, $0x3E00;
	[tilespmem:s31+$0x5000] =	vst v0;
	s1 =	smov.u32 s30;
	s30 =	sadd.s32 $0x80, s30  }
.Ltmp0:
0x16: {  	[tilespmem:s31+$0x5010] =	vst v0;
	(pc) =	sbr.rel @p1 .LBB2_2-.Ltmp0, $2  }
0x17: {  	_ =	sdelay $0x2  }
0x18: {  	s31 =	sshra.s32 s1, $0x2  }
0x19: {  	[tilespmem:s31+$0x5000] =	vst v0  }
0x1a: {  	[tilespmem:s31+$0x5010] =	vst v0  }
0x1b: {  	[spmem:s5] =	stream.linear.scatter [tilespmem:s15], [sflag:$0x5], $0xFA0, $0x38;
	[tilespmem:$0xBD60] =	vst v63  }
0x1c: {  	_ =	swait.ge [sflag:s16], $0xFA0  }
0x1d: {  	[sflag:s16] =	ssyncset.done $0x0  }
0x1e: {  	[sflag:s16] =	ssyncadd.s32 $0xFFFFF060  }
0x1f: {  	[spmem:s6] =	stream.linear.scatter [tilespmem:s15], [sflag:$0x5], $0xFA0, $0x38;
	[tilespmem:$0xBD60] =	vst v63  }
0x20: {  	_ =	swait.ge [sflag:s16], $0xFA0  }
0x21: {  	[sflag:s16] =	ssyncset.done $0x0  }
0x22: {  	[sflag:s16] =	ssyncadd.s32 $0xFFFFF060  }
0x23: {  	[spmem:s7] =	stream.linear.scatter [tilespmem:s15], [sflag:$0x5], $0xFA0, $0x38;
	[tilespmem:$0xBD60] =	vst v63  }
0x24: {  	_ =	swait.ge [sflag:s16], $0xFA0  }
0x25: {  	[sflag:s16] =	ssyncset.done $0x0  }
0x26: {  	[sflag:s16] =	ssyncadd.s32 $0xFFFFF060  }
0x27: {  	[spmem:s8] =	stream.linear.scatter [tilespmem:s15], [sflag:$0x5], $0xFA0, $0x38;
	[tilespmem:$0xBD60] =	vst v63  }
0x28: {  	_ =	swait.ge [sflag:s16], $0xFA0  }
0x29: {  	[sflag:s16] =	ssyncset.done $0x0  }
0x2a: {  	[sflag:s16] =	ssyncadd.s32 $0xFFFFF060  }
0x2b: {  	[spmem:s9] =	stream.linear.scatter [tilespmem:s15], [sflag:$0x5], $0xFA0, $0x38;
	[tilespmem:$0xBD60] =	vst v63  }
0x2c: {  	_ =	swait.ge [sflag:s16], $0xFA0  }
0x2d: {  	[sflag:s16] =	ssyncset.done $0x0  }
0x2e: {  	s1 =	simm.s32 $0x0;
	[sflag:s16] =	ssyncadd.s32 $0xFFFFF060  }
0x2f: {  	[tilespmem:s1], [sflag:$0x5] =	stream.linear.gather [hbm4b:s10+s1], $0x2800, $0x38;
	[tilespmem:$0xBD60] =	vst v63  }
0x30: {  	_ =	swait.ge [sflag:s16], $0x2800  }
0x31: {  	[sflag:s16] =	ssyncset.done $0x0  }
0x32: {  	[sflag:s16] =	ssyncadd.s32 $0xFFFFD800  }
0x33: {  	[tilespmem:s17], [sflag:$0x5] =	stream.linear.gather [hbm4b:s11+s1], $0x2800, $0x38;
	[tilespmem:$0xBD60] =	vst v63  }
0x34: {  	_ =	swait.ge [sflag:s16], $0x2800  }
0x35: {  	[sflag:s16] =	ssyncset.done $0x0  }
0x36: {  	[sflag:s16] =	ssyncadd.s32 $0xFFFFD800  }
0x37: {  	[bflag:$0x0] =	sbarrier.arrive $0xFFFF  }
0x38: {  	[tilespmem:s15], [sflag:$0x1] =	stream.indirect.gather [hbm4b:s0+s18], $0x20, s1, s18, $0xb8;
	[tilespmem:$0xBD60] =	vst v63  }
0x39: {  	_ = 	snop  }
0x3a: {  	[tilespmem:s20], [sflag:$0x2] =	stream.indirect.gather [hbm4b:s0+s18], $0x20, s19, s18, $0xb8;
	[tilespmem:$0xBD60] =	vst v63  }
0x3b: {  	_ =	swait.ge [sflag:s21], $0xFA0  }
0x3c: {  	[sflag:s21] =	ssyncset.done $0x0  }
0x3d: {  	s1 =	simm.s32 $0x2800;
	[sflag:s21] =	ssyncadd.s32 $0xFFFFF060  }
0x3e: {  	[spmem:s2] =	stream.indirect.scatter.add.f32 [tilespmem:s15], [sflag:$0x3], $0x20, s1, s18, $0xb8;
	[tilespmem:$0xBD60] =	vst v63  }
0x3f: {  	_ =	swait.ge [sflag:s22], $0xFA0  }
0x40: {  	[sflag:s22] =	ssyncset.done $0x0  }
0x41: {  	s1 =	simm.s32 $0x2880;
	[sflag:s22] =	ssyncadd.s32 $0xFFFFF060  }
0x42: {  	[spmem:s2] =	stream.indirect.scatter.add.f32 [tilespmem:s20], [sflag:$0x4], $0x20, s1, s18, $0xb8;
	[tilespmem:$0xBD60] =	vst v63  }
0x43: {  	_ =	swait.ge [sflag:s23], $0xFA0  }
0x44: {  	[sflag:s23] =	ssyncset.done $0x0  }
0x45: {  	s1 =	simm.s32 $0x100;
	[sflag:s23] =	ssyncadd.s32 $0xFFFFF060  }
0x46: {  	[tilespmem:s15], [sflag:$0x1] =	stream.indirect.gather [hbm4b:s0+s18], $0x20, s1, s18, $0xb8;
	[tilespmem:$0xBD60] =	vst v63  }
0x47: {  	_ =	swait.ge [sflag:s26], $0xFA0  }
0x48: {  	[sflag:s26] =	ssyncset.done $0x0  }
0x49: {  	s30 =	simm.s32 $0x400;
	s31 =	simm.s32 $0x180;
	[sflag:s26] =	ssyncadd.s32 $0xFFFFF060  }
.LBB2_4:
0x4a: {  	[tilespmem:s20], [sflag:$0x2] =	stream.indirect.gather [hbm4b:s0+s18], $0x20, s31, s18, $0xb8;
	[tilespmem:$0xBD60] =	vst v63  }
0x4b: {  	s1 =	smov.u32 s30  }
0x4c: {  	p1 =	sne.s32 s30, $0x9800;
	s30 =	sadd.s32 $0x400, s30;
	_ =	swait.ge [sflag:s21], $0xFA0  }
0x4d: {  	s1 =	sshra.s32 s1, $0x2;
	[sflag:s21] =	ssyncset.done $0x0  }
0x4e: {  	s31 =	sadd.s32 $0x2800, s1;
	[sflag:s21] =	ssyncadd.s32 $0xFFFFF060  }
0x4f: {  	[spmem:s2] =	stream.indirect.scatter.add.f32 [tilespmem:s15], [sflag:$0x3], $0x20, s31, s18, $0xb8;
	[tilespmem:$0xBD60] =	vst v63  }
0x50: {  	_ =	swait.ge [sflag:s22], $0xFA0  }
0x51: {  	[sflag:s22] =	ssyncset.done $0x0  }
0x52: {  	s31 =	sadd.s32 $0x2880, s1;
	[sflag:s22] =	ssyncadd.s32 $0xFFFFF060  }
0x53: {  	[spmem:s2] =	stream.indirect.scatter.add.f32 [tilespmem:s20], [sflag:$0x4], $0x20, s31, s18, $0xb8;
	[tilespmem:$0xBD60] =	vst v63  }
0x54: {  	_ =	swait.ge [sflag:s23], $0xFA0  }
0x55: {  	[sflag:s23] =	ssyncset.done $0x0  }
.Ltmp1:
0x56: {  	s31 =	sadd.s32 $0x100, s1;
	[sflag:s23] =	ssyncadd.s32 $0xFFFFF060;
	(pc) =	sbr.rel @p1 .LBB2_4-.Ltmp1, $4  }
0x57: {  	[tilespmem:s15], [sflag:$0x1] =	stream.indirect.gather [hbm4b:s0+s18], $0x20, s31, s18, $0xb8;
	[tilespmem:$0xBD60] =	vst v63  }
0x58: {  	_ =	swait.ge [sflag:s26], $0xFA0  }
0x59: {  	[sflag:s26] =	ssyncset.done $0x0  }
0x5a: {  	s31 =	sadd.s32 $0x180, s1;
	[sflag:s26] =	ssyncadd.s32 $0xFFFFF060  }
0x5b: {  	[tilespmem:s20], [sflag:$0x2] =	stream.indirect.gather [hbm4b:s0+s18], $0x20, s31, s18, $0xb8;
	[tilespmem:$0xBD60] =	vst v63  }
0x5c: {  	_ =	swait.ge [sflag:s21], $0xFA0  }
0x5d: {  	[sflag:s21] =	ssyncset.done $0x0  }
0x5e: {  	[sflag:s21] =	ssyncadd.s32 $0xFFFFF060  }
0x5f: {  	[spmem:s2] =	stream.indirect.scatter.add.f32 [tilespmem:s15], [sflag:$0x3], $0x20, s28, s18, $0xb8;
	[tilespmem:$0xBD60] =	vst v63  }
0x60: {  	_ =	swait.ge [sflag:s22], $0xFA0  }
0x61: {  	[sflag:s22] =	ssyncset.done $0x0  }
0x62: {  	[sflag:s22] =	ssyncadd.s32 $0xFFFFF060  }
0x63: {  	[spmem:s2] =	stream.indirect.scatter.add.f32 [tilespmem:s20], [sflag:$0x4], $0x20, s29, s18, $0xb8;
	[tilespmem:$0xBD60] =	vst v63  }
0x64: {  	_ =	swait.ge [sflag:s23], $0xFA0  }
0x65: {  	[sflag:s23] =	ssyncset.done $0x0  }
0x66: {  	[sflag:s23] =	ssyncadd.s32 $0xFFFFF060  }
0x67: {  	_ =	swait.ge [sflag:s26], $0xFA0  }
0x68: {  	[sflag:s26] =	ssyncset.done $0x0  }
0x69: {  	s1 =	sshll.u32 s3, $0x6;
	[sflag:s26] =	ssyncadd.s32 $0xFFFFF060  }
0x6a: {  	s1 =	sor.u32 $0x1C05, s1;
	[bflag:$0x0] =	sbarrier.arrive $0xFFFF  }
0x6b: {  	[hbm:s12], [sflag:s1] =	dma.local [spmem:s24], $0x9C0  }
0x6c: {  	_ =	swait.ge [sflag:s16], $0x9C0  }
0x6d: {  	s4 =	sadd.s32 $0x1, s4;
	[sflag:s16] =	ssyncset.done $0x0  }
0x6e: {  	p1 =	sne.s32 s4, s14;
	[sflag:s16] =	ssyncadd.s32 $0xFFFFF640  }
0x6f: {  	[hbm:s13], [sflag:s1] =	dma.local @!p0 [spmem:s25], $0x40  }
.Ltmp2:
0x70: {  	_ = 	snop;
	(pc) =	sbr.rel @p1 .LBB2_1-.Ltmp2, $4  }
0x71: {  	s1 =	simm.s32 @!p0 $0x5  }
0x72: {  	_ =	swait.ge @!p0 [sflag:s1], $0x40  }
0x73: {  	[sflag:s1] =	ssyncset.done @!p0 $0x0  }
0x74: {  	[sflag:s1] =	ssyncadd.s32 @!p0 $0xFFFFFFC0  }
0x75: {  	_ =	sfence.sel $0x180000  }
0x76: {  	[bflag:$0x0] =	sbarrier.arrive $0xFFFF  }
0x77: {  	_ =	strace $0x9000004D  }
0x78: {  	[bflag:$0x2] =	sbarrier.arrive $0xFFFF  }
0x79: {  	s0 =	rddreg [dreg:$0x3]  }
0x7a: {  	s0 =	sadd.s32 @!p0 $0x100000, s0  }
0x7b: {  	[sflag:s0] =	ssyncadd.tile.s32 @!p0 $0x1;
	_ =	shalt  }
.Lfunc_end2:
_tile_overlayer_lowered:
.L_overlay_start_2:
0x7c: {  	(tag) =	ssettag $0x2  }
0x7d: {  	s0 =	rddreg [dreg:$0x0];
	s2 =	stileid.u32  }
0x7e: {  	s1 =	rddreg [dreg:$0x1];
	p0 =	sne.s32 s2, $0x0  }
0x7f: {  	s3 =	rddreg [dreg:$0x2];
	[bflag:$0x3] =	sbarrier.arrive $0xFFFF;
	s2 =	simm.s32 @!p0 $0x1C05  }
0x80: {  	[timem:s3], [sflag:s2] =	dma.local @!p0 [hbm:s0], s1  }
0x81: {  	s0 =	simm.s32 @!p0 $0x5  }
0x82: {  	_ =	swait.ge @!p0 [sflag:s0], s1  }
0x83: {  	s1 =	ssub.s32 @!p0 $0x0, s1;
	[sflag:s0] =	ssyncset.done @!p0 $0x0  }
0x84: {  	[sflag:s0] =	ssyncadd.s32 @!p0 s1  }
0x85: {  	[bflag:$0x3] =	sbarrier.arrive $0xFFFF  }
0x86: {  	_ =	shalt  }

// kernel: kernel.8.cloned.1.call-start
scs
__scs_entry_jumppad:
0x0: {  	(pc) =	sbr.rel $0x88, $3  }
0x1: {  	(tag) =	ssettag $0x0;
	lr =	simm.s32 $0x1  }
0x2: {  	[smem:$0x3F9B] =	sst lr;
	_ =	strace $0xD0000000  }
0x3: {  	_ = 	snop  }
0x4: {  	_ = 	snop  }
0x5: {  	_ = 	snop  }
0x6: {  	_ = 	snop  }
0x7: {  	_ = 	snop  }
__scs_overlays_trampoline_lowered:
0x8: {  	[smem:$0x3FAA] =	sst s0  }
0x9: {  	[smem:$0x3FAB] =	sst s1  }
0xa: {  	[smem:$0x3FAC] =	sst s2  }
0xb: {  	[smem:$0x3FAD] =	sst s3  }
0xc: {  	[smem:$0x3FAE] =	sst s4  }
0xd: {  	[smem:$0x3FAF] =	sst s5  }
0xe: {  	[smem:$0x3FB0] =	sst s6  }
0xf: {  	[smem:$0x3FB1] =	sst s7  }
0x10: {  	[smem:$0x3FB2] =	sst s8  }
0x11: {  	[smem:$0x3FB3] =	sst s9;
	s0 =	simm.s32 @!p0 $0x0  }
0x12: {  	s1 =	sld [smem:$0x3F99];
	s0 =	simm.s32 @p0 $0x1  }
0x13: {  	[smem:$0x3FB4] =	sst s0;
	s0 =	simm.s32 @!p1 $0x0  }
0x14: {  	s2 =	sld [smem:$0x3F98];
	s0 =	simm.s32 @p1 $0x1  }
0x15: {  	[smem:$0x3FB5] =	sst s0;
	s0 =	simm.s32 @!p2 $0x0  }
0x16: {  	s3 =	sld [smem:$0x3FDB];
	s0 =	simm.s32 @p2 $0x1  }
0x17: {  	s4 =	simm.s32 $0x1BF5;
	[smem:$0x3FB7] =	sst s0  }
0x18: {  	s0 =	sld [smem:$0x3F9A];
	_ =	swait.ge [sflag:s4], $0x0  }
0x19: {  	s7 =	sld [smem:$0x3F9B]  }
0x1a: {  	s8 =	sadd.s32 $0xFFFFE003, lr  }
0x1b: {  	s9 =	sadd.s32 $0xFFFFFEF7, lr;
	s5 =	simm.s32 $0xFFFFFFFF;
	p2 =	slt.u32 s8, $0xFFFFF086  }
0x1c: {  	p1 =	slt.u32 s9, $0xF7A;
	s5 =	simm.s32 @!p2 $0x0  }
0x1d: {  	s5 =	simm.s32 @p1 $0x1;
	p0 =	seq.s32 s7, s2  }
0x1e: {  	s7 =	smul.u32 @!p0 $0xF7A, s2;
	p2 =	seq.s32 @!p0 s5, $0x0  }
0x1f: {  	s9 =	smul.u32 $0xF7A, s1;
	s8 =	simm.s32 @!p0 $0x1BF5;
	p2 =	por !p2, p0  }
0x20: {  	[sflag:s8] =	ssyncset.s32 @!p0 $0xFFFFF086;
	s6 =	sadd.s32 @!p0 s3, s7;
	s7 =	simm.s32 @!p0 $0x108  }
0x21: {  	s3 =	sadd.s32 s3, s9;
	s6 =	sadd.s32 @!p0 $0x88, s6;
	s7 =	simm.s32 @p2 $0x1082  }
0x22: {  	[simem:s7], [sflag:s8] =	dma.local @!p0 [hbm:s6], $0xF7A  }
0x23: {  	s9 =	sor.u32 $0xD0000000, s2;
	s6 =	simm.s32 $0x108;
	_ =	swait.ge @!p0 [sflag:s8], $0x0  }
0x24: {  	s3 =	sadd.s32 $0x88, s3;
	s6 =	simm.s32 @!p1 $0x1082;
	[sflag:s4] =	ssyncset.s32 $0xFFFFF086  }
0x25: {  	[simem:s6], [sflag:s4] =	dma.local [hbm:s3], $0xF7A  }
0x26: {  	[smem:$0x3F9B] =	sst s1;
	(tag) =	ssettag s2;
	_ =	strace s9  }
0x27: {  	s1 =	sld [smem:$0x3FAB]  }
0x28: {  	s2 =	sld [smem:$0x3FAC]  }
0x29: {  	s4 =	sld [smem:$0x3FAE]  }
0x2a: {  	p0 =	seq.s32 s5, $0x0;
	s5 =	sld [smem:$0x3FAF]  }
0x2b: {  	s6 =	sld [smem:$0x3FB0]  }
0x2c: {  	s7 =	sld [smem:$0x3FB1]  }
0x2d: {  	s3 =	simm.s32 $0x108;
	s8 =	sld [smem:$0x3FB2]  }
0x2e: {  	s3 =	simm.s32 @!p0 $0x1082;
	s9 =	sld [smem:$0x3FB3]  }
0x2f: {  	lr =	sadd.s32 s0, s3;
	s0 =	sld [smem:$0x3FAA]  }
0x30: {  	s3 =	sld [smem:$0x3FAD]  }
0x31: {  	[smem:$0x3FB6] =	sst s10  }
0x32: {  	s10 =	sld [smem:$0x3FB4];
	_ =	sdelay $0x3  }
0x33: {  	p0 =	seq.s32 s10, $0x1;
	s10 =	sld [smem:$0x3FB6];
	_ =	sdelay $0x3  }
0x34: {  	[smem:$0x3FB6] =	sst s10  }
0x35: {  	s10 =	sld [smem:$0x3FB5];
	_ =	sdelay $0x3  }
0x36: {  	p1 =	seq.s32 s10, $0x1;
	s10 =	sld [smem:$0x3FB6];
	_ =	sdelay $0x3  }
0x37: {  	[smem:$0x3FB6] =	sst s10  }
0x38: {  	s10 =	sld [smem:$0x3FB7]  }
0x39: {  	_ = 	snop;
	(pc) =	sbr.ind lr, $3  }
0x3a: {  	_ = 	snop  }
0x3b: {  	_ = 	snop  }
0x3c: {  	p2 =	seq.s32 s10, $0x1;
	s10 =	sld [smem:$0x3FB6]  }
0x3d: {  	_ =	shalt  }
0x3e: {  	_ =	shalt  }
0x3f: {  	_ =	shalt  }
0x40: {  	_ =	shalt  }
0x41: {  	_ =	shalt  }
0x42: {  	_ =	shalt  }
0x43: {  	_ =	shalt  }
0x44: {  	_ =	shalt  }
0x45: {  	_ =	shalt  }
0x46: {  	_ =	shalt  }
0x47: {  	_ =	shalt  }
0x48: {  	_ =	shalt  }
0x49: {  	_ =	shalt  }
0x4a: {  	_ =	shalt  }
0x4b: {  	_ =	shalt  }
0x4c: {  	_ =	shalt  }
0x4d: {  	_ =	shalt  }
0x4e: {  	_ =	shalt  }
0x4f: {  	_ =	shalt  }
0x50: {  	_ =	shalt  }
0x51: {  	_ =	shalt  }
0x52: {  	_ =	shalt  }
0x53: {  	_ =	shalt  }
0x54: {  	_ =	shalt  }
0x55: {  	_ =	shalt  }
0x56: {  	_ =	shalt  }
0x57: {  	_ =	shalt  }
0x58: {  	_ =	shalt  }
0x59: {  	_ =	shalt  }
0x5a: {  	_ =	shalt  }
0x5b: {  	_ =	shalt  }
0x5c: {  	_ =	shalt  }
0x5d: {  	_ =	shalt  }
0x5e: {  	_ =	shalt  }
0x5f: {  	_ =	shalt  }
0x60: {  	_ =	shalt  }
0x61: {  	_ =	shalt  }
0x62: {  	_ =	shalt  }
0x63: {  	_ =	shalt  }
0x64: {  	_ =	shalt  }
0x65: {  	_ =	shalt  }
0x66: {  	_ =	shalt  }
0x67: {  	_ =	shalt  }
0x68: {  	_ =	shalt  }
0x69: {  	_ =	shalt  }
0x6a: {  	_ =	shalt  }
0x6b: {  	_ =	shalt  }
0x6c: {  	_ =	shalt  }
0x6d: {  	_ =	shalt  }
0x6e: {  	_ =	shalt  }
0x6f: {  	_ =	shalt  }
0x70: {  	_ =	shalt  }
0x71: {  	_ =	shalt  }
0x72: {  	_ =	shalt  }
0x73: {  	_ =	shalt  }
0x74: {  	_ =	shalt  }
0x75: {  	_ =	shalt  }
0x76: {  	_ =	shalt  }
0x77: {  	_ =	shalt  }
0x78: {  	_ =	shalt  }
0x79: {  	_ =	shalt  }
0x7a: {  	_ =	shalt  }
0x7b: {  	_ =	shalt  }
0x7c: {  	_ =	shalt  }
0x7d: {  	_ =	shalt  }
0x7e: {  	_ =	shalt  }
0x7f: {  	_ =	shalt  }
0x80: {  	_ =	shalt  }
0x81: {  	_ =	shalt  }
0x82: {  	_ =	shalt  }
0x83: {  	_ =	shalt  }
0x84: {  	_ =	shalt  }
0x85: {  	_ =	shalt  }
0x86: {  	_ =	shalt  }
0x87: {  	_ =	shalt  }
.Lfunc_end0:
.L_simem_size_0:
called_computation_lowered:
.L_overlay_start_0:
0x88: {  	s2 =	sld [smem:$0x3FD9]  }
0x89: {  	s3 =	sld [smem:$0x3FFE];
	_ =	sdelay $0x1  }
0x8a: {  	s1 =	srdreg.scid  }
0x8b: {  	s0 =	sand.u32 $0x1, s1  }
0x8c: {  	s17 =	sshll.u32 s0, $0xA;
	s2 =	sadd.s32 s3, s2  }
0x8d: {  	s2 =	sadd.s32 s2, s17  }
0x8e: {  	[smem:$0x3FC2] =	sst s2  }
0x8f: {  	_ = 	snop  }
0x90: {  	s2 =	sld [smem:$0x3FD0];
	(tm) =	ssettm $0x1  }
0x91: {  	s18 =	sld [smem:$0x3FFB];
	_ =	sdelay $0x3  }
0x92: {  	_ =	strace s18  }
0x93: {  	s3 =	sld [smem:$0x3FFC];
	_ =	sdelay $0x3  }
0x94: {  	_ =	strace s3  }
0x95: {  	s3 =	sld [smem:$0x3FFD];
	_ =	sdelay $0x3  }
0x96: {  	_ =	strace s3  }
0x97: {  	_ =	strace $0x8FFFFFFF  }
0x98: {  	s19 =	sld [smem:$0x3FDB];
	_ =	sdelay $0x1  }
0x99: {  	s4 =	simm.s32 $_scs_section_size  }
0x9a: {  	s5 =	simm.s32 $_size__tile_overlayer_lowered;
	s6 =	simm.s32 $_tile_overlayer_lowered  }
0x9b: {  	s22 =	simm.s32 $0x1BFF;
	s21 =	sshll.u32 s6, $0x1;
	s3 =	sadd.s32 s4, s19  }
0x9c: {  	s7 =	simm.s32 $0x0;
	s20 =	sshll.u32 s5, $0x1;
	s5 =	sadd.s32 s21, s3  }
0x9d: {  	[timem:s7], [sflag:s22] =	dma.local [hbm:s5], s20  }
0x9e: {  	_ =	swait.ge [sflag:s22], s20  }
0x9f: {  	s4 =	ssub.s32 $0x0, s20;
	[sflag:s22] =	ssyncset.done $0x0  }
0xa0: {  	[sflag:s22] =	ssyncadd.s32 s4;
	_ =	sdelay $0x1  }
0xa1: {  	s23 =	simm.s32 $0x1B8B  }
0xa2: {  	_ =	swait.ge [sflag:s23], $0x1  }
0xa3: {  	[sflag:s23] =	ssyncset.done $0x0  }
0xa4: {  	s25 =	simm.s32 $0x1B8E;
	s24 =	sld [smem:$0x3FFE];
	[sflag:s23] =	ssyncadd.s32 $0xFFFFFFFF  }
0xa5: {  	s26 =	simm.s32 $execute0_lowered;
	[smem:$0x3FD2] =	sst s25  }
0xa6: {  	s5 =	sshll.u32 s26, $0x1;
	_ =	strace $0x80000046;
	[dreg:$0x1] =	wrdreg $0xFFFFFFFF  }
0xa7: {  	s28 =	simm.s32 $_size_execute0_lowered;
	s3 =	sadd.s32 s3, s5;
	[dreg:$0x0] =	wrdreg $0x0  }
0xa8: {  	s5 =	sshll.u32 s28, $0x1;
	[dreg:$0x2] =	wrdreg s3  }
0xa9: {  	[dreg:$0x3] =	wrdreg s5  }
0xaa: {  	[dreg:$0x4] =	wrdreg $0xC0  }
0xab: {  	_ =	task [dreg:s7], $0x5FFFF  }
0xac: {  	[dreg:$0x1] =	wrdreg $0xFFFFFFFF  }
0xad: {  	[dreg:$0x0] =	wrdreg $0x60  }
0xae: {  	[dreg:$0x2] =	wrdreg s24  }
0xaf: {  	[dreg:$0x3] =	wrdreg s2  }
0xb0: {  	[dreg:$0x4] =	wrdreg $0x2BE80  }
0xb1: {  	[dreg:$0x5] =	wrdreg $0x9  }
0xb2: {  	_ =	task.clear_ibuf [dreg:s7], $0x6FFFF;
	_ =	strace $0x90000046  }
0xb3: {  	s29 =	simm.s32 $0x9;
	_ =	strace $0x80000048  }
0xb4: {  	_ =	swait.ge [sflag:s29], $0x1  }
0xb5: {  	[sflag:s29] =	ssyncadd.s32 $0xFFFFFFFF  }
0xb6: {  	_ =	strace $0x90000048  }
0xb7: {  	_ =	sfence  }
0xb8: {  	s30 =	sld [smem:$0x0];
	_ =	sdelay $0x2  }
0xb9: {  	s31 =	sshll.u32 s1, $0xD;
	s1 =	sshrl.u32 s1, $0x2  }
0xba: {  	s3 =	sand.u32 $0x4000, s31;
	s1 =	sadd.s32 s1, s30  }
0xbb: {  	s0 =	sor.u32 s3, s0;
	s1 =	sshll.u32 s1, $0x11  }
0xbc: {  	s0 =	sor.u32 s1, s0  }
0xbd: {  	s0 =	sadd.s32 $0x8F2B, s0  }
0xbe: {  	[sflag:s0] =	ssyncadd.remote.s32 $0x1  }
0xbf: {  	_ =	sfence.sel $0xFFFF  }
0xc0: {  	[dreg:$0x0] =	wrdreg $0xFFFFFFFF;
	(pc) =	sbr.abs _section_cstart, $3  }
0xc1: {  	[dreg:$0x1] =	wrdreg $0xFFFFFFFF  }
0xc2: {  	_ =	task.clear_ibuf [dreg:s7], $0x2FFFF;
	_ =	strace $0x9FFFFFFF  }
0xc3: {  	(tm) =	ssettm $0x7FFFFFFF  }
tec
execute0_lowered:
.L_overlay_start_1:
0x0: {  	(tag) =	ssettag $0x1  }
0x1: {  	s3 =	rddreg [dreg:$0x0]  }
0x2: {  	s0 =	srdreg.scid;
	s10 =	rddreg [dreg:$0x1]  }
0x3: {  	s16 =	stileid.u32;
	s1 =	rddreg [dreg:$0x2];
	s2 =	simm.s32 $0x0  }
0x4: {  	s15 =	simm.s32 $0x1;
	s4 =	sand.u32 $0x1, s0;
	s6 =	smul.u32 $0x4E20, s16  }
0x5: {  	[smem:$0x7FF] =	sst s2;
	s11 =	smul.u32 $0x1380, s16;
	s18 =	sadd.s32 $0x13800, s1  }
0x6: {  	p0 =	sne.s32 s16, $0x0;
	s0 =	sshll.u32 s4, $0x4;
	s29 =	ssub.s32 $0x2, s4  }
0x7: {  	s9 =	smul.u32 $0x13880, s4;
	s18 =	sshrl.u32 @!p0 s18, $0x3;
	s5 =	sor.u32 s16, s0  }
0x8: {  	s0 =	rddreg [dreg:$0x3];
	_ =	strace $0x80000047;
	s30 =	sshrl.u32 s6, $0x2  }
0x9: {  	s31 =	sshrl.u32 s29, $0x1;
	s17 =	sadd.s32 s11, s1;
	s16 =	sshll.u32 s16, $0x6  }
0xa: {  	s5 =	smul.u32 $0x500, s5;
	s12 =	ssub.s32 s29, s31;
	s13 =	sadd.s32 s11, s9  }
0xb: {  	s14 =	sshrl.u32 s9, $0x3;
	s16 =	sor.u32 $0x1C02, s16;
	s17 =	sshrl.u32 s17, $0x3  }
0xc: {  	s13 =	sshrl.u32 s13, $0x3;
	s11 =	smax.u32 s12, $0x1;
	s12 =	simm.s32 $0x2800  }
0xd: {  	s8 =	sadd.s32 s5, s3;
	s3 =	sadd.s32 s30, s1;
	s9 =	sadd.s32 s10, s13  }
0xe: {  	s10 =	sadd.s32 s10, s14;
	s13 =	simm.s32 $0x2;
	s14 =	simm.s32 $0x7D  }
0xf: {  	s4 =	sadd.s32 $0x3E8, s3;
	s5 =	sadd.s32 $0x7D0, s3;
	s6 =	sadd.s32 $0xBB8, s3  }
0x10: {  	v0 =	vimm.f32 $0.0e+00;
	v1 =	vimm.f32 $1.000000000e+00;
	s7 =	sadd.s32 $0xFA0, s3;
	s8 =	sadd.s32 $0x1800, s8;
	s10 =	sadd.s32 $0x2700, s10  }
.LBB2_1:
0x11: {  	s19 =	simm.s32 $0x20;
	s20 =	simm.s32 $0x0  }
.LBB2_2:
0x12: {  	p1 =	sne.s32 s19, $0xF80;
	[tilespmem:s20+$0x2800] =	vst.msk $0xff, v0;
	s20 =	smov.u32 s19;
	s19 =	sadd.s32 $0x20, s19  }
.Ltmp0:
0x13: {  	(pc) =	sbr.rel @p1 .LBB2_2-.Ltmp0, $2  }
0x14: {  	_ =	sdelay $0x2  }
0x15: {  	s20 =	sshra.s32 s20, $0x2  }
0x16: {  	[tilespmem:s20+$0x2800] =	vst.msk $0xff, v0  }
0x17: {  	[spmem:s3] =	stream.linear.scatter [tilespmem:s12], [sflag:$0x2], $0x3E8, $0x38;
	[tilespmem:$0x3F70] =	vst v63  }
0x18: {  	_ =	swait.ge [sflag:s13], $0x3E8  }
0x19: {  	[sflag:s13] =	ssyncset.done $0x0  }
0x1a: {  	[sflag:s13] =	ssyncadd.s32 $0xFFFFFC18  }
0x1b: {  	[spmem:s4] =	stream.linear.scatter [tilespmem:s12], [sflag:$0x2], $0x3E8, $0x38;
	[tilespmem:$0x3F70] =	vst v63  }
0x1c: {  	_ =	swait.ge [sflag:s13], $0x3E8  }
0x1d: {  	[sflag:s13] =	ssyncset.done $0x0  }
0x1e: {  	[sflag:s13] =	ssyncadd.s32 $0xFFFFFC18  }
0x1f: {  	[spmem:s5] =	stream.linear.scatter [tilespmem:s12], [sflag:$0x2], $0x3E8, $0x38;
	[tilespmem:$0x3F70] =	vst v63  }
0x20: {  	_ =	swait.ge [sflag:s13], $0x3E8  }
0x21: {  	[sflag:s13] =	ssyncset.done $0x0  }
0x22: {  	[sflag:s13] =	ssyncadd.s32 $0xFFFFFC18  }
0x23: {  	[spmem:s6] =	stream.linear.scatter [tilespmem:s12], [sflag:$0x2], $0x3E8, $0x38;
	[tilespmem:$0x3F70] =	vst v63  }
0x24: {  	_ =	swait.ge [sflag:s13], $0x3E8  }
0x25: {  	[sflag:s13] =	ssyncset.done $0x0  }
0x26: {  	[sflag:s13] =	ssyncadd.s32 $0xFFFFFC18  }
0x27: {  	[spmem:s7] =	stream.linear.scatter [tilespmem:s12], [sflag:$0x2], $0x3E8, $0x38;
	[tilespmem:$0x3F70] =	vst v63  }
0x28: {  	_ =	swait.ge [sflag:s13], $0x3E8  }
0x29: {  	[sflag:s13] =	ssyncset.done $0x0  }
0x2a: {  	s19 =	simm.s32 $0x0;
	[sflag:s13] =	ssyncadd.s32 $0xFFFFFC18  }
0x2b: {  	[tilespmem:s19], [sflag:$0x2] =	stream.linear.gather [hbm4b:s8+s19], $0x2800, $0x38;
	[tilespmem:$0x3F70] =	vst v63  }
0x2c: {  	_ =	swait.ge [sflag:s13], $0x2800  }
0x2d: {  	[sflag:s13] =	ssyncset.done $0x0  }
0x2e: {  	s20 =	simm.s32 $0x0;
	s19 =	simm.s32 $0x20;
	[sflag:s13] =	ssyncadd.s32 $0xFFFFD800  }
.LBB2_4:
0x2f: {  	p1 =	sne.s32 s19, $0xF80;
	[tilespmem:s20+$0x2800] =	vst.msk $0xff, v1;
	s20 =	smov.u32 s19;
	s19 =	sadd.s32 $0x20, s19  }
.Ltmp1:
0x30: {  	(pc) =	sbr.rel @p1 .LBB2_4-.Ltmp1, $2  }
0x31: {  	_ =	sdelay $0x2  }
0x32: {  	s20 =	sshra.s32 s20, $0x2  }
0x33: {  	[tilespmem:s20+$0x2800] =	vst.msk $0xff, v1  }
0x34: {  	s19 =	simm.s32 $0x0;
	[bflag:$0x0] =	sbarrier.arrive $0xFFFF  }
0x35: {  	[spmem:s1] =	stream.indirect.scatter.add.f32 [tilespmem:s12], [sflag:$0x1], $0x8, s19, s14, $0xb8;
	[tilespmem:$0x3F70] =	vst v63  }
0x36: {  	s28 =	simm.s32 $0x80  }
0x37: {  	[spmem:s1] =	stream.indirect.scatter.add.f32 [tilespmem:s12], [sflag:$0x1], $0x8, s28, s14, $0xb8;
	[tilespmem:$0x3F70] =	vst v63  }
0x38: {  	s29 =	simm.s32 $0x100  }
0x39: {  	[spmem:s1] =	stream.indirect.scatter.add.f32 [tilespmem:s12], [sflag:$0x1], $0x8, s29, s14, $0xb8;
	[tilespmem:$0x3F70] =	vst v63  }
0x3a: {  	s30 =	simm.s32 $0x180  }
0x3b: {  	[spmem:s1] =	stream.indirect.scatter.add.f32 [tilespmem:s12], [sflag:$0x1], $0x8, s30, s14, $0xb8;
	[tilespmem:$0x3F70] =	vst v63  }
0x3c: {  	s31 =	simm.s32 $0x200  }
0x3d: {  	[spmem:s1] =	stream.indirect.scatter.add.f32 [tilespmem:s12], [sflag:$0x1], $0x8, s31, s14, $0xb8;
	[tilespmem:$0x3F70] =	vst v63  }
0x3e: {  	s20 =	simm.s32 $0x280  }
0x3f: {  	[spmem:s1] =	stream.indirect.scatter.add.f32 [tilespmem:s12], [sflag:$0x1], $0x8, s20, s14, $0xb8;
	[tilespmem:$0x3F70] =	vst v63  }
0x40: {  	s21 =	simm.s32 $0x300  }
0x41: {  	[spmem:s1] =	stream.indirect.scatter.add.f32 [tilespmem:s12], [sflag:$0x1], $0x8, s21, s14, $0xb8;
	[tilespmem:$0x3F70] =	vst v63  }
0x42: {  	s22 =	simm.s32 $0x380  }
0x43: {  	[spmem:s1] =	stream.indirect.scatter.add.f32 [tilespmem:s12], [sflag:$0x1], $0x8, s22, s14, $0xb8;
	[tilespmem:$0x3F70] =	vst v63  }
0x44: {  	s23 =	simm.s32 $0x400  }
0x45: {  	[spmem:s1] =	stream.indirect.scatter.add.f32 [tilespmem:s12], [sflag:$0x1], $0x8, s23, s14, $0xb8;
	[tilespmem:$0x3F70] =	vst v63  }
0x46: {  	s24 =	simm.s32 $0x480  }
0x47: {  	[spmem:s1] =	stream.indirect.scatter.add.f32 [tilespmem:s12], [sflag:$0x1], $0x8, s24, s14, $0xb8;
	[tilespmem:$0x3F70] =	vst v63  }
0x48: {  	s25 =	simm.s32 $0x500  }
0x49: {  	[spmem:s1] =	stream.indirect.scatter.add.f32 [tilespmem:s12], [sflag:$0x1], $0x8, s25, s14, $0xb8;
	[tilespmem:$0x3F70] =	vst v63  }
0x4a: {  	s26 =	simm.s32 $0x580  }
0x4b: {  	[spmem:s1] =	stream.indirect.scatter.add.f32 [tilespmem:s12], [sflag:$0x1], $0x8, s26, s14, $0xb8;
	[tilespmem:$0x3F70] =	vst v63  }
0x4c: {  	s28 =	simm.s32 $0x600  }
0x4d: {  	[spmem:s1] =	stream.indirect.scatter.add.f32 [tilespmem:s12], [sflag:$0x1], $0x8, s28, s14, $0xb8;
	[tilespmem:$0x3F70] =	vst v63  }
0x4e: {  	s29 =	simm.s32 $0x680  }
0x4f: {  	[spmem:s1] =	stream.indirect.scatter.add.f32 [tilespmem:s12], [sflag:$0x1], $0x8, s29, s14, $0xb8;
	[tilespmem:$0x3F70] =	vst v63  }
0x50: {  	s30 =	simm.s32 $0x700  }
0x51: {  	[spmem:s1] =	stream.indirect.scatter.add.f32 [tilespmem:s12], [sflag:$0x1], $0x8, s30, s14, $0xb8;
	[tilespmem:$0x3F70] =	vst v63  }
0x52: {  	s31 =	simm.s32 $0x780  }
0x53: {  	[spmem:s1] =	stream.indirect.scatter.add.f32 [tilespmem:s12], [sflag:$0x1], $0x8, s31, s14, $0xb8;
	[tilespmem:$0x3F70] =	vst v63  }
0x54: {  	_ =	swait.ge [sflag:s15], $0x3E8  }
0x55: {  	[sflag:s15] =	ssyncset.done $0x0  }
0x56: {  	[sflag:s15] =	ssyncadd.s32 $0xFFFFFC18  }
0x57: {  	_ =	swait.ge [sflag:s15], $0x3E8  }
0x58: {  	[sflag:s15] =	ssyncset.done $0x0  }
0x59: {  	[sflag:s15] =	ssyncadd.s32 $0xFFFFFC18  }
0x5a: {  	_ =	swait.ge [sflag:s15], $0x3E8  }
0x5b: {  	[sflag:s15] =	ssyncset.done $0x0  }
0x5c: {  	[sflag:s15] =	ssyncadd.s32 $0xFFFFFC18  }
0x5d: {  	_ =	swait.ge [sflag:s15], $0x3E8  }
0x5e: {  	[sflag:s15] =	ssyncset.done $0x0  }
0x5f: {  	[sflag:s15] =	ssyncadd.s32 $0xFFFFFC18  }
0x60: {  	_ =	swait.ge [sflag:s15], $0x3E8  }
0x61: {  	[sflag:s15] =	ssyncset.done $0x0  }
0x62: {  	[sflag:s15] =	ssyncadd.s32 $0xFFFFFC18  }
0x63: {  	_ =	swait.ge [sflag:s15], $0x3E8  }
0x64: {  	[sflag:s15] =	ssyncset.done $0x0  }
0x65: {  	[sflag:s15] =	ssyncadd.s32 $0xFFFFFC18  }
0x66: {  	_ =	swait.ge [sflag:s15], $0x3E8  }
0x67: {  	[sflag:s15] =	ssyncset.done $0x0  }
0x68: {  	[sflag:s15] =	ssyncadd.s32 $0xFFFFFC18  }
0x69: {  	_ =	swait.ge [sflag:s15], $0x3E8  }
0x6a: {  	[sflag:s15] =	ssyncset.done $0x0  }
0x6b: {  	[sflag:s15] =	ssyncadd.s32 $0xFFFFFC18  }
0x6c: {  	_ =	swait.ge [sflag:s15], $0x3E8  }
0x6d: {  	[sflag:s15] =	ssyncset.done $0x0  }
0x6e: {  	[sflag:s15] =	ssyncadd.s32 $0xFFFFFC18  }
0x6f: {  	_ =	swait.ge [sflag:s15], $0x3E8  }
0x70: {  	[sflag:s15] =	ssyncset.done $0x0  }
0x71: {  	[sflag:s15] =	ssyncadd.s32 $0xFFFFFC18  }
0x72: {  	_ =	swait.ge [sflag:s15], $0x3E8  }
0x73: {  	[sflag:s15] =	ssyncset.done $0x0  }
0x74: {  	[sflag:s15] =	ssyncadd.s32 $0xFFFFFC18  }
0x75: {  	_ =	swait.ge [sflag:s15], $0x3E8  }
0x76: {  	[sflag:s15] =	ssyncset.done $0x0  }
0x77: {  	[sflag:s15] =	ssyncadd.s32 $0xFFFFFC18  }
0x78: {  	_ =	swait.ge [sflag:s15], $0x3E8  }
0x79: {  	[sflag:s15] =	ssyncset.done $0x0  }
0x7a: {  	[sflag:s15] =	ssyncadd.s32 $0xFFFFFC18  }
0x7b: {  	_ =	swait.ge [sflag:s15], $0x3E8  }
0x7c: {  	[sflag:s15] =	ssyncset.done $0x0  }
0x7d: {  	[sflag:s15] =	ssyncadd.s32 $0xFFFFFC18  }
0x7e: {  	_ =	swait.ge [sflag:s15], $0x3E8  }
0x7f: {  	[sflag:s15] =	ssyncset.done $0x0  }
0x80: {  	[sflag:s15] =	ssyncadd.s32 $0xFFFFFC18  }
0x81: {  	_ =	swait.ge [sflag:s15], $0x3E8  }
0x82: {  	s19 =	simm.s32 $0x2000;
	s22 =	simm.s32 $0x4000;
	[sflag:s15] =	ssyncset.done $0x0  }
.LBB2_6:
0x83: {  	s21 =	sshra.s32 s19, $0x2  }
0x84: {  	[sflag:s15] =	ssyncadd.s32 $0xFFFFFC18;
	s19 =	smov.u32 s22;
	s20 =	sadd.s32 $0x2000, s22  }
0x85: {  	[spmem:s1] =	stream.indirect.scatter.add.f32 [tilespmem:s12], [sflag:$0x1], $0x8, s21, s14, $0xb8;
	[tilespmem:$0x3F70] =	vst v63  }
0x86: {  	p1 =	sne.s32 s22, $0x8000;
	s22 =	sadd.s32 $0x80, s21  }
0x87: {  	[spmem:s1] =	stream.indirect.scatter.add.f32 [tilespmem:s12], [sflag:$0x1], $0x8, s22, s14, $0xb8;
	[tilespmem:$0x3F70] =	vst v63  }
0x88: {  	s22 =	sadd.s32 $0x100, s21  }
0x89: {  	[spmem:s1] =	stream.indirect.scatter.add.f32 [tilespmem:s12], [sflag:$0x1], $0x8, s22, s14, $0xb8;
	[tilespmem:$0x3F70] =	vst v63  }
0x8a: {  	s22 =	sadd.s32 $0x180, s21  }
0x8b: {  	[spmem:s1] =	stream.indirect.scatter.add.f32 [tilespmem:s12], [sflag:$0x1], $0x8, s22, s14, $0xb8;
	[tilespmem:$0x3F70] =	vst v63  }
0x8c: {  	s22 =	sadd.s32 $0x200, s21  }
0x8d: {  	[spmem:s1] =	stream.indirect.scatter.add.f32 [tilespmem:s12], [sflag:$0x1], $0x8, s22, s14, $0xb8;
	[tilespmem:$0x3F70] =	vst v63  }
0x8e: {  	s22 =	sadd.s32 $0x280, s21  }
0x8f: {  	[spmem:s1] =	stream.indirect.scatter.add.f32 [tilespmem:s12], [sflag:$0x1], $0x8, s22, s14, $0xb8;
	[tilespmem:$0x3F70] =	vst v63  }
0x90: {  	s22 =	sadd.s32 $0x300, s21  }
0x91: {  	[spmem:s1] =	stream.indirect.scatter.add.f32 [tilespmem:s12], [sflag:$0x1], $0x8, s22, s14, $0xb8;
	[tilespmem:$0x3F70] =	vst v63  }
0x92: {  	s22 =	sadd.s32 $0x380, s21  }
0x93: {  	[spmem:s1] =	stream.indirect.scatter.add.f32 [tilespmem:s12], [sflag:$0x1], $0x8, s22, s14, $0xb8;
	[tilespmem:$0x3F70] =	vst v63  }
0x94: {  	s22 =	sadd.s32 $0x400, s21  }
0x95: {  	[spmem:s1] =	stream.indirect.scatter.add.f32 [tilespmem:s12], [sflag:$0x1], $0x8, s22, s14, $0xb8;
	[tilespmem:$0x3F70] =	vst v63  }
0x96: {  	s22 =	sadd.s32 $0x480, s21  }
0x97: {  	[spmem:s1] =	stream.indirect.scatter.add.f32 [tilespmem:s12], [sflag:$0x1], $0x8, s22, s14, $0xb8;
	[tilespmem:$0x3F70] =	vst v63  }
0x98: {  	s22 =	sadd.s32 $0x500, s21  }
0x99: {  	[spmem:s1] =	stream.indirect.scatter.add.f32 [tilespmem:s12], [sflag:$0x1], $0x8, s22, s14, $0xb8;
	[tilespmem:$0x3F70] =	vst v63  }
0x9a: {  	s22 =	sadd.s32 $0x580, s21  }
0x9b: {  	[spmem:s1] =	stream.indirect.scatter.add.f32 [tilespmem:s12], [sflag:$0x1], $0x8, s22, s14, $0xb8;
	[tilespmem:$0x3F70] =	vst v63  }
0x9c: {  	s22 =	sadd.s32 $0x600, s21  }
0x9d: {  	[spmem:s1] =	stream.indirect.scatter.add.f32 [tilespmem:s12], [sflag:$0x1], $0x8, s22, s14, $0xb8;
	[tilespmem:$0x3F70] =	vst v63  }
0x9e: {  	s22 =	sadd.s32 $0x680, s21  }
0x9f: {  	[spmem:s1] =	stream.indirect.scatter.add.f32 [tilespmem:s12], [sflag:$0x1], $0x8, s22, s14, $0xb8;
	[tilespmem:$0x3F70] =	vst v63  }
0xa0: {  	s22 =	sadd.s32 $0x700, s21  }
0xa1: {  	[spmem:s1] =	stream.indirect.scatter.add.f32 [tilespmem:s12], [sflag:$0x1], $0x8, s22, s14, $0xb8;
	[tilespmem:$0x3F70] =	vst v63  }
0xa2: {  	s21 =	sadd.s32 $0x780, s21  }
0xa3: {  	[spmem:s1] =	stream.indirect.scatter.add.f32 [tilespmem:s12], [sflag:$0x1], $0x8, s21, s14, $0xb8;
	[tilespmem:$0x3F70] =	vst v63  }
0xa4: {  	_ =	swait.ge [sflag:s15], $0x3E8  }
0xa5: {  	[sflag:s15] =	ssyncset.done $0x0  }
0xa6: {  	[sflag:s15] =	ssyncadd.s32 $0xFFFFFC18  }
0xa7: {  	_ =	swait.ge [sflag:s15], $0x3E8  }
0xa8: {  	[sflag:s15] =	ssyncset.done $0x0  }
0xa9: {  	[sflag:s15] =	ssyncadd.s32 $0xFFFFFC18  }
0xaa: {  	_ =	swait.ge [sflag:s15], $0x3E8  }
0xab: {  	[sflag:s15] =	ssyncset.done $0x0  }
0xac: {  	[sflag:s15] =	ssyncadd.s32 $0xFFFFFC18  }
0xad: {  	_ =	swait.ge [sflag:s15], $0x3E8  }
0xae: {  	[sflag:s15] =	ssyncset.done $0x0  }
0xaf: {  	[sflag:s15] =	ssyncadd.s32 $0xFFFFFC18  }
0xb0: {  	_ =	swait.ge [sflag:s15], $0x3E8  }
0xb1: {  	[sflag:s15] =	ssyncset.done $0x0  }
0xb2: {  	[sflag:s15] =	ssyncadd.s32 $0xFFFFFC18  }
0xb3: {  	_ =	swait.ge [sflag:s15], $0x3E8  }
0xb4: {  	[sflag:s15] =	ssyncset.done $0x0  }
0xb5: {  	[sflag:s15] =	ssyncadd.s32 $0xFFFFFC18  }
0xb6: {  	_ =	swait.ge [sflag:s15], $0x3E8  }
0xb7: {  	[sflag:s15] =	ssyncset.done $0x0  }
0xb8: {  	[sflag:s15] =	ssyncadd.s32 $0xFFFFFC18  }
0xb9: {  	_ =	swait.ge [sflag:s15], $0x3E8  }
0xba: {  	[sflag:s15] =	ssyncset.done $0x0  }
0xbb: {  	[sflag:s15] =	ssyncadd.s32 $0xFFFFFC18  }
0xbc: {  	_ =	swait.ge [sflag:s15], $0x3E8  }
0xbd: {  	[sflag:s15] =	ssyncset.done $0x0  }
0xbe: {  	[sflag:s15] =	ssyncadd.s32 $0xFFFFFC18  }
0xbf: {  	_ =	swait.ge [sflag:s15], $0x3E8  }
0xc0: {  	[sflag:s15] =	ssyncset.done $0x0  }
0xc1: {  	[sflag:s15] =	ssyncadd.s32 $0xFFFFFC18  }
0xc2: {  	_ =	swait.ge [sflag:s15], $0x3E8  }
0xc3: {  	[sflag:s15] =	ssyncset.done $0x0  }
0xc4: {  	[sflag:s15] =	ssyncadd.s32 $0xFFFFFC18  }
0xc5: {  	_ =	swait.ge [sflag:s15], $0x3E8  }
0xc6: {  	[sflag:s15] =	ssyncset.done $0x0  }
0xc7: {  	[sflag:s15] =	ssyncadd.s32 $0xFFFFFC18  }
0xc8: {  	_ =	swait.ge [sflag:s15], $0x3E8  }
0xc9: {  	[sflag:s15] =	ssyncset.done $0x0  }
0xca: {  	[sflag:s15] =	ssyncadd.s32 $0xFFFFFC18  }
0xcb: {  	_ =	swait.ge [sflag:s15], $0x3E8  }
0xcc: {  	[sflag:s15] =	ssyncset.done $0x0  }
0xcd: {  	[sflag:s15] =	ssyncadd.s32 $0xFFFFFC18  }
.Ltmp2:
0xce: {  	_ =	swait.ge [sflag:s15], $0x3E8;
	(pc) =	sbr.rel @p1 .LBB2_6-.Ltmp2, $4  }
0xcf: {  	[sflag:s15] =	ssyncset.done $0x0  }
0xd0: {  	[sflag:s15] =	ssyncadd.s32 $0xFFFFFC18  }
0xd1: {  	_ =	swait.ge [sflag:s15], $0x3E8  }
0xd2: {  	s22 =	smov.u32 s20;
	[sflag:s15] =	ssyncset.done $0x0  }
0xd3: {  	s19 =	sshra.s32 s19, $0x2;
	[sflag:s15] =	ssyncadd.s32 $0xFFFFFC18  }
0xd4: {  	[spmem:s1] =	stream.indirect.scatter.add.f32 [tilespmem:s12], [sflag:$0x1], $0x8, s19, s14, $0xb8;
	[tilespmem:$0x3F70] =	vst v63  }
0xd5: {  	s20 =	sadd.s32 $0x80, s19  }
0xd6: {  	[spmem:s1] =	stream.indirect.scatter.add.f32 [tilespmem:s12], [sflag:$0x1], $0x8, s20, s14, $0xb8;
	[tilespmem:$0x3F70] =	vst v63  }
0xd7: {  	s29 =	sadd.s32 $0x100, s19  }
0xd8: {  	[spmem:s1] =	stream.indirect.scatter.add.f32 [tilespmem:s12], [sflag:$0x1], $0x8, s29, s14, $0xb8;
	[tilespmem:$0x3F70] =	vst v63  }
0xd9: {  	s30 =	sadd.s32 $0x180, s19  }
0xda: {  	[spmem:s1] =	stream.indirect.scatter.add.f32 [tilespmem:s12], [sflag:$0x1], $0x8, s30, s14, $0xb8;
	[tilespmem:$0x3F70] =	vst v63  }
0xdb: {  	s31 =	sadd.s32 $0x200, s19  }
0xdc: {  	[spmem:s1] =	stream.indirect.scatter.add.f32 [tilespmem:s12], [sflag:$0x1], $0x8, s31, s14, $0xb8;
	[tilespmem:$0x3F70] =	vst v63  }
0xdd: {  	s21 =	sadd.s32 $0x280, s19  }
0xde: {  	[spmem:s1] =	stream.indirect.scatter.add.f32 [tilespmem:s12], [sflag:$0x1], $0x8, s21, s14, $0xb8;
	[tilespmem:$0x3F70] =	vst v63  }
0xdf: {  	s22 =	sadd.s32 $0x300, s19  }
0xe0: {  	[spmem:s1] =	stream.indirect.scatter.add.f32 [tilespmem:s12], [sflag:$0x1], $0x8, s22, s14, $0xb8;
	[tilespmem:$0x3F70] =	vst v63  }
0xe1: {  	s23 =	sadd.s32 $0x380, s19  }
0xe2: {  	[spmem:s1] =	stream.indirect.scatter.add.f32 [tilespmem:s12], [sflag:$0x1], $0x8, s23, s14, $0xb8;
	[tilespmem:$0x3F70] =	vst v63  }
0xe3: {  	s24 =	sadd.s32 $0x400, s19  }
0xe4: {  	[spmem:s1] =	stream.indirect.scatter.add.f32 [tilespmem:s12], [sflag:$0x1], $0x8, s24, s14, $0xb8;
	[tilespmem:$0x3F70] =	vst v63  }
0xe5: {  	s25 =	sadd.s32 $0x480, s19  }
0xe6: {  	[spmem:s1] =	stream.indirect.scatter.add.f32 [tilespmem:s12], [sflag:$0x1], $0x8, s25, s14, $0xb8;
	[tilespmem:$0x3F70] =	vst v63  }
0xe7: {  	s26 =	sadd.s32 $0x500, s19  }
0xe8: {  	[spmem:s1] =	stream.indirect.scatter.add.f32 [tilespmem:s12], [sflag:$0x1], $0x8, s26, s14, $0xb8;
	[tilespmem:$0x3F70] =	vst v63  }
0xe9: {  	s28 =	sadd.s32 $0x580, s19  }
0xea: {  	[spmem:s1] =	stream.indirect.scatter.add.f32 [tilespmem:s12], [sflag:$0x1], $0x8, s28, s14, $0xb8;
	[tilespmem:$0x3F70] =	vst v63  }
0xeb: {  	s29 =	sadd.s32 $0x600, s19  }
0xec: {  	[spmem:s1] =	stream.indirect.scatter.add.f32 [tilespmem:s12], [sflag:$0x1], $0x8, s29, s14, $0xb8;
	[tilespmem:$0x3F70] =	vst v63  }
0xed: {  	s30 =	sadd.s32 $0x680, s19  }
0xee: {  	[spmem:s1] =	stream.indirect.scatter.add.f32 [tilespmem:s12], [sflag:$0x1], $0x8, s30, s14, $0xb8;
	[tilespmem:$0x3F70] =	vst v63  }
0xef: {  	s31 =	sadd.s32 $0x700, s19  }
0xf0: {  	[spmem:s1] =	stream.indirect.scatter.add.f32 [tilespmem:s12], [sflag:$0x1], $0x8, s31, s14, $0xb8;
	[tilespmem:$0x3F70] =	vst v63  }
0xf1: {  	s19 =	sadd.s32 $0x780, s19  }
0xf2: {  	[spmem:s1] =	stream.indirect.scatter.add.f32 [tilespmem:s12], [sflag:$0x1], $0x8, s19, s14, $0xb8;
	[tilespmem:$0x3F70] =	vst v63  }
0xf3: {  	_ =	swait.ge [sflag:s15], $0x3E8  }
0xf4: {  	[sflag:s15] =	ssyncset.done $0x0  }
0xf5: {  	[sflag:s15] =	ssyncadd.s32 $0xFFFFFC18  }
0xf6: {  	_ =	swait.ge [sflag:s15], $0x3E8  }
0xf7: {  	[sflag:s15] =	ssyncset.done $0x0  }
0xf8: {  	[sflag:s15] =	ssyncadd.s32 $0xFFFFFC18  }
0xf9: {  	_ =	swait.ge [sflag:s15], $0x3E8  }
0xfa: {  	[sflag:s15] =	ssyncset.done $0x0  }
0xfb: {  	[sflag:s15] =	ssyncadd.s32 $0xFFFFFC18  }
0xfc: {  	_ =	swait.ge [sflag:s15], $0x3E8  }
0xfd: {  	[sflag:s15] =	ssyncset.done $0x0  }
0xfe: {  	[sflag:s15] =	ssyncadd.s32 $0xFFFFFC18  }
0xff: {  	_ =	swait.ge [sflag:s15], $0x3E8  }
0x100: {  	[sflag:s15] =	ssyncset.done $0x0  }
0x101: {  	[sflag:s15] =	ssyncadd.s32 $0xFFFFFC18  }
0x102: {  	_ =	swait.ge [sflag:s15], $0x3E8  }
0x103: {  	[sflag:s15] =	ssyncset.done $0x0  }
0x104: {  	[sflag:s15] =	ssyncadd.s32 $0xFFFFFC18  }
0x105: {  	_ =	swait.ge [sflag:s15], $0x3E8  }
0x106: {  	[sflag:s15] =	ssyncset.done $0x0  }
0x107: {  	[sflag:s15] =	ssyncadd.s32 $0xFFFFFC18  }
0x108: {  	_ =	swait.ge [sflag:s15], $0x3E8  }
0x109: {  	[sflag:s15] =	ssyncset.done $0x0  }
0x10a: {  	[sflag:s15] =	ssyncadd.s32 $0xFFFFFC18  }
0x10b: {  	_ =	swait.ge [sflag:s15], $0x3E8  }
0x10c: {  	[sflag:s15] =	ssyncset.done $0x0  }
0x10d: {  	[sflag:s15] =	ssyncadd.s32 $0xFFFFFC18  }
0x10e: {  	_ =	swait.ge [sflag:s15], $0x3E8  }
0x10f: {  	[sflag:s15] =	ssyncset.done $0x0  }
0x110: {  	[sflag:s15] =	ssyncadd.s32 $0xFFFFFC18  }
0x111: {  	_ =	swait.ge [sflag:s15], $0x3E8  }
0x112: {  	[sflag:s15] =	ssyncset.done $0x0  }
0x113: {  	[sflag:s15] =	ssyncadd.s32 $0xFFFFFC18  }
0x114: {  	_ =	swait.ge [sflag:s15], $0x3E8  }
0x115: {  	[sflag:s15] =	ssyncset.done $0x0  }
0x116: {  	[sflag:s15] =	ssyncadd.s32 $0xFFFFFC18  }
0x117: {  	_ =	swait.ge [sflag:s15], $0x3E8  }
0x118: {  	[sflag:s15] =	ssyncset.done $0x0  }
0x119: {  	[sflag:s15] =	ssyncadd.s32 $0xFFFFFC18  }
0x11a: {  	_ =	swait.ge [sflag:s15], $0x3E8  }
0x11b: {  	[sflag:s15] =	ssyncset.done $0x0  }
0x11c: {  	[sflag:s15] =	ssyncadd.s32 $0xFFFFFC18  }
0x11d: {  	_ =	swait.ge [sflag:s15], $0x3E8  }
0x11e: {  	[sflag:s15] =	ssyncset.done $0x0  }
0x11f: {  	[sflag:s15] =	ssyncadd.s32 $0xFFFFFC18  }
0x120: {  	_ =	swait.ge [sflag:s15], $0x3E8  }
0x121: {  	[sflag:s15] =	ssyncset.done $0x0  }
0x122: {  	[sflag:s15] =	ssyncadd.s32 $0xFFFFFC18  }
0x123: {  	[bflag:$0x0] =	sbarrier.arrive $0xFFFF  }
0x124: {  	[hbm:s9], [sflag:s16] =	dma.local [spmem:s17], $0x270  }
0x125: {  	s2 =	sadd.s32 $0x1, s2;
	_ =	swait.ge [sflag:s13], $0x270  }
0x126: {  	p1 =	sne.s32 s2, s11;
	[sflag:s13] =	ssyncset.done $0x0  }
.Ltmp3:
0x127: {  	s19 =	simm.s32 @!p0 $0x2;
	[sflag:s13] =	ssyncadd.s32 $0xFFFFFD90;
	(pc) =	sbr.rel @p1 .LBB2_1-.Ltmp3, $4  }
0x128: {  	[hbm:s10], [sflag:s16] =	dma.local @!p0 [spmem:s18], $0x10  }
0x129: {  	_ =	swait.ge @!p0 [sflag:s19], $0x10  }
0x12a: {  	[sflag:s19] =	ssyncset.done @!p0 $0x0  }
0x12b: {  	[sflag:s19] =	ssyncadd.s32 @!p0 $0xFFFFFFF0  }
0x12c: {  	_ =	sfence.sel $0x180000  }
0x12d: {  	[bflag:$0x0] =	sbarrier.arrive $0xFFFF  }
0x12e: {  	_ =	strace $0x90000047  }
0x12f: {  	s0 =	sadd.s32 @!p0 $0x100000, s0;
	[bflag:$0x2] =	sbarrier.arrive $0xFFFF  }
0x130: {  	[sflag:s0] =	ssyncadd.tile.s32 @!p0 $0x1;
	_ =	shalt  }
.Lfunc_end2:
_tile_overlayer_lowered:
.L_overlay_start_2:
0x131: {  	(tag) =	ssettag $0x2  }
0x132: {  	s0 =	rddreg [dreg:$0x0];
	s2 =	stileid.u32  }
0x133: {  	s1 =	rddreg [dreg:$0x1];
	p0 =	sne.s32 s2, $0x0  }
0x134: {  	s3 =	rddreg [dreg:$0x2];
	[bflag:$0x3] =	sbarrier.arrive $0xFFFF;
	s2 =	simm.s32 @!p0 $0x1C02  }
0x135: {  	[timem:s3], [sflag:s2] =	dma.local @!p0 [hbm:s0], s1  }
0x136: {  	s0 =	simm.s32 @!p0 $0x2  }
0x137: {  	_ =	swait.ge @!p0 [sflag:s0], s1  }
0x138: {  	s1 =	ssub.s32 @!p0 $0x0, s1;
	[sflag:s0] =	ssyncset.done @!p0 $0x0  }
0x139: {  	[sflag:s0] =	ssyncadd.s32 @!p0 s1  }
0x13a: {  	[bflag:$0x3] =	sbarrier.arrive $0xFFFF  }
0x13b: {  	_ =	shalt  }

</sc_bundles>
